<compile_context>
chip_gen: v7x
topology: tpu7x:2x2x1
jax: 0.10.2.dev20260603
libtpu: 0.0.44.dev20260713+nightly
codegen_flags: <defaults>
</compile_context>

<pallas_src>
import functools

import jax
import jax.numpy as jnp
import numpy as np
from jax import lax
from jax.experimental import pallas as pl
from jax.experimental.pallas import tpu as pltpu
from jax.experimental.pallas import tpu_sc as plsc

ROWS, COLS = 100, 100
N = ROWS * COLS
B = 16
H = 16
NEIGH = 8

_DR = np.array([-1, -1, -1, 0, 0, 1, 1, 1])
_DC = np.array([-1, 0, 1, -1, 1, -1, 0, 1])
OFFS = (_DR * COLS + _DC).astype(np.int64)

_r = np.arange(N) // COLS
_c = np.arange(N) % COLS
MASK_NP = np.stack(
    [((_r + dr >= 0) & (_r + dr < ROWS) & (_c + dc >= 0) & (_c + dc < COLS))
     for dr, dc in zip(_DR, _DC)], axis=0).astype(np.float32)

NSC = 9856
SPLIT = 4992
H1 = NSC - SPLIT
W0_STEP = SPLIT - 128
WINSRC = 5120
PAD = 128
GROUPS = SPLIT // 16

TAIL = N - NSC
TSRC0 = NSC - 256
TSRC = N - TSRC0


def _sc_exchange_body(lat_hbm, mask_hbm, out_hbm, win_v, mask_v, out_v, sem):
    b = lax.axis_index("s")
    half = lax.axis_index("c")
    w0 = half * W0_STEP

    cp_win = pltpu.async_copy(lat_hbm.at[b, :, pl.ds(w0, WINSRC)],
                              win_v.at[:, pl.ds(PAD, WINSRC)], sem)
    zeros16 = jnp.zeros((16,), jnp.float32)
    for d in range(NEIGH):
        for k in range(PAD // 16):
            win_v[d, pl.ds(16 * k, 16)] = zeros16
            win_v[d, pl.ds(PAD + WINSRC + 16 * k, 16)] = zeros16
    pltpu.sync_copy(mask_hbm.at[:, pl.ds(half * SPLIT, SPLIT)], mask_v)
    cp_win.wait()

    iota = lax.iota(jnp.int32, 16)
    idx_a, idx_b, sel, qs = [], [], [], []
    for d in range(NEIGH):
        q, r = divmod(int(OFFS[d]), 16)
        qs.append(q)
        idx_a.append(jnp.minimum(iota + r, 15))
        idx_b.append(jnp.maximum(iota + (r - 16), 0))
        sel.append(iota < (16 - r))

    @plsc.parallel_loop(0, GROUPS, step=1, unroll=8)
    def _loop(j):
        s0 = 16 * j + 128 * half + PAD
        for d in range(NEIGH):
            base = s0 + 16 * qs[d]
            a = win_v[d, pl.ds(base, 16)]
            b2 = win_v[d, pl.ds(base + 16, 16)]
            v = jnp.where(
                sel[d],
                a.at[idx_a[d]].get(mode="promise_in_bounds"),
                b2.at[idx_b[d]].get(mode="promise_in_bounds"))
            m = mask_v[d, pl.ds(16 * j, 16)]
            out_v[d, pl.ds(16 * j, 16)] = v * m

    @pl.when(half == 0)
    def _():
        pltpu.sync_copy(out_v, out_hbm.at[b, :, pl.ds(0, SPLIT)])

    @pl.when(half == 1)
    def _():
        pltpu.sync_copy(out_v.at[:, pl.ds(0, H1)],
                        out_hbm.at[b, :, pl.ds(SPLIT, H1)])


_sc_exchange = functools.partial(
    pl.kernel,
    out_type=jax.ShapeDtypeStruct((B, NEIGH, NSC), jnp.float32),
    mesh=plsc.VectorSubcoreMesh(core_axis_name="c", subcore_axis_name="s"),
    scratch_types=[
        pltpu.VMEM((NEIGH, PAD + WINSRC + PAD), jnp.float32),
        pltpu.VMEM((NEIGH, SPLIT), jnp.float32),
        pltpu.VMEM((NEIGH, SPLIT), jnp.float32),
        pltpu.SemaphoreType.DMA,
    ],
)(_sc_exchange_body)


def _lstm_body(dyn_ref, latin_ref, tail_ref, tmask_ref, h_ref, c_ref,
               wih_ref, whh_ref, b_ref, wout_ref, bout_ref,
               dyn_out_ref, lat_out_ref, h_out_ref, c_out_ref, latin_out_ref):
    h = h_ref[0]
    c = c_ref[0]
    tail = tail_ref[0]

    shifted = []
    for d in range(NEIGH):
        off = int(OFFS[d])
        row = tail[d:d + 1]
        if off > 0:
            s = jnp.concatenate(
                [row[:, off:], jnp.zeros((1, off), jnp.float32)], axis=1)
        else:
            s = jnp.concatenate(
                [jnp.zeros((1, -off), jnp.float32), row[:, :off]], axis=1)
        shifted.append(s[:, NSC - TSRC0:])
    tail_lat = jnp.concatenate(shifted, axis=0) * tmask_ref[...]

    lat_in = jnp.concatenate([latin_ref[0], tail_lat], axis=1)
    latin_out_ref[0] = lat_in

    x9 = jnp.concatenate([dyn_ref[0], lat_in], axis=0)
    gates = (jnp.dot(wih_ref[...], x9, preferred_element_type=jnp.float32)
             + jnp.dot(whh_ref[...], h, preferred_element_type=jnp.float32)
             + b_ref[...])
    i_g = jax.nn.sigmoid(gates[0 * H:1 * H])
    f_g = jax.nn.sigmoid(gates[1 * H:2 * H])
    g_g = jnp.tanh(gates[2 * H:3 * H])
    o_g = jax.nn.sigmoid(gates[3 * H:4 * H])
    c_new = f_g * c + i_g * g_g
    h_new = o_g * jnp.tanh(c_new)
    out = jnp.tanh(jnp.dot(wout_ref[...], h_new,
                           preferred_element_type=jnp.float32) + bout_ref[...])
    dyn_out_ref[0] = out[0:1]
    lat_out_ref[0] = out[1:]
    h_out_ref[0] = h_new
    c_out_ref[0] = c_new


def kernel(dyn_in, pk_lat_in, pk_lat_out, pk_lstm_h, pk_lstm_c,
           pos0, coming_from, going_to, W_ih, W_hh, b, W_out, b_out):
    del pk_lat_in, pos0, coming_from, going_to

    dyn_t = dyn_in.reshape(B, 1, N)
    lat_t = jnp.transpose(pk_lat_out, (0, 2, 1))
    h_t = jnp.transpose(pk_lstm_h, (0, 2, 1))
    c_t = jnp.transpose(pk_lstm_c, (0, 2, 1))

    lat_in_sc = _sc_exchange(lat_t, jnp.asarray(MASK_NP[:, :NSC]))
    lat_tail_src = lax.slice(lat_t, (0, 0, TSRC0), (B, NEIGH, N))

    bspec = lambda f, n: pl.BlockSpec((1, f, n), lambda i: (i, 0, 0))
    fixed = lambda a, bd: pl.BlockSpec((a, bd), lambda i: (0, 0))

    dyn_o, lat_o, h_o, c_o, lat_in_o = pl.pallas_call(
        _lstm_body,
        grid=(B,),
        in_specs=[bspec(1, N), bspec(NEIGH, NSC), bspec(NEIGH, TSRC),
                  fixed(NEIGH, TAIL), bspec(H, N), bspec(H, N),
                  fixed(4 * H, NEIGH + 1), fixed(4 * H, H), fixed(4 * H, 1),
                  fixed(NEIGH + 1, H), fixed(NEIGH + 1, 1)],
        out_specs=[bspec(1, N), bspec(NEIGH, N), bspec(H, N), bspec(H, N),
                   bspec(NEIGH, N)],
        out_shape=[
            jax.ShapeDtypeStruct((B, 1, N), jnp.float32),
            jax.ShapeDtypeStruct((B, NEIGH, N), jnp.float32),
            jax.ShapeDtypeStruct((B, H, N), jnp.float32),
            jax.ShapeDtypeStruct((B, H, N), jnp.float32),
            jax.ShapeDtypeStruct((B, NEIGH, N), jnp.float32),
        ],
    )(dyn_t, lat_in_sc, lat_tail_src, jnp.asarray(MASK_NP[:, NSC:]), h_t, c_t,
      W_ih.T, W_hh.T, b.reshape(4 * H, 1), W_out.T,
      b_out.reshape(NEIGH + 1, 1))

    tr = lambda x: jnp.transpose(x, (0, 2, 1))
    return (tr(dyn_o), tr(lat_o), tr(h_o), tr(c_o), tr(lat_in_o))

# --- scband reference (transcript-rebuilt; emitter-appended) ---
"""Pipeline reference for scband-kernel-network-10737418240221 (READ-ONLY COPY).

The authoritative reference and input builder live on the scoring server;
editing this copy changes nothing except your own understanding.
"""

import jax, jax.numpy as jnp
import numpy as np

ROWS, COLS = 100, 100
N = ROWS * COLS
B = 16
H = 16
NEIGH = 8
IN_SIZE = NEIGH + 1  # dyn(1) + 8 lateral


def _grid_edges():
    # direction codes as in the torch code: top left=1, top=2, top right=3,
    # left=4, right=5, bottom left=6, bottom=7, bottom right=8
    offsets = [(-1, -1, 1), (-1, 0, 2), (-1, 1, 3), (0, -1, 4),
               (0, 1, 5), (1, -1, 6), (1, 0, 7), (1, 1, 8)]
    r = np.repeat(np.arange(ROWS), COLS)
    c = np.tile(np.arange(COLS), ROWS)
    pos0_l, from_l, dir_l = [], [], []
    for dr, dc, code in offsets:
        nr, nc = r + dr, c + dc
        m = (nr >= 0) & (nr < ROWS) & (nc >= 0) & (nc < COLS)
        pos0_l.append((r[m] * COLS + c[m]).astype(np.int64))
        from_l.append((nr[m] * COLS + nc[m]).astype(np.int64))
        dir_l.append(np.full(m.sum(), code - 1, dtype=np.int64))
    return (np.concatenate(pos0_l), np.concatenate(from_l), np.concatenate(dir_l))


def setup_inputs(seed: int = 0) -> dict:
    key = jax.random.key(seed)
    ks = jax.random.split(key, 10)
    pos0, coming_from, going_to = _grid_edges()
    return {
        "dyn_in": jax.random.normal(ks[0], (B, N), dtype=jnp.float32),
        "pk_lat_in": jnp.zeros((B, N, NEIGH), dtype=jnp.float32),
        "pk_lat_out": jax.random.normal(ks[1], (B, N, NEIGH), dtype=jnp.float32),
        "pk_lstm_h": jax.random.normal(ks[2], (B, N, H), dtype=jnp.float32),
        "pk_lstm_c": jax.random.normal(ks[3], (B, N, H), dtype=jnp.float32),
        "pos0": jnp.asarray(pos0),
        "coming_from": jnp.asarray(coming_from),
        "going_to": jnp.asarray(going_to),
        "W_ih": jax.random.normal(ks[4], (IN_SIZE, 4 * H), dtype=jnp.float32) * 0.1,
        "W_hh": jax.random.normal(ks[5], (H, 4 * H), dtype=jnp.float32) * 0.1,
        "b": jnp.zeros((4 * H,), dtype=jnp.float32),
        "W_out": jax.random.normal(ks[6], (H, IN_SIZE), dtype=jnp.float32) * 0.1,
        "b_out": jnp.zeros((IN_SIZE,), dtype=jnp.float32),
    }


def reference(dyn_in, pk_lat_in, pk_lat_out, pk_lstm_h, pk_lstm_c,
              pos0, coming_from, going_to, W_ih, W_hh, b, W_out, b_out):
    # Lateral information exchange: gather from source PKs, scatter into
    # the destination PK lateral input slots (SparseCore gather + scatter-set).
    lat_vals = pk_lat_out[:, coming_from, going_to]            # [B, E]
    pk_lat_in = pk_lat_in.at[:, pos0, going_to].set(lat_vals)   # [B, N, 8]

    # Concatenate dynamic input with lateral inputs
    input_ = jnp.concatenate([dyn_in[:, :, None], pk_lat_in], axis=2)  # [B, N, 9]

    # Shared-weight LSTM cell applied to every PK in parallel
    gates = input_ @ W_ih + pk_lstm_h @ W_hh + b                # [B, N, 4H]
    i_g, f_g, g_g, o_g = jnp.split(gates, 4, axis=-1)
    i_g = jax.nn.sigmoid(i_g)
    f_g = jax.nn.sigmoid(f_g)
    g_g = jnp.tanh(g_g)
    o_g = jax.nn.sigmoid(o_g)
    pk_lstm_c_new = f_g * pk_lstm_c + i_g * g_g
    pk_lstm_h_new = o_g * jnp.tanh(pk_lstm_c_new)

    # Output projection -> dynamic output (size 1) + lateral outputs (size 8)
    pk_output = jnp.tanh(pk_lstm_h_new @ W_out + b_out)         # [B, N, 9]
    pk_dyn_out = pk_output[:, :, :1]
    pk_lat_out_new = pk_output[:, :, 1:]
    return (pk_dyn_out, pk_lat_out_new, pk_lstm_h_new, pk_lstm_c_new, pk_lat_in)

if __name__ == "__main__":
    import jax
    _d = setup_inputs()
    print(jax.jit(kernel)(*tuple(_d.values())))

</pallas_src>

<mosaic_0001>
#map = affine_map<(d0, d1) -> (0, 0, 0)>
#map1 = affine_map<(d0, d1) -> (0, 0)>
module attributes {stable_mosaic.version = 14 : i64} {
  func.func @_sc_exchange_body(%arg0: i32, %arg1: i32, %arg2: memref<16x8x10000xf32, #tpu.memory_space<hbm>>, %arg3: memref<8x9856xf32, #tpu.memory_space<hbm>>, %arg4: memref<16x8x9856xf32, #tpu.memory_space<hbm>>, %arg5: memref<8x5376xf32, #tpu.memory_space<vmem>>, %arg6: memref<8x4992xf32, #tpu.memory_space<vmem>>, %arg7: memref<8x4992xf32, #tpu.memory_space<vmem>>, %arg8: memref<!tpu.dma_semaphore, #tpu.memory_space<semaphore_mem>>) attributes {dimension_semantics = [#tpu.dimension_semantics<core_parallel>, #tpu.dimension_semantics<subcore_parallel>], iteration_bounds = array<i64: 2, 16>, scalar_prefetch = 0 : i64, scratch_operands = 4 : i64, tpu.core_type = #tpu.core_type<sc_vector_subcore>, window_params = [{transform_indices = #map}, {transform_indices = #map1}, {transform_indices = #map}]} {
    %mul3A = arith.constant 4864 : i32
    %mul3A_0 = arith.muli %arg0, %mul3A : i32
    %dma_start3A = arith.constant 0 : i32
    %dma_start3A_1 = arith.constant 128 : i32
    %dma_start3A_2 = tpu.memref_slice %arg5[%dma_start3A, %dma_start3A_1] : memref<8x5376xf32, #tpu.memory_space<vmem>> -> memref<8x5120xf32, #tpu.memory_space<vmem>>
    %dma_start3A_3 = arith.constant 0 : i32
    %dma_start3A_4 = tpu.memref_slice %arg2[%arg1, %dma_start3A_3, %mul3A_0] : memref<16x8x10000xf32, #tpu.memory_space<hbm>> -> memref<1x8x5120xf32, #tpu.memory_space<hbm>>
    %dma_start3A_5 = tpu.memref_squeeze %dma_start3A_4 : memref<1x8x5120xf32, #tpu.memory_space<hbm>> -> memref<8x5120xf32, #tpu.memory_space<hbm>>
    %dma_start3A_6 = arith.constant 0 : i32
    %dma_start3A_7 = arith.constant 128 : i32
    %dma_start3A_8 = tpu.memref_slice %arg5[%dma_start3A_6, %dma_start3A_7] : memref<8x5376xf32, #tpu.memory_space<vmem>> -> memref<8x5120xf32, #tpu.memory_space<vmem>>
    %dma_start3A_9 = arith.constant 0 : i32
    %dma_start3A_10 = tpu.memref_slice %arg2[%arg1, %dma_start3A_9, %mul3A_0] : memref<16x8x10000xf32, #tpu.memory_space<hbm>> -> memref<1x8x5120xf32, #tpu.memory_space<hbm>>
    %dma_start3A_11 = tpu.memref_squeeze %dma_start3A_10 : memref<1x8x5120xf32, #tpu.memory_space<hbm>> -> memref<8x5120xf32, #tpu.memory_space<hbm>>
    tpu.enqueue_dma source(%dma_start3A_11 : memref<8x5120xf32, #tpu.memory_space<hbm>>) target(%dma_start3A_8 : memref<8x5120xf32, #tpu.memory_space<vmem>>) target_semaphore(%arg8 : memref<!tpu.dma_semaphore, #tpu.memory_space<semaphore_mem>>)
    %broadcast_in_dim3A = arith.constant 0.000000e+00 : f32
    %broadcast_in_dim3A_12 = vector.broadcast %broadcast_in_dim3A : f32 to vector<16xf32>
    %swap3A = arith.constant 0 : i32
    %swap3A_13 = arith.index_cast %swap3A : i32 to index
    %swap3A_14 = arith.constant 0 : index
    %swap3A_15 = tpu.vector_load %arg5[%swap3A_13, %swap3A_14] {strides = array<i32>} : memref<8x5376xf32, #tpu.memory_space<vmem>>, vector<1x16xf32>,
    %swap3A_16 = vector.shape_cast %swap3A_15 : vector<1x16xf32> to vector<16xf32>
    %swap3A_17 = vector.shape_cast %broadcast_in_dim3A_12 : vector<16xf32> to vector<1x16xf32>
    tpu.vector_store %arg5[%swap3A_13, %swap3A_14], %swap3A_17 {strides = array<i32>} : memref<8x5376xf32, #tpu.memory_space<vmem>>, vector<1x16xf32>,
    %swap3A_18 = arith.constant 0 : i32
    %swap3A_19 = arith.index_cast %swap3A_18 : i32 to index
    %swap3A_20 = arith.constant 5248 : index
    %swap3A_21 = tpu.vector_load %arg5[%swap3A_19, %swap3A_20] {strides = array<i32>} : memref<8x5376xf32, #tpu.memory_space<vmem>>, vector<1x16xf32>,
    %swap3A_22 = vector.shape_cast %swap3A_21 : vector<1x16xf32> to vector<16xf32>
    %swap3A_23 = vector.shape_cast %broadcast_in_dim3A_12 : vector<16xf32> to vector<1x16xf32>
    tpu.vector_store %arg5[%swap3A_19, %swap3A_20], %swap3A_23 {strides = array<i32>} : memref<8x5376xf32, #tpu.memory_space<vmem>>, vector<1x16xf32>,
    %swap3A_24 = arith.constant 0 : i32
    %swap3A_25 = arith.index_cast %swap3A_24 : i32 to index
    %swap3A_26 = arith.constant 16 : index
    %swap3A_27 = tpu.vector_load %arg5[%swap3A_25, %swap3A_26] {strides = array<i32>} : memref<8x5376xf32, #tpu.memory_space<vmem>>, vector<1x16xf32>,
    %swap3A_28 = vector.shape_cast %swap3A_27 : vector<1x16xf32> to vector<16xf32>
    %swap3A_29 = vector.shape_cast %broadcast_in_dim3A_12 : vector<16xf32> to vector<1x16xf32>
    tpu.vector_store %arg5[%swap3A_25, %swap3A_26], %swap3A_29 {strides = array<i32>} : memref<8x5376xf32, #tpu.memory_space<vmem>>, vector<1x16xf32>,
    %swap3A_30 = arith.constant 0 : i32
    %swap3A_31 = arith.index_cast %swap3A_30 : i32 to index
    %swap3A_32 = arith.constant 5264 : index
    %swap3A_33 = tpu.vector_load %arg5[%swap3A_31, %swap3A_32] {strides = array<i32>} : memref<8x5376xf32, #tpu.memory_space<vmem>>, vector<1x16xf32>,
    %swap3A_34 = vector.shape_cast %swap3A_33 : vector<1x16xf32> to vector<16xf32>
    %swap3A_35 = vector.shape_cast %broadcast_in_dim3A_12 : vector<16xf32> to vector<1x16xf32>
    tpu.vector_store %arg5[%swap3A_31, %swap3A_32], %swap3A_35 {strides = array<i32>} : memref<8x5376xf32, #tpu.memory_space<vmem>>, vector<1x16xf32>,
    %swap3A_36 = arith.constant 0 : i32
    %swap3A_37 = arith.index_cast %swap3A_36 : i32 to index
    %swap3A_38 = arith.constant 32 : index
    %swap3A_39 = tpu.vector_load %arg5[%swap3A_37, %swap3A_38] {strides = array<i32>} : memref<8x5376xf32, #tpu.memory_space<vmem>>, vector<1x16xf32>,
    %swap3A_40 = vector.shape_cast %swap3A_39 : vector<1x16xf32> to vector<16xf32>
    %swap3A_41 = vector.shape_cast %broadcast_in_dim3A_12 : vector<16xf32> to vector<1x16xf32>
    tpu.vector_store %arg5[%swap3A_37, %swap3A_38], %swap3A_41 {strides = array<i32>} : memref<8x5376xf32, #tpu.memory_space<vmem>>, vector<1x16xf32>,
    %swap3A_42 = arith.constant 0 : i32
    %swap3A_43 = arith.index_cast %swap3A_42 : i32 to index
    %swap3A_44 = arith.constant 5280 : index
    %swap3A_45 = tpu.vector_load %arg5[%swap3A_43, %swap3A_44] {strides = array<i32>} : memref<8x5376xf32, #tpu.memory_space<vmem>>, vector<1x16xf32>,
    %swap3A_46 = vector.shape_cast %swap3A_45 : vector<1x16xf32> to vector<16xf32>
    %swap3A_47 = vector.shape_cast %broadcast_in_dim3A_12 : vector<16xf32> to vector<1x16xf32>
    tpu.vector_store %arg5[%swap3A_43, %swap3A_44], %swap3A_47 {strides = array<i32>} : memref<8x5376xf32, #tpu.memory_space<vmem>>, vector<1x16xf32>,
    %swap3A_48 = arith.constant 0 : i32
    %swap3A_49 = arith.index_cast %swap3A_48 : i32 to index
    %swap3A_50 = arith.constant 48 : index
    %swap3A_51 = tpu.vector_load %arg5[%swap3A_49, %swap3A_50] {strides = array<i32>} : memref<8x5376xf32, #tpu.memory_space<vmem>>, vector<1x16xf32>,
    %swap3A_52 = vector.shape_cast %swap3A_51 : vector<1x16xf32> to vector<16xf32>
    %swap3A_53 = vector.shape_cast %broadcast_in_dim3A_12 : vector<16xf32> to vector<1x16xf32>
    tpu.vector_store %arg5[%swap3A_49, %swap3A_50], %swap3A_53 {strides = array<i32>} : memref<8x5376xf32, #tpu.memory_space<vmem>>, vector<1x16xf32>,
    %swap3A_54 = arith.constant 0 : i32
    %swap3A_55 = arith.index_cast %swap3A_54 : i32 to index
    %swap3A_56 = arith.constant 5296 : index
    %swap3A_57 = tpu.vector_load %arg5[%swap3A_55, %swap3A_56] {strides = array<i32>} : memref<8x5376xf32, #tpu.memory_space<vmem>>, vector<1x16xf32>,
    %swap3A_58 = vector.shape_cast %swap3A_57 : vector<1x16xf32> to vector<16xf32>
    %swap3A_59 = vector.shape_cast %broadcast_in_dim3A_12 : vector<16xf32> to vector<1x16xf32>
    tpu.vector_store %arg5[%swap3A_55, %swap3A_56], %swap3A_59 {strides = array<i32>} : memref<8x5376xf32, #tpu.memory_space<vmem>>, vector<1x16xf32>,
    %swap3A_60 = arith.constant 0 : i32
    %swap3A_61 = arith.index_cast %swap3A_60 : i32 to index
    %swap3A_62 = arith.constant 64 : index
    %swap3A_63 = tpu.vector_load %arg5[%swap3A_61, %swap3A_62] {strides = array<i32>} : memref<8x5376xf32, #tpu.memory_space<vmem>>, vector<1x16xf32>,
    %swap3A_64 = vector.shape_cast %swap3A_63 : vector<1x16xf32> to vector<16xf32>
    %swap3A_65 = vector.shape_cast %broadcast_in_dim3A_12 : vector<16xf32> to vector<1x16xf32>
    tpu.vector_store %arg5[%swap3A_61, %swap3A_62], %swap3A_65 {strides = array<i32>} : memref<8x5376xf32, #tpu.memory_space<vmem>>, vector<1x16xf32>,
    %swap3A_66 = arith.constant 0 : i32
    %swap3A_67 = arith.index_cast %swap3A_66 : i32 to index
    %swap3A_68 = arith.constant 5312 : index
    %swap3A_69 = tpu.vector_load %arg5[%swap3A_67, %swap3A_68] {strides = array<i32>} : memref<8x5376xf32, #tpu.memory_space<vmem>>, vector<1x16xf32>,
    %swap3A_70 = vector.shape_cast %swap3A_69 : vector<1x16xf32> to vector<16xf32>
    %swap3A_71 = vector.shape_cast %broadcast_in_dim3A_12 : vector<16xf32> to vector<1x16xf32>
    tpu.vector_store %arg5[%swap3A_67, %swap3A_68], %swap3A_71 {strides = array<i32>} : memref<8x5376xf32, #tpu.memory_space<vmem>>, vector<1x16xf32>,
    %swap3A_72 = arith.constant 0 : i32
    %swap3A_73 = arith.index_cast %swap3A_72 : i32 to index
    %swap3A_74 = arith.constant 80 : index
    %swap3A_75 = tpu.vector_load %arg5[%swap3A_73, %swap3A_74] {strides = array<i32>} : memref<8x5376xf32, #tpu.memory_space<vmem>>, vector<1x16xf32>,
    %swap3A_76 = vector.shape_cast %swap3A_75 : vector<1x16xf32> to vector<16xf32>
    %swap3A_77 = vector.shape_cast %broadcast_in_dim3A_12 : vector<16xf32> to vector<1x16xf32>
    tpu.vector_store %arg5[%swap3A_73, %swap3A_74], %swap3A_77 {strides = array<i32>} : memref<8x5376xf32, #tpu.memory_space<vmem>>, vector<1x16xf32>,
    %swap3A_78 = arith.constant 0 : i32
    %swap3A_79 = arith.index_cast %swap3A_78 : i32 to index
    %swap3A_80 = arith.constant 5328 : index
    %swap3A_81 = tpu.vector_load %arg5[%swap3A_79, %swap3A_80] {strides = array<i32>} : memref<8x5376xf32, #tpu.memory_space<vmem>>, vector<1x16xf32>,
    %swap3A_82 = vector.shape_cast %swap3A_81 : vector<1x16xf32> to vector<16xf32>
    %swap3A_83 = vector.shape_cast %broadcast_in_dim3A_12 : vector<16xf32> to vector<1x16xf32>
    tpu.vector_store %arg5[%swap3A_79, %swap3A_80], %swap3A_83 {strides = array<i32>} : memref<8x5376xf32, #tpu.memory_space<vmem>>, vector<1x16xf32>,
    %swap3A_84 = arith.constant 0 : i32
    %swap3A_85 = arith.index_cast %swap3A_84 : i32 to index
    %swap3A_86 = arith.constant 96 : index
    %swap3A_87 = tpu.vector_load %arg5[%swap3A_85, %swap3A_86] {strides = array<i32>} : memref<8x5376xf32, #tpu.memory_space<vmem>>, vector<1x16xf32>,
    %swap3A_88 = vector.shape_cast %swap3A_87 : vector<1x16xf32> to vector<16xf32>
    %swap3A_89 = vector.shape_cast %broadcast_in_dim3A_12 : vector<16xf32> to vector<1x16xf32>
    tpu.vector_store %arg5[%swap3A_85, %swap3A_86], %swap3A_89 {strides = array<i32>} : memref<8x5376xf32, #tpu.memory_space<vmem>>, vector<1x16xf32>,
    %swap3A_90 = arith.constant 0 : i32
    %swap3A_91 = arith.index_cast %swap3A_90 : i32 to index
    %swap3A_92 = arith.constant 5344 : index
    %swap3A_93 = tpu.vector_load %arg5[%swap3A_91, %swap3A_92] {strides = array<i32>} : memref<8x5376xf32, #tpu.memory_space<vmem>>, vector<1x16xf32>,
    %swap3A_94 = vector.shape_cast %swap3A_93 : vector<1x16xf32> to vector<16xf32>
    %swap3A_95 = vector.shape_cast %broadcast_in_dim3A_12 : vector<16xf32> to vector<1x16xf32>
    tpu.vector_store %arg5[%swap3A_91, %swap3A_92], %swap3A_95 {strides = array<i32>} : memref<8x5376xf32, #tpu.memory_space<vmem>>, vector<1x16xf32>,
    %swap3A_96 = arith.constant 0 : i32
    %swap3A_97 = arith.index_cast %swap3A_96 : i32 to index
    %swap3A_98 = arith.constant 112 : index
    %swap3A_99 = tpu.vector_load %arg5[%swap3A_97, %swap3A_98] {strides = array<i32>} : memref<8x5376xf32, #tpu.memory_space<vmem>>, vector<1x16xf32>,
    %swap3A_100 = vector.shape_cast %swap3A_99 : vector<1x16xf32> to vector<16xf32>
    %swap3A_101 = vector.shape_cast %broadcast_in_dim3A_12 : vector<16xf32> to vector<1x16xf32>
    tpu.vector_store %arg5[%swap3A_97, %swap3A_98], %swap3A_101 {strides = array<i32>} : memref<8x5376xf32, #tpu.memory_space<vmem>>, vector<1x16xf32>,
    %swap3A_102 = arith.constant 0 : i32
    %swap3A_103 = arith.index_cast %swap3A_102 : i32 to index
    %swap3A_104 = arith.constant 5360 : index
    %swap3A_105 = tpu.vector_load %arg5[%swap3A_103, %swap3A_104] {strides = array<i32>} : memref<8x5376xf32, #tpu.memory_space<vmem>>, vector<1x16xf32>,
    %swap3A_106 = vector.shape_cast %swap3A_105 : vector<1x16xf32> to vector<16xf32>
    %swap3A_107 = vector.shape_cast %broadcast_in_dim3A_12 : vector<16xf32> to vector<1x16xf32>
    tpu.vector_store %arg5[%swap3A_103, %swap3A_104], %swap3A_107 {strides = array<i32>} : memref<8x5376xf32, #tpu.memory_space<vmem>>, vector<1x16xf32>,
    %swap3A_108 = arith.constant 1 : i32
    %swap3A_109 = arith.index_cast %swap3A_108 : i32 to index
    %swap3A_110 = arith.constant 0 : index
    %swap3A_111 = tpu.vector_load %arg5[%swap3A_109, %swap3A_110] {strides = array<i32>} : memref<8x5376xf32, #tpu.memory_space<vmem>>, vector<1x16xf32>,
    %swap3A_112 = vector.shape_cast %swap3A_111 : vector<1x16xf32> to vector<16xf32>
    %swap3A_113 = vector.shape_cast %broadcast_in_dim3A_12 : vector<16xf32> to vector<1x16xf32>
    tpu.vector_store %arg5[%swap3A_109, %swap3A_110], %swap3A_113 {strides = array<i32>} : memref<8x5376xf32, #tpu.memory_space<vmem>>, vector<1x16xf32>,
    %swap3A_114 = arith.constant 1 : i32
    %swap3A_115 = arith.index_cast %swap3A_114 : i32 to index
    %swap3A_116 = arith.constant 5248 : index
    %swap3A_117 = tpu.vector_load %arg5[%swap3A_115, %swap3A_116] {strides = array<i32>} : memref<8x5376xf32, #tpu.memory_space<vmem>>, vector<1x16xf32>,
    %swap3A_118 = vector.shape_cast %swap3A_117 : vector<1x16xf32> to vector<16xf32>
    %swap3A_119 = vector.shape_cast %broadcast_in_dim3A_12 : vector<16xf32> to vector<1x16xf32>
    tpu.vector_store %arg5[%swap3A_115, %swap3A_116], %swap3A_119 {strides = array<i32>} : memref<8x5376xf32, #tpu.memory_space<vmem>>, vector<1x16xf32>,
    %swap3A_120 = arith.constant 1 : i32
    %swap3A_121 = arith.index_cast %swap3A_120 : i32 to index
    %swap3A_122 = arith.constant 16 : index
    %swap3A_123 = tpu.vector_load %arg5[%swap3A_121, %swap3A_122] {strides = array<i32>} : memref<8x5376xf32, #tpu.memory_space<vmem>>, vector<1x16xf32>,
    %swap3A_124 = vector.shape_cast %swap3A_123 : vector<1x16xf32> to vector<16xf32>
    %swap3A_125 = vector.shape_cast %broadcast_in_dim3A_12 : vector<16xf32> to vector<1x16xf32>
    tpu.vector_store %arg5[%swap3A_121, %swap3A_122], %swap3A_125 {strides = array<i32>} : memref<8x5376xf32, #tpu.memory_space<vmem>>, vector<1x16xf32>,
    %swap3A_126 = arith.constant 1 : i32
    %swap3A_127 = arith.index_cast %swap3A_126 : i32 to index
    %swap3A_128 = arith.constant 5264 : index
    %swap3A_129 = tpu.vector_load %arg5[%swap3A_127, %swap3A_128] {strides = array<i32>} : memref<8x5376xf32, #tpu.memory_space<vmem>>, vector<1x16xf32>,
    %swap3A_130 = vector.shape_cast %swap3A_129 : vector<1x16xf32> to vector<16xf32>
    %swap3A_131 = vector.shape_cast %broadcast_in_dim3A_12 : vector<16xf32> to vector<1x16xf32>
    tpu.vector_store %arg5[%swap3A_127, %swap3A_128], %swap3A_131 {strides = array<i32>} : memref<8x5376xf32, #tpu.memory_space<vmem>>, vector<1x16xf32>,
    %swap3A_132 = arith.constant 1 : i32
    %swap3A_133 = arith.index_cast %swap3A_132 : i32 to index
    %swap3A_134 = arith.constant 32 : index
    %swap3A_135 = tpu.vector_load %arg5[%swap3A_133, %swap3A_134] {strides = array<i32>} : memref<8x5376xf32, #tpu.memory_space<vmem>>, vector<1x16xf32>,
    %swap3A_136 = vector.shape_cast %swap3A_135 : vector<1x16xf32> to vector<16xf32>
    %swap3A_137 = vector.shape_cast %broadcast_in_dim3A_12 : vector<16xf32> to vector<1x16xf32>
    tpu.vector_store %arg5[%swap3A_133, %swap3A_134], %swap3A_137 {strides = array<i32>} : memref<8x5376xf32, #tpu.memory_space<vmem>>, vector<1x16xf32>,
    %swap3A_138 = arith.constant 1 : i32
    %swap3A_139 = arith.index_cast %swap3A_138 : i32 to index
    %swap3A_140 = arith.constant 5280 : index
    %swap3A_141 = tpu.vector_load %arg5[%swap3A_139, %swap3A_140] {strides = array<i32>} : memref<8x5376xf32, #tpu.memory_space<vmem>>, vector<1x16xf32>,
    %swap3A_142 = vector.shape_cast %swap3A_141 : vector<1x16xf32> to vector<16xf32>
    %swap3A_143 = vector.shape_cast %broadcast_in_dim3A_12 : vector<16xf32> to vector<1x16xf32>
    tpu.vector_store %arg5[%swap3A_139, %swap3A_140], %swap3A_143 {strides = array<i32>} : memref<8x5376xf32, #tpu.memory_space<vmem>>, vector<1x16xf32>,
    %swap3A_144 = arith.constant 1 : i32
    %swap3A_145 = arith.index_cast %swap3A_144 : i32 to index
    %swap3A_146 = arith.constant 48 : index
    %swap3A_147 = tpu.vector_load %arg5[%swap3A_145, %swap3A_146] {strides = array<i32>} : memref<8x5376xf32, #tpu.memory_space<vmem>>, vector<1x16xf32>,
    %swap3A_148 = vector.shape_cast %swap3A_147 : vector<1x16xf32> to vector<16xf32>
    %swap3A_149 = vector.shape_cast %broadcast_in_dim3A_12 : vector<16xf32> to vector<1x16xf32>
    tpu.vector_store %arg5[%swap3A_145, %swap3A_146], %swap3A_149 {strides = array<i32>} : memref<8x5376xf32, #tpu.memory_space<vmem>>, vector<1x16xf32>,
    %swap3A_150 = arith.constant 1 : i32
    %swap3A_151 = arith.index_cast %swap3A_150 : i32 to index
    %swap3A_152 = arith.constant 5296 : index
    %swap3A_153 = tpu.vector_load %arg5[%swap3A_151, %swap3A_152] {strides = array<i32>} : memref<8x5376xf32, #tpu.memory_space<vmem>>, vector<1x16xf32>,
    %swap3A_154 = vector.shape_cast %swap3A_153 : vector<1x16xf32> to vector<16xf32>
    %swap3A_155 = vector.shape_cast %broadcast_in_dim3A_12 : vector<16xf32> to vector<1x16xf32>
    tpu.vector_store %arg5[%swap3A_151, %swap3A_152], %swap3A_155 {strides = array<i32>} : memref<8x5376xf32, #tpu.memory_space<vmem>>, vector<1x16xf32>,
    %swap3A_156 = arith.constant 1 : i32
    %swap3A_157 = arith.index_cast %swap3A_156 : i32 to index
    %swap3A_158 = arith.constant 64 : index
    %swap3A_159 = tpu.vector_load %arg5[%swap3A_157, %swap3A_158] {strides = array<i32>} : memref<8x5376xf32, #tpu.memory_space<vmem>>, vector<1x16xf32>,
    %swap3A_160 = vector.shape_cast %swap3A_159 : vector<1x16xf32> to vector<16xf32>
    %swap3A_161 = vector.shape_cast %broadcast_in_dim3A_12 : vector<16xf32> to vector<1x16xf32>
    tpu.vector_store %arg5[%swap3A_157, %swap3A_158], %swap3A_161 {strides = array<i32>} : memref<8x5376xf32, #tpu.memory_space<vmem>>, vector<1x16xf32>,
    %swap3A_162 = arith.constant 1 : i32
    %swap3A_163 = arith.index_cast %swap3A_162 : i32 to index
    %swap3A_164 = arith.constant 5312 : index
    %swap3A_165 = tpu.vector_load %arg5[%swap3A_163, %swap3A_164] {strides = array<i32>} : memref<8x5376xf32, #tpu.memory_space<vmem>>, vector<1x16xf32>,
    %swap3A_166 = vector.shape_cast %swap3A_165 : vector<1x16xf32> to vector<16xf32>
    %swap3A_167 = vector.shape_cast %broadcast_in_dim3A_12 : vector<16xf32> to vector<1x16xf32>
    tpu.vector_store %arg5[%swap3A_163, %swap3A_164], %swap3A_167 {strides = array<i32>} : memref<8x5376xf32, #tpu.memory_space<vmem>>, vector<1x16xf32>,
    %swap3A_168 = arith.constant 1 : i32
    %swap3A_169 = arith.index_cast %swap3A_168 : i32 to index
    %swap3A_170 = arith.constant 80 : index
    %swap3A_171 = tpu.vector_load %arg5[%swap3A_169, %swap3A_170] {strides = array<i32>} : memref<8x5376xf32, #tpu.memory_space<vmem>>, vector<1x16xf32>,
    %swap3A_172 = vector.shape_cast %swap3A_171 : vector<1x16xf32> to vector<16xf32>
    %swap3A_173 = vector.shape_cast %broadcast_in_dim3A_12 : vector<16xf32> to vector<1x16xf32>
    tpu.vector_store %arg5[%swap3A_169, %swap3A_170], %swap3A_173 {strides = array<i32>} : memref<8x5376xf32, #tpu.memory_space<vmem>>, vector<1x16xf32>,
    %swap3A_174 = arith.constant 1 : i32
    %swap3A_175 = arith.index_cast %swap3A_174 : i32 to index
    %swap3A_176 = arith.constant 5328 : index
    %swap3A_177 = tpu.vector_load %arg5[%swap3A_175, %swap3A_176] {strides = array<i32>} : memref<8x5376xf32, #tpu.memory_space<vmem>>, vector<1x16xf32>,
    %swap3A_178 = vector.shape_cast %swap3A_177 : vector<1x16xf32> to vector<16xf32>
    %swap3A_179 = vector.shape_cast %broadcast_in_dim3A_12 : vector<16xf32> to vector<1x16xf32>
    tpu.vector_store %arg5[%swap3A_175, %swap3A_176], %swap3A_179 {strides = array<i32>} : memref<8x5376xf32, #tpu.memory_space<vmem>>, vector<1x16xf32>,
    %swap3A_180 = arith.constant 1 : i32
    %swap3A_181 = arith.index_cast %swap3A_180 : i32 to index
    %swap3A_182 = arith.constant 96 : index
    %swap3A_183 = tpu.vector_load %arg5[%swap3A_181, %swap3A_182] {strides = array<i32>} : memref<8x5376xf32, #tpu.memory_space<vmem>>, vector<1x16xf32>,
    %swap3A_184 = vector.shape_cast %swap3A_183 : vector<1x16xf32> to vector<16xf32>
    %swap3A_185 = vector.shape_cast %broadcast_in_dim3A_12 : vector<16xf32> to vector<1x16xf32>
    tpu.vector_store %arg5[%swap3A_181, %swap3A_182], %swap3A_185 {strides = array<i32>} : memref<8x5376xf32, #tpu.memory_space<vmem>>, vector<1x16xf32>,
    %swap3A_186 = arith.constant 1 : i32
    %swap3A_187 = arith.index_cast %swap3A_186 : i32 to index
    %swap3A_188 = arith.constant 5344 : index
    %swap3A_189 = tpu.vector_load %arg5[%swap3A_187, %swap3A_188] {strides = array<i32>} : memref<8x5376xf32, #tpu.memory_space<vmem>>, vector<1x16xf32>,
    %swap3A_190 = vector.shape_cast %swap3A_189 : vector<1x16xf32> to vector<16xf32>
    %swap3A_191 = vector.shape_cast %broadcast_in_dim3A_12 : vector<16xf32> to vector<1x16xf32>
    tpu.vector_store %arg5[%swap3A_187, %swap3A_188], %swap3A_191 {strides = array<i32>} : memref<8x5376xf32, #tpu.memory_space<vmem>>, vector<1x16xf32>,
    %swap3A_192 = arith.constant 1 : i32
    %swap3A_193 = arith.index_cast %swap3A_192 : i32 to index
    %swap3A_194 = arith.constant 112 : index
    %swap3A_195 = tpu.vector_load %arg5[%swap3A_193, %swap3A_194] {strides = array<i32>} : memref<8x5376xf32, #tpu.memory_space<vmem>>, vector<1x16xf32>,
    %swap3A_196 = vector.shape_cast %swap3A_195 : vector<1x16xf32> to vector<16xf32>
    %swap3A_197 = vector.shape_cast %broadcast_in_dim3A_12 : vector<16xf32> to vector<1x16xf32>
    tpu.vector_store %arg5[%swap3A_193, %swap3A_194], %swap3A_197 {strides = array<i32>} : memref<8x5376xf32, #tpu.memory_space<vmem>>, vector<1x16xf32>,
    %swap3A_198 = arith.constant 1 : i32
    %swap3A_199 = arith.index_cast %swap3A_198 : i32 to index
    %swap3A_200 = arith.constant 5360 : index
    %swap3A_201 = tpu.vector_load %arg5[%swap3A_199, %swap3A_200] {strides = array<i32>} : memref<8x5376xf32, #tpu.memory_space<vmem>>, vector<1x16xf32>,
    %swap3A_202 = vector.shape_cast %swap3A_201 : vector<1x16xf32> to vector<16xf32>
    %swap3A_203 = vector.shape_cast %broadcast_in_dim3A_12 : vector<16xf32> to vector<1x16xf32>
    tpu.vector_store %arg5[%swap3A_199, %swap3A_200], %swap3A_203 {strides = array<i32>} : memref<8x5376xf32, #tpu.memory_space<vmem>>, vector<1x16xf32>,
    %swap3A_204 = arith.constant 2 : i32
    %swap3A_205 = arith.index_cast %swap3A_204 : i32 to index
    %swap3A_206 = arith.constant 0 : index
    %swap3A_207 = tpu.vector_load %arg5[%swap3A_205, %swap3A_206] {strides = array<i32>} : memref<8x5376xf32, #tpu.memory_space<vmem>>, vector<1x16xf32>,
    %swap3A_208 = vector.shape_cast %swap3A_207 : vector<1x16xf32> to vector<16xf32>
    %swap3A_209 = vector.shape_cast %broadcast_in_dim3A_12 : vector<16xf32> to vector<1x16xf32>
    tpu.vector_store %arg5[%swap3A_205, %swap3A_206], %swap3A_209 {strides = array<i32>} : memref<8x5376xf32, #tpu.memory_space<vmem>>, vector<1x16xf32>,
    %swap3A_210 = arith.constant 2 : i32
    %swap3A_211 = arith.index_cast %swap3A_210 : i32 to index
    %swap3A_212 = arith.constant 5248 : index
    %swap3A_213 = tpu.vector_load %arg5[%swap3A_211, %swap3A_212] {strides = array<i32>} : memref<8x5376xf32, #tpu.memory_space<vmem>>, vector<1x16xf32>,
    %swap3A_214 = vector.shape_cast %swap3A_213 : vector<1x16xf32> to vector<16xf32>
    %swap3A_215 = vector.shape_cast %broadcast_in_dim3A_12 : vector<16xf32> to vector<1x16xf32>
    tpu.vector_store %arg5[%swap3A_211, %swap3A_212], %swap3A_215 {strides = array<i32>} : memref<8x5376xf32, #tpu.memory_space<vmem>>, vector<1x16xf32>,
    %swap3A_216 = arith.constant 2 : i32
    %swap3A_217 = arith.index_cast %swap3A_216 : i32 to index
    %swap3A_218 = arith.constant 16 : index
    %swap3A_219 = tpu.vector_load %arg5[%swap3A_217, %swap3A_218] {strides = array<i32>} : memref<8x5376xf32, #tpu.memory_space<vmem>>, vector<1x16xf32>,
    %swap3A_220 = vector.shape_cast %swap3A_219 : vector<1x16xf32> to vector<16xf32>
    %swap3A_221 = vector.shape_cast %broadcast_in_dim3A_12 : vector<16xf32> to vector<1x16xf32>
    tpu.vector_store %arg5[%swap3A_217, %swap3A_218], %swap3A_221 {strides = array<i32>} : memref<8x5376xf32, #tpu.memory_space<vmem>>, vector<1x16xf32>,
    %swap3A_222 = arith.constant 2 : i32
    %swap3A_223 = arith.index_cast %swap3A_222 : i32 to index
    %swap3A_224 = arith.constant 5264 : index
    %swap3A_225 = tpu.vector_load %arg5[%swap3A_223, %swap3A_224] {strides = array<i32>} : memref<8x5376xf32, #tpu.memory_space<vmem>>, vector<1x16xf32>,
    %swap3A_226 = vector.shape_cast %swap3A_225 : vector<1x16xf32> to vector<16xf32>
    %swap3A_227 = vector.shape_cast %broadcast_in_dim3A_12 : vector<16xf32> to vector<1x16xf32>
    tpu.vector_store %arg5[%swap3A_223, %swap3A_224], %swap3A_227 {strides = array<i32>} : memref<8x5376xf32, #tpu.memory_space<vmem>>, vector<1x16xf32>,
    %swap3A_228 = arith.constant 2 : i32
    %swap3A_229 = arith.index_cast %swap3A_228 : i32 to index
    %swap3A_230 = arith.constant 32 : index
    %swap3A_231 = tpu.vector_load %arg5[%swap3A_229, %swap3A_230] {strides = array<i32>} : memref<8x5376xf32, #tpu.memory_space<vmem>>, vector<1x16xf32>,
    %swap3A_232 = vector.shape_cast %swap3A_231 : vector<1x16xf32> to vector<16xf32>
    %swap3A_233 = vector.shape_cast %broadcast_in_dim3A_12 : vector<16xf32> to vector<1x16xf32>
    tpu.vector_store %arg5[%swap3A_229, %swap3A_230], %swap3A_233 {strides = array<i32>} : memref<8x5376xf32, #tpu.memory_space<vmem>>, vector<1x16xf32>,
    %swap3A_234 = arith.constant 2 : i32
    %swap3A_235 = arith.index_cast %swap3A_234 : i32 to index
    %swap3A_236 = arith.constant 5280 : index
    %swap3A_237 = tpu.vector_load %arg5[%swap3A_235, %swap3A_236] {strides = array<i32>} : memref<8x5376xf32, #tpu.memory_space<vmem>>, vector<1x16xf32>,
    %swap3A_238 = vector.shape_cast %swap3A_237 : vector<1x16xf32> to vector<16xf32>
    %swap3A_239 = vector.shape_cast %broadcast_in_dim3A_12 : vector<16xf32> to vector<1x16xf32>
    tpu.vector_store %arg5[%swap3A_235, %swap3A_236], %swap3A_239 {strides = array<i32>} : memref<8x5376xf32, #tpu.memory_space<vmem>>, vector<1x16xf32>,
    %swap3A_240 = arith.constant 2 : i32
    %swap3A_241 = arith.index_cast %swap3A_240 : i32 to index
    %swap3A_242 = arith.constant 48 : index
    %swap3A_243 = tpu.vector_load %arg5[%swap3A_241, %swap3A_242] {strides = array<i32>} : memref<8x5376xf32, #tpu.memory_space<vmem>>, vector<1x16xf32>,
    %swap3A_244 = vector.shape_cast %swap3A_243 : vector<1x16xf32> to vector<16xf32>
    %swap3A_245 = vector.shape_cast %broadcast_in_dim3A_12 : vector<16xf32> to vector<1x16xf32>
    tpu.vector_store %arg5[%swap3A_241, %swap3A_242], %swap3A_245 {strides = array<i32>} : memref<8x5376xf32, #tpu.memory_space<vmem>>, vector<1x16xf32>,
    %swap3A_246 = arith.constant 2 : i32
    %swap3A_247 = arith.index_cast %swap3A_246 : i32 to index
    %swap3A_248 = arith.constant 5296 : index
    %swap3A_249 = tpu.vector_load %arg5[%swap3A_247, %swap3A_248] {strides = array<i32>} : memref<8x5376xf32, #tpu.memory_space<vmem>>, vector<1x16xf32>,
    %swap3A_250 = vector.shape_cast %swap3A_249 : vector<1x16xf32> to vector<16xf32>
    %swap3A_251 = vector.shape_cast %broadcast_in_dim3A_12 : vector<16xf32> to vector<1x16xf32>
    tpu.vector_store %arg5[%swap3A_247, %swap3A_248], %swap3A_251 {strides = array<i32>} : memref<8x5376xf32, #tpu.memory_space<vmem>>, vector<1x16xf32>,
    %swap3A_252 = arith.constant 2 : i32
    %swap3A_253 = arith.index_cast %swap3A_252 : i32 to index
    %swap3A_254 = arith.constant 64 : index
    %swap3A_255 = tpu.vector_load %arg5[%swap3A_253, %swap3A_254] {strides = array<i32>} : memref<8x5376xf32, #tpu.memory_space<vmem>>, vector<1x16xf32>,
    %swap3A_256 = vector.shape_cast %swap3A_255 : vector<1x16xf32> to vector<16xf32>
    %swap3A_257 = vector.shape_cast %broadcast_in_dim3A_12 : vector<16xf32> to vector<1x16xf32>
    tpu.vector_store %arg5[%swap3A_253, %swap3A_254], %swap3A_257 {strides = array<i32>} : memref<8x5376xf32, #tpu.memory_space<vmem>>, vector<1x16xf32>,
    %swap3A_258 = arith.constant 2 : i32
    %swap3A_259 = arith.index_cast %swap3A_258 : i32 to index
    %swap3A_260 = arith.constant 5312 : index
    %swap3A_261 = tpu.vector_load %arg5[%swap3A_259, %swap3A_260] {strides = array<i32>} : memref<8x5376xf32, #tpu.memory_space<vmem>>, vector<1x16xf32>,
    %swap3A_262 = vector.shape_cast %swap3A_261 : vector<1x16xf32> to vector<16xf32>
    %swap3A_263 = vector.shape_cast %broadcast_in_dim3A_12 : vector<16xf32> to vector<1x16xf32>
    tpu.vector_store %arg5[%swap3A_259, %swap3A_260], %swap3A_263 {strides = array<i32>} : memref<8x5376xf32, #tpu.memory_space<vmem>>, vector<1x16xf32>,
    %swap3A_264 = arith.constant 2 : i32
    %swap3A_265 = arith.index_cast %swap3A_264 : i32 to index
    %swap3A_266 = arith.constant 80 : index
    %swap3A_267 = tpu.vector_load %arg5[%swap3A_265, %swap3A_266] {strides = array<i32>} : memref<8x5376xf32, #tpu.memory_space<vmem>>, vector<1x16xf32>,
    %swap3A_268 = vector.shape_cast %swap3A_267 : vector<1x16xf32> to vector<16xf32>
    %swap3A_269 = vector.shape_cast %broadcast_in_dim3A_12 : vector<16xf32> to vector<1x16xf32>
    tpu.vector_store %arg5[%swap3A_265, %swap3A_266], %swap3A_269 {strides = array<i32>} : memref<8x5376xf32, #tpu.memory_space<vmem>>, vector<1x16xf32>,
    %swap3A_270 = arith.constant 2 : i32
    %swap3A_271 = arith.index_cast %swap3A_270 : i32 to index
    %swap3A_272 = arith.constant 5328 : index
    %swap3A_273 = tpu.vector_load %arg5[%swap3A_271, %swap3A_272] {strides = array<i32>} : memref<8x5376xf32, #tpu.memory_space<vmem>>, vector<1x16xf32>,
    %swap3A_274 = vector.shape_cast %swap3A_273 : vector<1x16xf32> to vector<16xf32>
    %swap3A_275 = vector.shape_cast %broadcast_in_dim3A_12 : vector<16xf32> to vector<1x16xf32>
    tpu.vector_store %arg5[%swap3A_271, %swap3A_272], %swap3A_275 {strides = array<i32>} : memref<8x5376xf32, #tpu.memory_space<vmem>>, vector<1x16xf32>,
    %swap3A_276 = arith.constant 2 : i32
    %swap3A_277 = arith.index_cast %swap3A_276 : i32 to index
    %swap3A_278 = arith.constant 96 : index
    %swap3A_279 = tpu.vector_load %arg5[%swap3A_277, %swap3A_278] {strides = array<i32>} : memref<8x5376xf32, #tpu.memory_space<vmem>>, vector<1x16xf32>,
    %swap3A_280 = vector.shape_cast %swap3A_279 : vector<1x16xf32> to vector<16xf32>
    %swap3A_281 = vector.shape_cast %broadcast_in_dim3A_12 : vector<16xf32> to vector<1x16xf32>
    tpu.vector_store %arg5[%swap3A_277, %swap3A_278], %swap3A_281 {strides = array<i32>} : memref<8x5376xf32, #tpu.memory_space<vmem>>, vector<1x16xf32>,
    %swap3A_282 = arith.constant 2 : i32
    %swap3A_283 = arith.index_cast %swap3A_282 : i32 to index
    %swap3A_284 = arith.constant 5344 : index
    %swap3A_285 = tpu.vector_load %arg5[%swap3A_283, %swap3A_284] {strides = array<i32>} : memref<8x5376xf32, #tpu.memory_space<vmem>>, vector<1x16xf32>,
    %swap3A_286 = vector.shape_cast %swap3A_285 : vector<1x16xf32> to vector<16xf32>
    %swap3A_287 = vector.shape_cast %broadcast_in_dim3A_12 : vector<16xf32> to vector<1x16xf32>
    tpu.vector_store %arg5[%swap3A_283, %swap3A_284], %swap3A_287 {strides = array<i32>} : memref<8x5376xf32, #tpu.memory_space<vmem>>, vector<1x16xf32>,
    %swap3A_288 = arith.constant 2 : i32
    %swap3A_289 = arith.index_cast %swap3A_288 : i32 to index
    %swap3A_290 = arith.constant 112 : index
    %swap3A_291 = tpu.vector_load %arg5[%swap3A_289, %swap3A_290] {strides = array<i32>} : memref<8x5376xf32, #tpu.memory_space<vmem>>, vector<1x16xf32>,
    %swap3A_292 = vector.shape_cast %swap3A_291 : vector<1x16xf32> to vector<16xf32>
    %swap3A_293 = vector.shape_cast %broadcast_in_dim3A_12 : vector<16xf32> to vector<1x16xf32>
    tpu.vector_store %arg5[%swap3A_289, %swap3A_290], %swap3A_293 {strides = array<i32>} : memref<8x5376xf32, #tpu.memory_space<vmem>>, vector<1x16xf32>,
    %swap3A_294 = arith.constant 2 : i32
    %swap3A_295 = arith.index_cast %swap3A_294 : i32 to index
    %swap3A_296 = arith.constant 5360 : index
    %swap3A_297 = tpu.vector_load %arg5[%swap3A_295, %swap3A_296] {strides = array<i32>} : memref<8x5376xf32, #tpu.memory_space<vmem>>, vector<1x16xf32>,
    %swap3A_298 = vector.shape_cast %swap3A_297 : vector<1x16xf32> to vector<16xf32>
    %swap3A_299 = vector.shape_cast %broadcast_in_dim3A_12 : vector<16xf32> to vector<1x16xf32>
    tpu.vector_store %arg5[%swap3A_295, %swap3A_296], %swap3A_299 {strides = array<i32>} : memref<8x5376xf32, #tpu.memory_space<vmem>>, vector<1x16xf32>,
    %swap3A_300 = arith.constant 3 : i32
    %swap3A_301 = arith.index_cast %swap3A_300 : i32 to index
    %swap3A_302 = arith.constant 0 : index
    %swap3A_303 = tpu.vector_load %arg5[%swap3A_301, %swap3A_302] {strides = array<i32>} : memref<8x5376xf32, #tpu.memory_space<vmem>>, vector<1x16xf32>,
    %swap3A_304 = vector.shape_cast %swap3A_303 : vector<1x16xf32> to vector<16xf32>
    %swap3A_305 = vector.shape_cast %broadcast_in_dim3A_12 : vector<16xf32> to vector<1x16xf32>
    tpu.vector_store %arg5[%swap3A_301, %swap3A_302], %swap3A_305 {strides = array<i32>} : memref<8x5376xf32, #tpu.memory_space<vmem>>, vector<1x16xf32>,
    %swap3A_306 = arith.constant 3 : i32
    %swap3A_307 = arith.index_cast %swap3A_306 : i32 to index
    %swap3A_308 = arith.constant 5248 : index
    %swap3A_309 = tpu.vector_load %arg5[%swap3A_307, %swap3A_308] {strides = array<i32>} : memref<8x5376xf32, #tpu.memory_space<vmem>>, vector<1x16xf32>,
    %swap3A_310 = vector.shape_cast %swap3A_309 : vector<1x16xf32> to vector<16xf32>
    %swap3A_311 = vector.shape_cast %broadcast_in_dim3A_12 : vector<16xf32> to vector<1x16xf32>
    tpu.vector_store %arg5[%swap3A_307, %swap3A_308], %swap3A_311 {strides = array<i32>} : memref<8x5376xf32, #tpu.memory_space<vmem>>, vector<1x16xf32>,
    %swap3A_312 = arith.constant 3 : i32
    %swap3A_313 = arith.index_cast %swap3A_312 : i32 to index
    %swap3A_314 = arith.constant 16 : index
    %swap3A_315 = tpu.vector_load %arg5[%swap3A_313, %swap3A_314] {strides = array<i32>} : memref<8x5376xf32, #tpu.memory_space<vmem>>, vector<1x16xf32>,
    %swap3A_316 = vector.shape_cast %swap3A_315 : vector<1x16xf32> to vector<16xf32>
    %swap3A_317 = vector.shape_cast %broadcast_in_dim3A_12 : vector<16xf32> to vector<1x16xf32>
    tpu.vector_store %arg5[%swap3A_313, %swap3A_314], %swap3A_317 {strides = array<i32>} : memref<8x5376xf32, #tpu.memory_space<vmem>>, vector<1x16xf32>,
    %swap3A_318 = arith.constant 3 : i32
    %swap3A_319 = arith.index_cast %swap3A_318 : i32 to index
    %swap3A_320 = arith.constant 5264 : index
    %swap3A_321 = tpu.vector_load %arg5[%swap3A_319, %swap3A_320] {strides = array<i32>} : memref<8x5376xf32, #tpu.memory_space<vmem>>, vector<1x16xf32>,
    %swap3A_322 = vector.shape_cast %swap3A_321 : vector<1x16xf32> to vector<16xf32>
    %swap3A_323 = vector.shape_cast %broadcast_in_dim3A_12 : vector<16xf32> to vector<1x16xf32>
    tpu.vector_store %arg5[%swap3A_319, %swap3A_320], %swap3A_323 {strides = array<i32>} : memref<8x5376xf32, #tpu.memory_space<vmem>>, vector<1x16xf32>,
    %swap3A_324 = arith.constant 3 : i32
    %swap3A_325 = arith.index_cast %swap3A_324 : i32 to index
    %swap3A_326 = arith.constant 32 : index
    %swap3A_327 = tpu.vector_load %arg5[%swap3A_325, %swap3A_326] {strides = array<i32>} : memref<8x5376xf32, #tpu.memory_space<vmem>>, vector<1x16xf32>,
    %swap3A_328 = vector.shape_cast %swap3A_327 : vector<1x16xf32> to vector<16xf32>
    %swap3A_329 = vector.shape_cast %broadcast_in_dim3A_12 : vector<16xf32> to vector<1x16xf32>
    tpu.vector_store %arg5[%swap3A_325, %swap3A_326], %swap3A_329 {strides = array<i32>} : memref<8x5376xf32, #tpu.memory_space<vmem>>, vector<1x16xf32>,
    %swap3A_330 = arith.constant 3 : i32
    %swap3A_331 = arith.index_cast %swap3A_330 : i32 to index
    %swap3A_332 = arith.constant 5280 : index
    %swap3A_333 = tpu.vector_load %arg5[%swap3A_331, %swap3A_332] {strides = array<i32>} : memref<8x5376xf32, #tpu.memory_space<vmem>>, vector<1x16xf32>,
    %swap3A_334 = vector.shape_cast %swap3A_333 : vector<1x16xf32> to vector<16xf32>
    %swap3A_335 = vector.shape_cast %broadcast_in_dim3A_12 : vector<16xf32> to vector<1x16xf32>
    tpu.vector_store %arg5[%swap3A_331, %swap3A_332], %swap3A_335 {strides = array<i32>} : memref<8x5376xf32, #tpu.memory_space<vmem>>, vector<1x16xf32>,
    %swap3A_336 = arith.constant 3 : i32
    %swap3A_337 = arith.index_cast %swap3A_336 : i32 to index
    %swap3A_338 = arith.constant 48 : index
    %swap3A_339 = tpu.vector_load %arg5[%swap3A_337, %swap3A_338] {strides = array<i32>} : memref<8x5376xf32, #tpu.memory_space<vmem>>, vector<1x16xf32>,
    %swap3A_340 = vector.shape_cast %swap3A_339 : vector<1x16xf32> to vector<16xf32>
    %swap3A_341 = vector.shape_cast %broadcast_in_dim3A_12 : vector<16xf32> to vector<1x16xf32>
    tpu.vector_store %arg5[%swap3A_337, %swap3A_338], %swap3A_341 {strides = array<i32>} : memref<8x5376xf32, #tpu.memory_space<vmem>>, vector<1x16xf32>,
    %swap3A_342 = arith.constant 3 : i32
    %swap3A_343 = arith.index_cast %swap3A_342 : i32 to index
    %swap3A_344 = arith.constant 5296 : index
    %swap3A_345 = tpu.vector_load %arg5[%swap3A_343, %swap3A_344] {strides = array<i32>} : memref<8x5376xf32, #tpu.memory_space<vmem>>, vector<1x16xf32>,
    %swap3A_346 = vector.shape_cast %swap3A_345 : vector<1x16xf32> to vector<16xf32>
    %swap3A_347 = vector.shape_cast %broadcast_in_dim3A_12 : vector<16xf32> to vector<1x16xf32>
    tpu.vector_store %arg5[%swap3A_343, %swap3A_344], %swap3A_347 {strides = array<i32>} : memref<8x5376xf32, #tpu.memory_space<vmem>>, vector<1x16xf32>,
    %swap3A_348 = arith.constant 3 : i32
    %swap3A_349 = arith.index_cast %swap3A_348 : i32 to index
    %swap3A_350 = arith.constant 64 : index
    %swap3A_351 = tpu.vector_load %arg5[%swap3A_349, %swap3A_350] {strides = array<i32>} : memref<8x5376xf32, #tpu.memory_space<vmem>>, vector<1x16xf32>,
    %swap3A_352 = vector.shape_cast %swap3A_351 : vector<1x16xf32> to vector<16xf32>
    %swap3A_353 = vector.shape_cast %broadcast_in_dim3A_12 : vector<16xf32> to vector<1x16xf32>
    tpu.vector_store %arg5[%swap3A_349, %swap3A_350], %swap3A_353 {strides = array<i32>} : memref<8x5376xf32, #tpu.memory_space<vmem>>, vector<1x16xf32>,
    %swap3A_354 = arith.constant 3 : i32
    %swap3A_355 = arith.index_cast %swap3A_354 : i32 to index
    %swap3A_356 = arith.constant 5312 : index
    %swap3A_357 = tpu.vector_load %arg5[%swap3A_355, %swap3A_356] {strides = array<i32>} : memref<8x5376xf32, #tpu.memory_space<vmem>>, vector<1x16xf32>,
    %swap3A_358 = vector.shape_cast %swap3A_357 : vector<1x16xf32> to vector<16xf32>
    %swap3A_359 = vector.shape_cast %broadcast_in_dim3A_12 : vector<16xf32> to vector<1x16xf32>
    tpu.vector_store %arg5[%swap3A_355, %swap3A_356], %swap3A_359 {strides = array<i32>} : memref<8x5376xf32, #tpu.memory_space<vmem>>, vector<1x16xf32>,
    %swap3A_360 = arith.constant 3 : i32
    %swap3A_361 = arith.index_cast %swap3A_360 : i32 to index
    %swap3A_362 = arith.constant 80 : index
    %swap3A_363 = tpu.vector_load %arg5[%swap3A_361, %swap3A_362] {strides = array<i32>} : memref<8x5376xf32, #tpu.memory_space<vmem>>, vector<1x16xf32>,
    %swap3A_364 = vector.shape_cast %swap3A_363 : vector<1x16xf32> to vector<16xf32>
    %swap3A_365 = vector.shape_cast %broadcast_in_dim3A_12 : vector<16xf32> to vector<1x16xf32>
    tpu.vector_store %arg5[%swap3A_361, %swap3A_362], %swap3A_365 {strides = array<i32>} : memref<8x5376xf32, #tpu.memory_space<vmem>>, vector<1x16xf32>,
    %swap3A_366 = arith.constant 3 : i32
    %swap3A_367 = arith.index_cast %swap3A_366 : i32 to index
    %swap3A_368 = arith.constant 5328 : index
    %swap3A_369 = tpu.vector_load %arg5[%swap3A_367, %swap3A_368] {strides = array<i32>} : memref<8x5376xf32, #tpu.memory_space<vmem>>, vector<1x16xf32>,
    %swap3A_370 = vector.shape_cast %swap3A_369 : vector<1x16xf32> to vector<16xf32>
    %swap3A_371 = vector.shape_cast %broadcast_in_dim3A_12 : vector<16xf32> to vector<1x16xf32>
    tpu.vector_store %arg5[%swap3A_367, %swap3A_368], %swap3A_371 {strides = array<i32>} : memref<8x5376xf32, #tpu.memory_space<vmem>>, vector<1x16xf32>,
    %swap3A_372 = arith.constant 3 : i32
    %swap3A_373 = arith.index_cast %swap3A_372 : i32 to index
    %swap3A_374 = arith.constant 96 : index
    %swap3A_375 = tpu.vector_load %arg5[%swap3A_373, %swap3A_374] {strides = array<i32>} : memref<8x5376xf32, #tpu.memory_space<vmem>>, vector<1x16xf32>,
    %swap3A_376 = vector.shape_cast %swap3A_375 : vector<1x16xf32> to vector<16xf32>
    %swap3A_377 = vector.shape_cast %broadcast_in_dim3A_12 : vector<16xf32> to vector<1x16xf32>
    tpu.vector_store %arg5[%swap3A_373, %swap3A_374], %swap3A_377 {strides = array<i32>} : memref<8x5376xf32, #tpu.memory_space<vmem>>, vector<1x16xf32>,
    %swap3A_378 = arith.constant 3 : i32
    %swap3A_379 = arith.index_cast %swap3A_378 : i32 to index
    %swap3A_380 = arith.constant 5344 : index
    %swap3A_381 = tpu.vector_load %arg5[%swap3A_379, %swap3A_380] {strides = array<i32>} : memref<8x5376xf32, #tpu.memory_space<vmem>>, vector<1x16xf32>,
    %swap3A_382 = vector.shape_cast %swap3A_381 : vector<1x16xf32> to vector<16xf32>
    %swap3A_383 = vector.shape_cast %broadcast_in_dim3A_12 : vector<16xf32> to vector<1x16xf32>
    tpu.vector_store %arg5[%swap3A_379, %swap3A_380], %swap3A_383 {strides = array<i32>} : memref<8x5376xf32, #tpu.memory_space<vmem>>, vector<1x16xf32>,
    %swap3A_384 = arith.constant 3 : i32
    %swap3A_385 = arith.index_cast %swap3A_384 : i32 to index
    %swap3A_386 = arith.constant 112 : index
    %swap3A_387 = tpu.vector_load %arg5[%swap3A_385, %swap3A_386] {strides = array<i32>} : memref<8x5376xf32, #tpu.memory_space<vmem>>, vector<1x16xf32>,
    %swap3A_388 = vector.shape_cast %swap3A_387 : vector<1x16xf32> to vector<16xf32>
    %swap3A_389 = vector.shape_cast %broadcast_in_dim3A_12 : vector<16xf32> to vector<1x16xf32>
    tpu.vector_store %arg5[%swap3A_385, %swap3A_386], %swap3A_389 {strides = array<i32>} : memref<8x5376xf32, #tpu.memory_space<vmem>>, vector<1x16xf32>,
    %swap3A_390 = arith.constant 3 : i32
    %swap3A_391 = arith.index_cast %swap3A_390 : i32 to index
    %swap3A_392 = arith.constant 5360 : index
    %swap3A_393 = tpu.vector_load %arg5[%swap3A_391, %swap3A_392] {strides = array<i32>} : memref<8x5376xf32, #tpu.memory_space<vmem>>, vector<1x16xf32>,
    %swap3A_394 = vector.shape_cast %swap3A_393 : vector<1x16xf32> to vector<16xf32>
    %swap3A_395 = vector.shape_cast %broadcast_in_dim3A_12 : vector<16xf32> to vector<1x16xf32>
    tpu.vector_store %arg5[%swap3A_391, %swap3A_392], %swap3A_395 {strides = array<i32>} : memref<8x5376xf32, #tpu.memory_space<vmem>>, vector<1x16xf32>,
    %swap3A_396 = arith.constant 4 : i32
    %swap3A_397 = arith.index_cast %swap3A_396 : i32 to index
    %swap3A_398 = arith.constant 0 : index
    %swap3A_399 = tpu.vector_load %arg5[%swap3A_397, %swap3A_398] {strides = array<i32>} : memref<8x5376xf32, #tpu.memory_space<vmem>>, vector<1x16xf32>,
    %swap3A_400 = vector.shape_cast %swap3A_399 : vector<1x16xf32> to vector<16xf32>
    %swap3A_401 = vector.shape_cast %broadcast_in_dim3A_12 : vector<16xf32> to vector<1x16xf32>
    tpu.vector_store %arg5[%swap3A_397, %swap3A_398], %swap3A_401 {strides = array<i32>} : memref<8x5376xf32, #tpu.memory_space<vmem>>, vector<1x16xf32>,
    %swap3A_402 = arith.constant 4 : i32
    %swap3A_403 = arith.index_cast %swap3A_402 : i32 to index
    %swap3A_404 = arith.constant 5248 : index
    %swap3A_405 = tpu.vector_load %arg5[%swap3A_403, %swap3A_404] {strides = array<i32>} : memref<8x5376xf32, #tpu.memory_space<vmem>>, vector<1x16xf32>,
    %swap3A_406 = vector.shape_cast %swap3A_405 : vector<1x16xf32> to vector<16xf32>
    %swap3A_407 = vector.shape_cast %broadcast_in_dim3A_12 : vector<16xf32> to vector<1x16xf32>
    tpu.vector_store %arg5[%swap3A_403, %swap3A_404], %swap3A_407 {strides = array<i32>} : memref<8x5376xf32, #tpu.memory_space<vmem>>, vector<1x16xf32>,
    %swap3A_408 = arith.constant 4 : i32
    %swap3A_409 = arith.index_cast %swap3A_408 : i32 to index
    %swap3A_410 = arith.constant 16 : index
    %swap3A_411 = tpu.vector_load %arg5[%swap3A_409, %swap3A_410] {strides = array<i32>} : memref<8x5376xf32, #tpu.memory_space<vmem>>, vector<1x16xf32>,
    %swap3A_412 = vector.shape_cast %swap3A_411 : vector<1x16xf32> to vector<16xf32>
    %swap3A_413 = vector.shape_cast %broadcast_in_dim3A_12 : vector<16xf32> to vector<1x16xf32>
    tpu.vector_store %arg5[%swap3A_409, %swap3A_410], %swap3A_413 {strides = array<i32>} : memref<8x5376xf32, #tpu.memory_space<vmem>>, vector<1x16xf32>,
    %swap3A_414 = arith.constant 4 : i32
    %swap3A_415 = arith.index_cast %swap3A_414 : i32 to index
    %swap3A_416 = arith.constant 5264 : index
    %swap3A_417 = tpu.vector_load %arg5[%swap3A_415, %swap3A_416] {strides = array<i32>} : memref<8x5376xf32, #tpu.memory_space<vmem>>, vector<1x16xf32>,
    %swap3A_418 = vector.shape_cast %swap3A_417 : vector<1x16xf32> to vector<16xf32>
    %swap3A_419 = vector.shape_cast %broadcast_in_dim3A_12 : vector<16xf32> to vector<1x16xf32>
    tpu.vector_store %arg5[%swap3A_415, %swap3A_416], %swap3A_419 {strides = array<i32>} : memref<8x5376xf32, #tpu.memory_space<vmem>>, vector<1x16xf32>,
    %swap3A_420 = arith.constant 4 : i32
    %swap3A_421 = arith.index_cast %swap3A_420 : i32 to index
    %swap3A_422 = arith.constant 32 : index
    %swap3A_423 = tpu.vector_load %arg5[%swap3A_421, %swap3A_422] {strides = array<i32>} : memref<8x5376xf32, #tpu.memory_space<vmem>>, vector<1x16xf32>,
    %swap3A_424 = vector.shape_cast %swap3A_423 : vector<1x16xf32> to vector<16xf32>
    %swap3A_425 = vector.shape_cast %broadcast_in_dim3A_12 : vector<16xf32> to vector<1x16xf32>
    tpu.vector_store %arg5[%swap3A_421, %swap3A_422], %swap3A_425 {strides = array<i32>} : memref<8x5376xf32, #tpu.memory_space<vmem>>, vector<1x16xf32>,
    %swap3A_426 = arith.constant 4 : i32
    %swap3A_427 = arith.index_cast %swap3A_426 : i32 to index
    %swap3A_428 = arith.constant 5280 : index
    %swap3A_429 = tpu.vector_load %arg5[%swap3A_427, %swap3A_428] {strides = array<i32>} : memref<8x5376xf32, #tpu.memory_space<vmem>>, vector<1x16xf32>,
    %swap3A_430 = vector.shape_cast %swap3A_429 : vector<1x16xf32> to vector<16xf32>
    %swap3A_431 = vector.shape_cast %broadcast_in_dim3A_12 : vector<16xf32> to vector<1x16xf32>
    tpu.vector_store %arg5[%swap3A_427, %swap3A_428], %swap3A_431 {strides = array<i32>} : memref<8x5376xf32, #tpu.memory_space<vmem>>, vector<1x16xf32>,
    %swap3A_432 = arith.constant 4 : i32
    %swap3A_433 = arith.index_cast %swap3A_432 : i32 to index
    %swap3A_434 = arith.constant 48 : index
    %swap3A_435 = tpu.vector_load %arg5[%swap3A_433, %swap3A_434] {strides = array<i32>} : memref<8x5376xf32, #tpu.memory_space<vmem>>, vector<1x16xf32>,
    %swap3A_436 = vector.shape_cast %swap3A_435 : vector<1x16xf32> to vector<16xf32>
    %swap3A_437 = vector.shape_cast %broadcast_in_dim3A_12 : vector<16xf32> to vector<1x16xf32>
    tpu.vector_store %arg5[%swap3A_433, %swap3A_434], %swap3A_437 {strides = array<i32>} : memref<8x5376xf32, #tpu.memory_space<vmem>>, vector<1x16xf32>,
    %swap3A_438 = arith.constant 4 : i32
    %swap3A_439 = arith.index_cast %swap3A_438 : i32 to index
    %swap3A_440 = arith.constant 5296 : index
    %swap3A_441 = tpu.vector_load %arg5[%swap3A_439, %swap3A_440] {strides = array<i32>} : memref<8x5376xf32, #tpu.memory_space<vmem>>, vector<1x16xf32>,
    %swap3A_442 = vector.shape_cast %swap3A_441 : vector<1x16xf32> to vector<16xf32>
    %swap3A_443 = vector.shape_cast %broadcast_in_dim3A_12 : vector<16xf32> to vector<1x16xf32>
    tpu.vector_store %arg5[%swap3A_439, %swap3A_440], %swap3A_443 {strides = array<i32>} : memref<8x5376xf32, #tpu.memory_space<vmem>>, vector<1x16xf32>,
    %swap3A_444 = arith.constant 4 : i32
    %swap3A_445 = arith.index_cast %swap3A_444 : i32 to index
    %swap3A_446 = arith.constant 64 : index
    %swap3A_447 = tpu.vector_load %arg5[%swap3A_445, %swap3A_446] {strides = array<i32>} : memref<8x5376xf32, #tpu.memory_space<vmem>>, vector<1x16xf32>,
    %swap3A_448 = vector.shape_cast %swap3A_447 : vector<1x16xf32> to vector<16xf32>
    %swap3A_449 = vector.shape_cast %broadcast_in_dim3A_12 : vector<16xf32> to vector<1x16xf32>
    tpu.vector_store %arg5[%swap3A_445, %swap3A_446], %swap3A_449 {strides = array<i32>} : memref<8x5376xf32, #tpu.memory_space<vmem>>, vector<1x16xf32>,
    %swap3A_450 = arith.constant 4 : i32
    %swap3A_451 = arith.index_cast %swap3A_450 : i32 to index
    %swap3A_452 = arith.constant 5312 : index
    %swap3A_453 = tpu.vector_load %arg5[%swap3A_451, %swap3A_452] {strides = array<i32>} : memref<8x5376xf32, #tpu.memory_space<vmem>>, vector<1x16xf32>,
    %swap3A_454 = vector.shape_cast %swap3A_453 : vector<1x16xf32> to vector<16xf32>
    %swap3A_455 = vector.shape_cast %broadcast_in_dim3A_12 : vector<16xf32> to vector<1x16xf32>
    tpu.vector_store %arg5[%swap3A_451, %swap3A_452], %swap3A_455 {strides = array<i32>} : memref<8x5376xf32, #tpu.memory_space<vmem>>, vector<1x16xf32>,
    %swap3A_456 = arith.constant 4 : i32
    %swap3A_457 = arith.index_cast %swap3A_456 : i32 to index
    %swap3A_458 = arith.constant 80 : index
    %swap3A_459 = tpu.vector_load %arg5[%swap3A_457, %swap3A_458] {strides = array<i32>} : memref<8x5376xf32, #tpu.memory_space<vmem>>, vector<1x16xf32>,
    %swap3A_460 = vector.shape_cast %swap3A_459 : vector<1x16xf32> to vector<16xf32>
    %swap3A_461 = vector.shape_cast %broadcast_in_dim3A_12 : vector<16xf32> to vector<1x16xf32>
    tpu.vector_store %arg5[%swap3A_457, %swap3A_458], %swap3A_461 {strides = array<i32>} : memref<8x5376xf32, #tpu.memory_space<vmem>>, vector<1x16xf32>,
    %swap3A_462 = arith.constant 4 : i32
    %swap3A_463 = arith.index_cast %swap3A_462 : i32 to index
    %swap3A_464 = arith.constant 5328 : index
    %swap3A_465 = tpu.vector_load %arg5[%swap3A_463, %swap3A_464] {strides = array<i32>} : memref<8x5376xf32, #tpu.memory_space<vmem>>, vector<1x16xf32>,
    %swap3A_466 = vector.shape_cast %swap3A_465 : vector<1x16xf32> to vector<16xf32>
    %swap3A_467 = vector.shape_cast %broadcast_in_dim3A_12 : vector<16xf32> to vector<1x16xf32>
    tpu.vector_store %arg5[%swap3A_463, %swap3A_464], %swap3A_467 {strides = array<i32>} : memref<8x5376xf32, #tpu.memory_space<vmem>>, vector<1x16xf32>,
    %swap3A_468 = arith.constant 4 : i32
    %swap3A_469 = arith.index_cast %swap3A_468 : i32 to index
    %swap3A_470 = arith.constant 96 : index
    %swap3A_471 = tpu.vector_load %arg5[%swap3A_469, %swap3A_470] {strides = array<i32>} : memref<8x5376xf32, #tpu.memory_space<vmem>>, vector<1x16xf32>,
    %swap3A_472 = vector.shape_cast %swap3A_471 : vector<1x16xf32> to vector<16xf32>
    %swap3A_473 = vector.shape_cast %broadcast_in_dim3A_12 : vector<16xf32> to vector<1x16xf32>
    tpu.vector_store %arg5[%swap3A_469, %swap3A_470], %swap3A_473 {strides = array<i32>} : memref<8x5376xf32, #tpu.memory_space<vmem>>, vector<1x16xf32>,
    %swap3A_474 = arith.constant 4 : i32
    %swap3A_475 = arith.index_cast %swap3A_474 : i32 to index
    %swap3A_476 = arith.constant 5344 : index
    %swap3A_477 = tpu.vector_load %arg5[%swap3A_475, %swap3A_476] {strides = array<i32>} : memref<8x5376xf32, #tpu.memory_space<vmem>>, vector<1x16xf32>,
    %swap3A_478 = vector.shape_cast %swap3A_477 : vector<1x16xf32> to vector<16xf32>
    %swap3A_479 = vector.shape_cast %broadcast_in_dim3A_12 : vector<16xf32> to vector<1x16xf32>
    tpu.vector_store %arg5[%swap3A_475, %swap3A_476], %swap3A_479 {strides = array<i32>} : memref<8x5376xf32, #tpu.memory_space<vmem>>, vector<1x16xf32>,
    %swap3A_480 = arith.constant 4 : i32
    %swap3A_481 = arith.index_cast %swap3A_480 : i32 to index
    %swap3A_482 = arith.constant 112 : index
    %swap3A_483 = tpu.vector_load %arg5[%swap3A_481, %swap3A_482] {strides = array<i32>} : memref<8x5376xf32, #tpu.memory_space<vmem>>, vector<1x16xf32>,
    %swap3A_484 = vector.shape_cast %swap3A_483 : vector<1x16xf32> to vector<16xf32>
    %swap3A_485 = vector.shape_cast %broadcast_in_dim3A_12 : vector<16xf32> to vector<1x16xf32>
    tpu.vector_store %arg5[%swap3A_481, %swap3A_482], %swap3A_485 {strides = array<i32>} : memref<8x5376xf32, #tpu.memory_space<vmem>>, vector<1x16xf32>,
    %swap3A_486 = arith.constant 4 : i32
    %swap3A_487 = arith.index_cast %swap3A_486 : i32 to index
    %swap3A_488 = arith.constant 5360 : index
    %swap3A_489 = tpu.vector_load %arg5[%swap3A_487, %swap3A_488] {strides = array<i32>} : memref<8x5376xf32, #tpu.memory_space<vmem>>, vector<1x16xf32>,
    %swap3A_490 = vector.shape_cast %swap3A_489 : vector<1x16xf32> to vector<16xf32>
    %swap3A_491 = vector.shape_cast %broadcast_in_dim3A_12 : vector<16xf32> to vector<1x16xf32>
    tpu.vector_store %arg5[%swap3A_487, %swap3A_488], %swap3A_491 {strides = array<i32>} : memref<8x5376xf32, #tpu.memory_space<vmem>>, vector<1x16xf32>,
    %swap3A_492 = arith.constant 5 : i32
    %swap3A_493 = arith.index_cast %swap3A_492 : i32 to index
    %swap3A_494 = arith.constant 0 : index
    %swap3A_495 = tpu.vector_load %arg5[%swap3A_493, %swap3A_494] {strides = array<i32>} : memref<8x5376xf32, #tpu.memory_space<vmem>>, vector<1x16xf32>,
    %swap3A_496 = vector.shape_cast %swap3A_495 : vector<1x16xf32> to vector<16xf32>
    %swap3A_497 = vector.shape_cast %broadcast_in_dim3A_12 : vector<16xf32> to vector<1x16xf32>
    tpu.vector_store %arg5[%swap3A_493, %swap3A_494], %swap3A_497 {strides = array<i32>} : memref<8x5376xf32, #tpu.memory_space<vmem>>, vector<1x16xf32>,
    %swap3A_498 = arith.constant 5 : i32
    %swap3A_499 = arith.index_cast %swap3A_498 : i32 to index
    %swap3A_500 = arith.constant 5248 : index
    %swap3A_501 = tpu.vector_load %arg5[%swap3A_499, %swap3A_500] {strides = array<i32>} : memref<8x5376xf32, #tpu.memory_space<vmem>>, vector<1x16xf32>,
    %swap3A_502 = vector.shape_cast %swap3A_501 : vector<1x16xf32> to vector<16xf32>
    %swap3A_503 = vector.shape_cast %broadcast_in_dim3A_12 : vector<16xf32> to vector<1x16xf32>
    tpu.vector_store %arg5[%swap3A_499, %swap3A_500], %swap3A_503 {strides = array<i32>} : memref<8x5376xf32, #tpu.memory_space<vmem>>, vector<1x16xf32>,
    %swap3A_504 = arith.constant 5 : i32
    %swap3A_505 = arith.index_cast %swap3A_504 : i32 to index
    %swap3A_506 = arith.constant 16 : index
    %swap3A_507 = tpu.vector_load %arg5[%swap3A_505, %swap3A_506] {strides = array<i32>} : memref<8x5376xf32, #tpu.memory_space<vmem>>, vector<1x16xf32>,
    %swap3A_508 = vector.shape_cast %swap3A_507 : vector<1x16xf32> to vector<16xf32>
    %swap3A_509 = vector.shape_cast %broadcast_in_dim3A_12 : vector<16xf32> to vector<1x16xf32>
    tpu.vector_store %arg5[%swap3A_505, %swap3A_506], %swap3A_509 {strides = array<i32>} : memref<8x5376xf32, #tpu.memory_space<vmem>>, vector<1x16xf32>,
    %swap3A_510 = arith.constant 5 : i32
    %swap3A_511 = arith.index_cast %swap3A_510 : i32 to index
    %swap3A_512 = arith.constant 5264 : index
    %swap3A_513 = tpu.vector_load %arg5[%swap3A_511, %swap3A_512] {strides = array<i32>} : memref<8x5376xf32, #tpu.memory_space<vmem>>, vector<1x16xf32>,
    %swap3A_514 = vector.shape_cast %swap3A_513 : vector<1x16xf32> to vector<16xf32>
    %swap3A_515 = vector.shape_cast %broadcast_in_dim3A_12 : vector<16xf32> to vector<1x16xf32>
    tpu.vector_store %arg5[%swap3A_511, %swap3A_512], %swap3A_515 {strides = array<i32>} : memref<8x5376xf32, #tpu.memory_space<vmem>>, vector<1x16xf32>,
    %swap3A_516 = arith.constant 5 : i32
    %swap3A_517 = arith.index_cast %swap3A_516 : i32 to index
    %swap3A_518 = arith.constant 32 : index
    %swap3A_519 = tpu.vector_load %arg5[%swap3A_517, %swap3A_518] {strides = array<i32>} : memref<8x5376xf32, #tpu.memory_space<vmem>>, vector<1x16xf32>,
    %swap3A_520 = vector.shape_cast %swap3A_519 : vector<1x16xf32> to vector<16xf32>
    %swap3A_521 = vector.shape_cast %broadcast_in_dim3A_12 : vector<16xf32> to vector<1x16xf32>
    tpu.vector_store %arg5[%swap3A_517, %swap3A_518], %swap3A_521 {strides = array<i32>} : memref<8x5376xf32, #tpu.memory_space<vmem>>, vector<1x16xf32>,
    %swap3A_522 = arith.constant 5 : i32
    %swap3A_523 = arith.index_cast %swap3A_522 : i32 to index
    %swap3A_524 = arith.constant 5280 : index
    %swap3A_525 = tpu.vector_load %arg5[%swap3A_523, %swap3A_524] {strides = array<i32>} : memref<8x5376xf32, #tpu.memory_space<vmem>>, vector<1x16xf32>,
    %swap3A_526 = vector.shape_cast %swap3A_525 : vector<1x16xf32> to vector<16xf32>
    %swap3A_527 = vector.shape_cast %broadcast_in_dim3A_12 : vector<16xf32> to vector<1x16xf32>
    tpu.vector_store %arg5[%swap3A_523, %swap3A_524], %swap3A_527 {strides = array<i32>} : memref<8x5376xf32, #tpu.memory_space<vmem>>, vector<1x16xf32>,
    %swap3A_528 = arith.constant 5 : i32
    %swap3A_529 = arith.index_cast %swap3A_528 : i32 to index
    %swap3A_530 = arith.constant 48 : index
    %swap3A_531 = tpu.vector_load %arg5[%swap3A_529, %swap3A_530] {strides = array<i32>} : memref<8x5376xf32, #tpu.memory_space<vmem>>, vector<1x16xf32>,
    %swap3A_532 = vector.shape_cast %swap3A_531 : vector<1x16xf32> to vector<16xf32>
    %swap3A_533 = vector.shape_cast %broadcast_in_dim3A_12 : vector<16xf32> to vector<1x16xf32>
    tpu.vector_store %arg5[%swap3A_529, %swap3A_530], %swap3A_533 {strides = array<i32>} : memref<8x5376xf32, #tpu.memory_space<vmem>>, vector<1x16xf32>,
    %swap3A_534 = arith.constant 5 : i32
    %swap3A_535 = arith.index_cast %swap3A_534 : i32 to index
    %swap3A_536 = arith.constant 5296 : index
    %swap3A_537 = tpu.vector_load %arg5[%swap3A_535, %swap3A_536] {strides = array<i32>} : memref<8x5376xf32, #tpu.memory_space<vmem>>, vector<1x16xf32>,
    %swap3A_538 = vector.shape_cast %swap3A_537 : vector<1x16xf32> to vector<16xf32>
    %swap3A_539 = vector.shape_cast %broadcast_in_dim3A_12 : vector<16xf32> to vector<1x16xf32>
    tpu.vector_store %arg5[%swap3A_535, %swap3A_536], %swap3A_539 {strides = array<i32>} : memref<8x5376xf32, #tpu.memory_space<vmem>>, vector<1x16xf32>,
    %swap3A_540 = arith.constant 5 : i32
    %swap3A_541 = arith.index_cast %swap3A_540 : i32 to index
    %swap3A_542 = arith.constant 64 : index
    %swap3A_543 = tpu.vector_load %arg5[%swap3A_541, %swap3A_542] {strides = array<i32>} : memref<8x5376xf32, #tpu.memory_space<vmem>>, vector<1x16xf32>,
    %swap3A_544 = vector.shape_cast %swap3A_543 : vector<1x16xf32> to vector<16xf32>
    %swap3A_545 = vector.shape_cast %broadcast_in_dim3A_12 : vector<16xf32> to vector<1x16xf32>
    tpu.vector_store %arg5[%swap3A_541, %swap3A_542], %swap3A_545 {strides = array<i32>} : memref<8x5376xf32, #tpu.memory_space<vmem>>, vector<1x16xf32>,
    %swap3A_546 = arith.constant 5 : i32
    %swap3A_547 = arith.index_cast %swap3A_546 : i32 to index
    %swap3A_548 = arith.constant 5312 : index
    %swap3A_549 = tpu.vector_load %arg5[%swap3A_547, %swap3A_548] {strides = array<i32>} : memref<8x5376xf32, #tpu.memory_space<vmem>>, vector<1x16xf32>,
    %swap3A_550 = vector.shape_cast %swap3A_549 : vector<1x16xf32> to vector<16xf32>
    %swap3A_551 = vector.shape_cast %broadcast_in_dim3A_12 : vector<16xf32> to vector<1x16xf32>
    tpu.vector_store %arg5[%swap3A_547, %swap3A_548], %swap3A_551 {strides = array<i32>} : memref<8x5376xf32, #tpu.memory_space<vmem>>, vector<1x16xf32>,
    %swap3A_552 = arith.constant 5 : i32
    %swap3A_553 = arith.index_cast %swap3A_552 : i32 to index
    %swap3A_554 = arith.constant 80 : index
    %swap3A_555 = tpu.vector_load %arg5[%swap3A_553, %swap3A_554] {strides = array<i32>} : memref<8x5376xf32, #tpu.memory_space<vmem>>, vector<1x16xf32>,
    %swap3A_556 = vector.shape_cast %swap3A_555 : vector<1x16xf32> to vector<16xf32>
    %swap3A_557 = vector.shape_cast %broadcast_in_dim3A_12 : vector<16xf32> to vector<1x16xf32>
    tpu.vector_store %arg5[%swap3A_553, %swap3A_554], %swap3A_557 {strides = array<i32>} : memref<8x5376xf32, #tpu.memory_space<vmem>>, vector<1x16xf32>,
    %swap3A_558 = arith.constant 5 : i32
    %swap3A_559 = arith.index_cast %swap3A_558 : i32 to index
    %swap3A_560 = arith.constant 5328 : index
    %swap3A_561 = tpu.vector_load %arg5[%swap3A_559, %swap3A_560] {strides = array<i32>} : memref<8x5376xf32, #tpu.memory_space<vmem>>, vector<1x16xf32>,
    %swap3A_562 = vector.shape_cast %swap3A_561 : vector<1x16xf32> to vector<16xf32>
    %swap3A_563 = vector.shape_cast %broadcast_in_dim3A_12 : vector<16xf32> to vector<1x16xf32>
    tpu.vector_store %arg5[%swap3A_559, %swap3A_560], %swap3A_563 {strides = array<i32>} : memref<8x5376xf32, #tpu.memory_space<vmem>>, vector<1x16xf32>,
    %swap3A_564 = arith.constant 5 : i32
    %swap3A_565 = arith.index_cast %swap3A_564 : i32 to index
    %swap3A_566 = arith.constant 96 : index
    %swap3A_567 = tpu.vector_load %arg5[%swap3A_565, %swap3A_566] {strides = array<i32>} : memref<8x5376xf32, #tpu.memory_space<vmem>>, vector<1x16xf32>,
    %swap3A_568 = vector.shape_cast %swap3A_567 : vector<1x16xf32> to vector<16xf32>
    %swap3A_569 = vector.shape_cast %broadcast_in_dim3A_12 : vector<16xf32> to vector<1x16xf32>
    tpu.vector_store %arg5[%swap3A_565, %swap3A_566], %swap3A_569 {strides = array<i32>} : memref<8x5376xf32, #tpu.memory_space<vmem>>, vector<1x16xf32>,
    %swap3A_570 = arith.constant 5 : i32
    %swap3A_571 = arith.index_cast %swap3A_570 : i32 to index
    %swap3A_572 = arith.constant 5344 : index
    %swap3A_573 = tpu.vector_load %arg5[%swap3A_571, %swap3A_572] {strides = array<i32>} : memref<8x5376xf32, #tpu.memory_space<vmem>>, vector<1x16xf32>,
    %swap3A_574 = vector.shape_cast %swap3A_573 : vector<1x16xf32> to vector<16xf32>
    %swap3A_575 = vector.shape_cast %broadcast_in_dim3A_12 : vector<16xf32> to vector<1x16xf32>
    tpu.vector_store %arg5[%swap3A_571, %swap3A_572], %swap3A_575 {strides = array<i32>} : memref<8x5376xf32, #tpu.memory_space<vmem>>, vector<1x16xf32>,
    %swap3A_576 = arith.constant 5 : i32
    %swap3A_577 = arith.index_cast %swap3A_576 : i32 to index
    %swap3A_578 = arith.constant 112 : index
    %swap3A_579 = tpu.vector_load %arg5[%swap3A_577, %swap3A_578] {strides = array<i32>} : memref<8x5376xf32, #tpu.memory_space<vmem>>, vector<1x16xf32>,
    %swap3A_580 = vector.shape_cast %swap3A_579 : vector<1x16xf32> to vector<16xf32>
    %swap3A_581 = vector.shape_cast %broadcast_in_dim3A_12 : vector<16xf32> to vector<1x16xf32>
    tpu.vector_store %arg5[%swap3A_577, %swap3A_578], %swap3A_581 {strides = array<i32>} : memref<8x5376xf32, #tpu.memory_space<vmem>>, vector<1x16xf32>,
    %swap3A_582 = arith.constant 5 : i32
    %swap3A_583 = arith.index_cast %swap3A_582 : i32 to index
    %swap3A_584 = arith.constant 5360 : index
    %swap3A_585 = tpu.vector_load %arg5[%swap3A_583, %swap3A_584] {strides = array<i32>} : memref<8x5376xf32, #tpu.memory_space<vmem>>, vector<1x16xf32>,
    %swap3A_586 = vector.shape_cast %swap3A_585 : vector<1x16xf32> to vector<16xf32>
    %swap3A_587 = vector.shape_cast %broadcast_in_dim3A_12 : vector<16xf32> to vector<1x16xf32>
    tpu.vector_store %arg5[%swap3A_583, %swap3A_584], %swap3A_587 {strides = array<i32>} : memref<8x5376xf32, #tpu.memory_space<vmem>>, vector<1x16xf32>,
    %swap3A_588 = arith.constant 6 : i32
    %swap3A_589 = arith.index_cast %swap3A_588 : i32 to index
    %swap3A_590 = arith.constant 0 : index
    %swap3A_591 = tpu.vector_load %arg5[%swap3A_589, %swap3A_590] {strides = array<i32>} : memref<8x5376xf32, #tpu.memory_space<vmem>>, vector<1x16xf32>,
    %swap3A_592 = vector.shape_cast %swap3A_591 : vector<1x16xf32> to vector<16xf32>
    %swap3A_593 = vector.shape_cast %broadcast_in_dim3A_12 : vector<16xf32> to vector<1x16xf32>
    tpu.vector_store %arg5[%swap3A_589, %swap3A_590], %swap3A_593 {strides = array<i32>} : memref<8x5376xf32, #tpu.memory_space<vmem>>, vector<1x16xf32>,
    %swap3A_594 = arith.constant 6 : i32
    %swap3A_595 = arith.index_cast %swap3A_594 : i32 to index
    %swap3A_596 = arith.constant 5248 : index
    %swap3A_597 = tpu.vector_load %arg5[%swap3A_595, %swap3A_596] {strides = array<i32>} : memref<8x5376xf32, #tpu.memory_space<vmem>>, vector<1x16xf32>,
    %swap3A_598 = vector.shape_cast %swap3A_597 : vector<1x16xf32> to vector<16xf32>
    %swap3A_599 = vector.shape_cast %broadcast_in_dim3A_12 : vector<16xf32> to vector<1x16xf32>
    tpu.vector_store %arg5[%swap3A_595, %swap3A_596], %swap3A_599 {strides = array<i32>} : memref<8x5376xf32, #tpu.memory_space<vmem>>, vector<1x16xf32>,
    %swap3A_600 = arith.constant 6 : i32
    %swap3A_601 = arith.index_cast %swap3A_600 : i32 to index
    %swap3A_602 = arith.constant 16 : index
    %swap3A_603 = tpu.vector_load %arg5[%swap3A_601, %swap3A_602] {strides = array<i32>} : memref<8x5376xf32, #tpu.memory_space<vmem>>, vector<1x16xf32>,
    %swap3A_604 = vector.shape_cast %swap3A_603 : vector<1x16xf32> to vector<16xf32>
    %swap3A_605 = vector.shape_cast %broadcast_in_dim3A_12 : vector<16xf32> to vector<1x16xf32>
    tpu.vector_store %arg5[%swap3A_601, %swap3A_602], %swap3A_605 {strides = array<i32>} : memref<8x5376xf32, #tpu.memory_space<vmem>>, vector<1x16xf32>,
    %swap3A_606 = arith.constant 6 : i32
    %swap3A_607 = arith.index_cast %swap3A_606 : i32 to index
    %swap3A_608 = arith.constant 5264 : index
    %swap3A_609 = tpu.vector_load %arg5[%swap3A_607, %swap3A_608] {strides = array<i32>} : memref<8x5376xf32, #tpu.memory_space<vmem>>, vector<1x16xf32>,
    %swap3A_610 = vector.shape_cast %swap3A_609 : vector<1x16xf32> to vector<16xf32>
    %swap3A_611 = vector.shape_cast %broadcast_in_dim3A_12 : vector<16xf32> to vector<1x16xf32>
    tpu.vector_store %arg5[%swap3A_607, %swap3A_608], %swap3A_611 {strides = array<i32>} : memref<8x5376xf32, #tpu.memory_space<vmem>>, vector<1x16xf32>,
    %swap3A_612 = arith.constant 6 : i32
    %swap3A_613 = arith.index_cast %swap3A_612 : i32 to index
    %swap3A_614 = arith.constant 32 : index
    %swap3A_615 = tpu.vector_load %arg5[%swap3A_613, %swap3A_614] {strides = array<i32>} : memref<8x5376xf32, #tpu.memory_space<vmem>>, vector<1x16xf32>,
    %swap3A_616 = vector.shape_cast %swap3A_615 : vector<1x16xf32> to vector<16xf32>
    %swap3A_617 = vector.shape_cast %broadcast_in_dim3A_12 : vector<16xf32> to vector<1x16xf32>
    tpu.vector_store %arg5[%swap3A_613, %swap3A_614], %swap3A_617 {strides = array<i32>} : memref<8x5376xf32, #tpu.memory_space<vmem>>, vector<1x16xf32>,
    %swap3A_618 = arith.constant 6 : i32
    %swap3A_619 = arith.index_cast %swap3A_618 : i32 to index
    %swap3A_620 = arith.constant 5280 : index
    %swap3A_621 = tpu.vector_load %arg5[%swap3A_619, %swap3A_620] {strides = array<i32>} : memref<8x5376xf32, #tpu.memory_space<vmem>>, vector<1x16xf32>,
    %swap3A_622 = vector.shape_cast %swap3A_621 : vector<1x16xf32> to vector<16xf32>
    %swap3A_623 = vector.shape_cast %broadcast_in_dim3A_12 : vector<16xf32> to vector<1x16xf32>
    tpu.vector_store %arg5[%swap3A_619, %swap3A_620], %swap3A_623 {strides = array<i32>} : memref<8x5376xf32, #tpu.memory_space<vmem>>, vector<1x16xf32>,
    %swap3A_624 = arith.constant 6 : i32
    %swap3A_625 = arith.index_cast %swap3A_624 : i32 to index
    %swap3A_626 = arith.constant 48 : index
    %swap3A_627 = tpu.vector_load %arg5[%swap3A_625, %swap3A_626] {strides = array<i32>} : memref<8x5376xf32, #tpu.memory_space<vmem>>, vector<1x16xf32>,
    %swap3A_628 = vector.shape_cast %swap3A_627 : vector<1x16xf32> to vector<16xf32>
    %swap3A_629 = vector.shape_cast %broadcast_in_dim3A_12 : vector<16xf32> to vector<1x16xf32>
    tpu.vector_store %arg5[%swap3A_625, %swap3A_626], %swap3A_629 {strides = array<i32>} : memref<8x5376xf32, #tpu.memory_space<vmem>>, vector<1x16xf32>,
    %swap3A_630 = arith.constant 6 : i32
    %swap3A_631 = arith.index_cast %swap3A_630 : i32 to index
    %swap3A_632 = arith.constant 5296 : index
    %swap3A_633 = tpu.vector_load %arg5[%swap3A_631, %swap3A_632] {strides = array<i32>} : memref<8x5376xf32, #tpu.memory_space<vmem>>, vector<1x16xf32>,
    %swap3A_634 = vector.shape_cast %swap3A_633 : vector<1x16xf32> to vector<16xf32>
    %swap3A_635 = vector.shape_cast %broadcast_in_dim3A_12 : vector<16xf32> to vector<1x16xf32>
    tpu.vector_store %arg5[%swap3A_631, %swap3A_632], %swap3A_635 {strides = array<i32>} : memref<8x5376xf32, #tpu.memory_space<vmem>>, vector<1x16xf32>,
    %swap3A_636 = arith.constant 6 : i32
    %swap3A_637 = arith.index_cast %swap3A_636 : i32 to index
    %swap3A_638 = arith.constant 64 : index
    %swap3A_639 = tpu.vector_load %arg5[%swap3A_637, %swap3A_638] {strides = array<i32>} : memref<8x5376xf32, #tpu.memory_space<vmem>>, vector<1x16xf32>,
    %swap3A_640 = vector.shape_cast %swap3A_639 : vector<1x16xf32> to vector<16xf32>
    %swap3A_641 = vector.shape_cast %broadcast_in_dim3A_12 : vector<16xf32> to vector<1x16xf32>
    tpu.vector_store %arg5[%swap3A_637, %swap3A_638], %swap3A_641 {strides = array<i32>} : memref<8x5376xf32, #tpu.memory_space<vmem>>, vector<1x16xf32>,
    %swap3A_642 = arith.constant 6 : i32
    %swap3A_643 = arith.index_cast %swap3A_642 : i32 to index
    %swap3A_644 = arith.constant 5312 : index
    %swap3A_645 = tpu.vector_load %arg5[%swap3A_643, %swap3A_644] {strides = array<i32>} : memref<8x5376xf32, #tpu.memory_space<vmem>>, vector<1x16xf32>,
    %swap3A_646 = vector.shape_cast %swap3A_645 : vector<1x16xf32> to vector<16xf32>
    %swap3A_647 = vector.shape_cast %broadcast_in_dim3A_12 : vector<16xf32> to vector<1x16xf32>
    tpu.vector_store %arg5[%swap3A_643, %swap3A_644], %swap3A_647 {strides = array<i32>} : memref<8x5376xf32, #tpu.memory_space<vmem>>, vector<1x16xf32>,
    %swap3A_648 = arith.constant 6 : i32
    %swap3A_649 = arith.index_cast %swap3A_648 : i32 to index
    %swap3A_650 = arith.constant 80 : index
    %swap3A_651 = tpu.vector_load %arg5[%swap3A_649, %swap3A_650] {strides = array<i32>} : memref<8x5376xf32, #tpu.memory_space<vmem>>, vector<1x16xf32>,
    %swap3A_652 = vector.shape_cast %swap3A_651 : vector<1x16xf32> to vector<16xf32>
    %swap3A_653 = vector.shape_cast %broadcast_in_dim3A_12 : vector<16xf32> to vector<1x16xf32>
    tpu.vector_store %arg5[%swap3A_649, %swap3A_650], %swap3A_653 {strides = array<i32>} : memref<8x5376xf32, #tpu.memory_space<vmem>>, vector<1x16xf32>,
    %swap3A_654 = arith.constant 6 : i32
    %swap3A_655 = arith.index_cast %swap3A_654 : i32 to index
    %swap3A_656 = arith.constant 5328 : index
    %swap3A_657 = tpu.vector_load %arg5[%swap3A_655, %swap3A_656] {strides = array<i32>} : memref<8x5376xf32, #tpu.memory_space<vmem>>, vector<1x16xf32>,
    %swap3A_658 = vector.shape_cast %swap3A_657 : vector<1x16xf32> to vector<16xf32>
    %swap3A_659 = vector.shape_cast %broadcast_in_dim3A_12 : vector<16xf32> to vector<1x16xf32>
    tpu.vector_store %arg5[%swap3A_655, %swap3A_656], %swap3A_659 {strides = array<i32>} : memref<8x5376xf32, #tpu.memory_space<vmem>>, vector<1x16xf32>,
    %swap3A_660 = arith.constant 6 : i32
    %swap3A_661 = arith.index_cast %swap3A_660 : i32 to index
    %swap3A_662 = arith.constant 96 : index
    %swap3A_663 = tpu.vector_load %arg5[%swap3A_661, %swap3A_662] {strides = array<i32>} : memref<8x5376xf32, #tpu.memory_space<vmem>>, vector<1x16xf32>,
    %swap3A_664 = vector.shape_cast %swap3A_663 : vector<1x16xf32> to vector<16xf32>
    %swap3A_665 = vector.shape_cast %broadcast_in_dim3A_12 : vector<16xf32> to vector<1x16xf32>
    tpu.vector_store %arg5[%swap3A_661, %swap3A_662], %swap3A_665 {strides = array<i32>} : memref<8x5376xf32, #tpu.memory_space<vmem>>, vector<1x16xf32>,
    %swap3A_666 = arith.constant 6 : i32
    %swap3A_667 = arith.index_cast %swap3A_666 : i32 to index
    %swap3A_668 = arith.constant 5344 : index
    %swap3A_669 = tpu.vector_load %arg5[%swap3A_667, %swap3A_668] {strides = array<i32>} : memref<8x5376xf32, #tpu.memory_space<vmem>>, vector<1x16xf32>,
    %swap3A_670 = vector.shape_cast %swap3A_669 : vector<1x16xf32> to vector<16xf32>
    %swap3A_671 = vector.shape_cast %broadcast_in_dim3A_12 : vector<16xf32> to vector<1x16xf32>
    tpu.vector_store %arg5[%swap3A_667, %swap3A_668], %swap3A_671 {strides = array<i32>} : memref<8x5376xf32, #tpu.memory_space<vmem>>, vector<1x16xf32>,
    %swap3A_672 = arith.constant 6 : i32
    %swap3A_673 = arith.index_cast %swap3A_672 : i32 to index
    %swap3A_674 = arith.constant 112 : index
    %swap3A_675 = tpu.vector_load %arg5[%swap3A_673, %swap3A_674] {strides = array<i32>} : memref<8x5376xf32, #tpu.memory_space<vmem>>, vector<1x16xf32>,
    %swap3A_676 = vector.shape_cast %swap3A_675 : vector<1x16xf32> to vector<16xf32>
    %swap3A_677 = vector.shape_cast %broadcast_in_dim3A_12 : vector<16xf32> to vector<1x16xf32>
    tpu.vector_store %arg5[%swap3A_673, %swap3A_674], %swap3A_677 {strides = array<i32>} : memref<8x5376xf32, #tpu.memory_space<vmem>>, vector<1x16xf32>,
    %swap3A_678 = arith.constant 6 : i32
    %swap3A_679 = arith.index_cast %swap3A_678 : i32 to index
    %swap3A_680 = arith.constant 5360 : index
    %swap3A_681 = tpu.vector_load %arg5[%swap3A_679, %swap3A_680] {strides = array<i32>} : memref<8x5376xf32, #tpu.memory_space<vmem>>, vector<1x16xf32>,
    %swap3A_682 = vector.shape_cast %swap3A_681 : vector<1x16xf32> to vector<16xf32>
    %swap3A_683 = vector.shape_cast %broadcast_in_dim3A_12 : vector<16xf32> to vector<1x16xf32>
    tpu.vector_store %arg5[%swap3A_679, %swap3A_680], %swap3A_683 {strides = array<i32>} : memref<8x5376xf32, #tpu.memory_space<vmem>>, vector<1x16xf32>,
    %swap3A_684 = arith.constant 7 : i32
    %swap3A_685 = arith.index_cast %swap3A_684 : i32 to index
    %swap3A_686 = arith.constant 0 : index
    %swap3A_687 = tpu.vector_load %arg5[%swap3A_685, %swap3A_686] {strides = array<i32>} : memref<8x5376xf32, #tpu.memory_space<vmem>>, vector<1x16xf32>,
    %swap3A_688 = vector.shape_cast %swap3A_687 : vector<1x16xf32> to vector<16xf32>
    %swap3A_689 = vector.shape_cast %broadcast_in_dim3A_12 : vector<16xf32> to vector<1x16xf32>
    tpu.vector_store %arg5[%swap3A_685, %swap3A_686], %swap3A_689 {strides = array<i32>} : memref<8x5376xf32, #tpu.memory_space<vmem>>, vector<1x16xf32>,
    %swap3A_690 = arith.constant 7 : i32
    %swap3A_691 = arith.index_cast %swap3A_690 : i32 to index
    %swap3A_692 = arith.constant 5248 : index
    %swap3A_693 = tpu.vector_load %arg5[%swap3A_691, %swap3A_692] {strides = array<i32>} : memref<8x5376xf32, #tpu.memory_space<vmem>>, vector<1x16xf32>,
    %swap3A_694 = vector.shape_cast %swap3A_693 : vector<1x16xf32> to vector<16xf32>
    %swap3A_695 = vector.shape_cast %broadcast_in_dim3A_12 : vector<16xf32> to vector<1x16xf32>
    tpu.vector_store %arg5[%swap3A_691, %swap3A_692], %swap3A_695 {strides = array<i32>} : memref<8x5376xf32, #tpu.memory_space<vmem>>, vector<1x16xf32>,
    %swap3A_696 = arith.constant 7 : i32
    %swap3A_697 = arith.index_cast %swap3A_696 : i32 to index
    %swap3A_698 = arith.constant 16 : index
    %swap3A_699 = tpu.vector_load %arg5[%swap3A_697, %swap3A_698] {strides = array<i32>} : memref<8x5376xf32, #tpu.memory_space<vmem>>, vector<1x16xf32>,
    %swap3A_700 = vector.shape_cast %swap3A_699 : vector<1x16xf32> to vector<16xf32>
    %swap3A_701 = vector.shape_cast %broadcast_in_dim3A_12 : vector<16xf32> to vector<1x16xf32>
    tpu.vector_store %arg5[%swap3A_697, %swap3A_698], %swap3A_701 {strides = array<i32>} : memref<8x5376xf32, #tpu.memory_space<vmem>>, vector<1x16xf32>,
    %swap3A_702 = arith.constant 7 : i32
    %swap3A_703 = arith.index_cast %swap3A_702 : i32 to index
    %swap3A_704 = arith.constant 5264 : index
    %swap3A_705 = tpu.vector_load %arg5[%swap3A_703, %swap3A_704] {strides = array<i32>} : memref<8x5376xf32, #tpu.memory_space<vmem>>, vector<1x16xf32>,
    %swap3A_706 = vector.shape_cast %swap3A_705 : vector<1x16xf32> to vector<16xf32>
    %swap3A_707 = vector.shape_cast %broadcast_in_dim3A_12 : vector<16xf32> to vector<1x16xf32>
    tpu.vector_store %arg5[%swap3A_703, %swap3A_704], %swap3A_707 {strides = array<i32>} : memref<8x5376xf32, #tpu.memory_space<vmem>>, vector<1x16xf32>,
    %swap3A_708 = arith.constant 7 : i32
    %swap3A_709 = arith.index_cast %swap3A_708 : i32 to index
    %swap3A_710 = arith.constant 32 : index
    %swap3A_711 = tpu.vector_load %arg5[%swap3A_709, %swap3A_710] {strides = array<i32>} : memref<8x5376xf32, #tpu.memory_space<vmem>>, vector<1x16xf32>,
    %swap3A_712 = vector.shape_cast %swap3A_711 : vector<1x16xf32> to vector<16xf32>
    %swap3A_713 = vector.shape_cast %broadcast_in_dim3A_12 : vector<16xf32> to vector<1x16xf32>
    tpu.vector_store %arg5[%swap3A_709, %swap3A_710], %swap3A_713 {strides = array<i32>} : memref<8x5376xf32, #tpu.memory_space<vmem>>, vector<1x16xf32>,
    %swap3A_714 = arith.constant 7 : i32
    %swap3A_715 = arith.index_cast %swap3A_714 : i32 to index
    %swap3A_716 = arith.constant 5280 : index
    %swap3A_717 = tpu.vector_load %arg5[%swap3A_715, %swap3A_716] {strides = array<i32>} : memref<8x5376xf32, #tpu.memory_space<vmem>>, vector<1x16xf32>,
    %swap3A_718 = vector.shape_cast %swap3A_717 : vector<1x16xf32> to vector<16xf32>
    %swap3A_719 = vector.shape_cast %broadcast_in_dim3A_12 : vector<16xf32> to vector<1x16xf32>
    tpu.vector_store %arg5[%swap3A_715, %swap3A_716], %swap3A_719 {strides = array<i32>} : memref<8x5376xf32, #tpu.memory_space<vmem>>, vector<1x16xf32>,
    %swap3A_720 = arith.constant 7 : i32
    %swap3A_721 = arith.index_cast %swap3A_720 : i32 to index
    %swap3A_722 = arith.constant 48 : index
    %swap3A_723 = tpu.vector_load %arg5[%swap3A_721, %swap3A_722] {strides = array<i32>} : memref<8x5376xf32, #tpu.memory_space<vmem>>, vector<1x16xf32>,
    %swap3A_724 = vector.shape_cast %swap3A_723 : vector<1x16xf32> to vector<16xf32>
    %swap3A_725 = vector.shape_cast %broadcast_in_dim3A_12 : vector<16xf32> to vector<1x16xf32>
    tpu.vector_store %arg5[%swap3A_721, %swap3A_722], %swap3A_725 {strides = array<i32>} : memref<8x5376xf32, #tpu.memory_space<vmem>>, vector<1x16xf32>,
    %swap3A_726 = arith.constant 7 : i32
    %swap3A_727 = arith.index_cast %swap3A_726 : i32 to index
    %swap3A_728 = arith.constant 5296 : index
    %swap3A_729 = tpu.vector_load %arg5[%swap3A_727, %swap3A_728] {strides = array<i32>} : memref<8x5376xf32, #tpu.memory_space<vmem>>, vector<1x16xf32>,
    %swap3A_730 = vector.shape_cast %swap3A_729 : vector<1x16xf32> to vector<16xf32>
    %swap3A_731 = vector.shape_cast %broadcast_in_dim3A_12 : vector<16xf32> to vector<1x16xf32>
    tpu.vector_store %arg5[%swap3A_727, %swap3A_728], %swap3A_731 {strides = array<i32>} : memref<8x5376xf32, #tpu.memory_space<vmem>>, vector<1x16xf32>,
    %swap3A_732 = arith.constant 7 : i32
    %swap3A_733 = arith.index_cast %swap3A_732 : i32 to index
    %swap3A_734 = arith.constant 64 : index
    %swap3A_735 = tpu.vector_load %arg5[%swap3A_733, %swap3A_734] {strides = array<i32>} : memref<8x5376xf32, #tpu.memory_space<vmem>>, vector<1x16xf32>,
    %swap3A_736 = vector.shape_cast %swap3A_735 : vector<1x16xf32> to vector<16xf32>
    %swap3A_737 = vector.shape_cast %broadcast_in_dim3A_12 : vector<16xf32> to vector<1x16xf32>
    tpu.vector_store %arg5[%swap3A_733, %swap3A_734], %swap3A_737 {strides = array<i32>} : memref<8x5376xf32, #tpu.memory_space<vmem>>, vector<1x16xf32>,
    %swap3A_738 = arith.constant 7 : i32
    %swap3A_739 = arith.index_cast %swap3A_738 : i32 to index
    %swap3A_740 = arith.constant 5312 : index
    %swap3A_741 = tpu.vector_load %arg5[%swap3A_739, %swap3A_740] {strides = array<i32>} : memref<8x5376xf32, #tpu.memory_space<vmem>>, vector<1x16xf32>,
    %swap3A_742 = vector.shape_cast %swap3A_741 : vector<1x16xf32> to vector<16xf32>
    %swap3A_743 = vector.shape_cast %broadcast_in_dim3A_12 : vector<16xf32> to vector<1x16xf32>
    tpu.vector_store %arg5[%swap3A_739, %swap3A_740], %swap3A_743 {strides = array<i32>} : memref<8x5376xf32, #tpu.memory_space<vmem>>, vector<1x16xf32>,
    %swap3A_744 = arith.constant 7 : i32
    %swap3A_745 = arith.index_cast %swap3A_744 : i32 to index
    %swap3A_746 = arith.constant 80 : index
    %swap3A_747 = tpu.vector_load %arg5[%swap3A_745, %swap3A_746] {strides = array<i32>} : memref<8x5376xf32, #tpu.memory_space<vmem>>, vector<1x16xf32>,
    %swap3A_748 = vector.shape_cast %swap3A_747 : vector<1x16xf32> to vector<16xf32>
    %swap3A_749 = vector.shape_cast %broadcast_in_dim3A_12 : vector<16xf32> to vector<1x16xf32>
    tpu.vector_store %arg5[%swap3A_745, %swap3A_746], %swap3A_749 {strides = array<i32>} : memref<8x5376xf32, #tpu.memory_space<vmem>>, vector<1x16xf32>,
    %swap3A_750 = arith.constant 7 : i32
    %swap3A_751 = arith.index_cast %swap3A_750 : i32 to index
    %swap3A_752 = arith.constant 5328 : index
    %swap3A_753 = tpu.vector_load %arg5[%swap3A_751, %swap3A_752] {strides = array<i32>} : memref<8x5376xf32, #tpu.memory_space<vmem>>, vector<1x16xf32>,
    %swap3A_754 = vector.shape_cast %swap3A_753 : vector<1x16xf32> to vector<16xf32>
    %swap3A_755 = vector.shape_cast %broadcast_in_dim3A_12 : vector<16xf32> to vector<1x16xf32>
    tpu.vector_store %arg5[%swap3A_751, %swap3A_752], %swap3A_755 {strides = array<i32>} : memref<8x5376xf32, #tpu.memory_space<vmem>>, vector<1x16xf32>,
    %swap3A_756 = arith.constant 7 : i32
    %swap3A_757 = arith.index_cast %swap3A_756 : i32 to index
    %swap3A_758 = arith.constant 96 : index
    %swap3A_759 = tpu.vector_load %arg5[%swap3A_757, %swap3A_758] {strides = array<i32>} : memref<8x5376xf32, #tpu.memory_space<vmem>>, vector<1x16xf32>,
    %swap3A_760 = vector.shape_cast %swap3A_759 : vector<1x16xf32> to vector<16xf32>
    %swap3A_761 = vector.shape_cast %broadcast_in_dim3A_12 : vector<16xf32> to vector<1x16xf32>
    tpu.vector_store %arg5[%swap3A_757, %swap3A_758], %swap3A_761 {strides = array<i32>} : memref<8x5376xf32, #tpu.memory_space<vmem>>, vector<1x16xf32>,
    %swap3A_762 = arith.constant 7 : i32
    %swap3A_763 = arith.index_cast %swap3A_762 : i32 to index
    %swap3A_764 = arith.constant 5344 : index
    %swap3A_765 = tpu.vector_load %arg5[%swap3A_763, %swap3A_764] {strides = array<i32>} : memref<8x5376xf32, #tpu.memory_space<vmem>>, vector<1x16xf32>,
    %swap3A_766 = vector.shape_cast %swap3A_765 : vector<1x16xf32> to vector<16xf32>
    %swap3A_767 = vector.shape_cast %broadcast_in_dim3A_12 : vector<16xf32> to vector<1x16xf32>
    tpu.vector_store %arg5[%swap3A_763, %swap3A_764], %swap3A_767 {strides = array<i32>} : memref<8x5376xf32, #tpu.memory_space<vmem>>, vector<1x16xf32>,
    %swap3A_768 = arith.constant 7 : i32
    %swap3A_769 = arith.index_cast %swap3A_768 : i32 to index
    %swap3A_770 = arith.constant 112 : index
    %swap3A_771 = tpu.vector_load %arg5[%swap3A_769, %swap3A_770] {strides = array<i32>} : memref<8x5376xf32, #tpu.memory_space<vmem>>, vector<1x16xf32>,
    %swap3A_772 = vector.shape_cast %swap3A_771 : vector<1x16xf32> to vector<16xf32>
    %swap3A_773 = vector.shape_cast %broadcast_in_dim3A_12 : vector<16xf32> to vector<1x16xf32>
    tpu.vector_store %arg5[%swap3A_769, %swap3A_770], %swap3A_773 {strides = array<i32>} : memref<8x5376xf32, #tpu.memory_space<vmem>>, vector<1x16xf32>,
    %swap3A_774 = arith.constant 7 : i32
    %swap3A_775 = arith.index_cast %swap3A_774 : i32 to index
    %swap3A_776 = arith.constant 5360 : index
    %swap3A_777 = tpu.vector_load %arg5[%swap3A_775, %swap3A_776] {strides = array<i32>} : memref<8x5376xf32, #tpu.memory_space<vmem>>, vector<1x16xf32>,
    %swap3A_778 = vector.shape_cast %swap3A_777 : vector<1x16xf32> to vector<16xf32>
    %swap3A_779 = vector.shape_cast %broadcast_in_dim3A_12 : vector<16xf32> to vector<1x16xf32>
    tpu.vector_store %arg5[%swap3A_775, %swap3A_776], %swap3A_779 {strides = array<i32>} : memref<8x5376xf32, #tpu.memory_space<vmem>>, vector<1x16xf32>,
    %mul3A_780 = arith.constant 4992 : i32
    %mul3A_781 = arith.muli %arg0, %mul3A_780 : i32
    "tpu.region"() ({
      %run_scoped3A = tpu.sem_alloc : memref<!tpu.dma_semaphore, #tpu.memory_space<semaphore_mem>>
      %dma_start3A_918 = arith.constant 0 : i32
      %dma_start3A_919 = tpu.memref_slice %arg3[%dma_start3A_918, %mul3A_781] : memref<8x9856xf32, #tpu.memory_space<hbm>> -> memref<8x4992xf32, #tpu.memory_space<hbm>>
      %dma_start3A_920 = arith.constant 0 : i32
      %dma_start3A_921 = tpu.memref_slice %arg3[%dma_start3A_920, %mul3A_781] : memref<8x9856xf32, #tpu.memory_space<hbm>> -> memref<8x4992xf32, #tpu.memory_space<hbm>>
      tpu.enqueue_dma source(%dma_start3A_921 : memref<8x4992xf32, #tpu.memory_space<hbm>>) target(%arg6 : memref<8x4992xf32, #tpu.memory_space<vmem>>) target_semaphore(%run_scoped3A : memref<!tpu.dma_semaphore, #tpu.memory_space<semaphore_mem>>)
      %dma_wait3A_922 = arith.constant 0 : i32
      %dma_wait3A_923 = tpu.memref_slice %arg3[%dma_wait3A_922, %mul3A_781] : memref<8x9856xf32, #tpu.memory_space<hbm>> -> memref<8x4992xf32, #tpu.memory_space<hbm>>
      %dma_wait3A_924 = arith.constant 0 : i32
      %dma_wait3A_925 = tpu.memref_slice %arg3[%dma_wait3A_924, %mul3A_781] : memref<8x9856xf32, #tpu.memory_space<hbm>> -> memref<8x4992xf32, #tpu.memory_space<hbm>>
      tpu.wait_dma2 semaphore(%run_scoped3A : memref<!tpu.dma_semaphore, #tpu.memory_space<semaphore_mem>>) src(%dma_wait3A_925 : memref<8x4992xf32, #tpu.memory_space<hbm>>) dst(%arg6 : memref<8x4992xf32, #tpu.memory_space<vmem>>)
      tpu.yield
    }) : () -> ()
    %dma_wait3A = arith.constant 0 : i32
    %dma_wait3A_782 = arith.constant 128 : i32
    %dma_wait3A_783 = tpu.memref_slice %arg5[%dma_wait3A, %dma_wait3A_782] : memref<8x5376xf32, #tpu.memory_space<vmem>> -> memref<8x5120xf32, #tpu.memory_space<vmem>>
    %dma_wait3A_784 = arith.constant 0 : i32
    %dma_wait3A_785 = tpu.memref_slice %arg2[%arg1, %dma_wait3A_784, %mul3A_0] : memref<16x8x10000xf32, #tpu.memory_space<hbm>> -> memref<1x8x5120xf32, #tpu.memory_space<hbm>>
    %dma_wait3A_786 = tpu.memref_squeeze %dma_wait3A_785 : memref<1x8x5120xf32, #tpu.memory_space<hbm>> -> memref<8x5120xf32, #tpu.memory_space<hbm>>
    %dma_wait3A_787 = arith.constant 0 : i32
    %dma_wait3A_788 = arith.constant 128 : i32
    %dma_wait3A_789 = tpu.memref_slice %arg5[%dma_wait3A_787, %dma_wait3A_788] : memref<8x5376xf32, #tpu.memory_space<vmem>> -> memref<8x5120xf32, #tpu.memory_space<vmem>>
    %dma_wait3A_790 = arith.constant 0 : i32
    %dma_wait3A_791 = tpu.memref_slice %arg2[%arg1, %dma_wait3A_790, %mul3A_0] : memref<16x8x10000xf32, #tpu.memory_space<hbm>> -> memref<1x8x5120xf32, #tpu.memory_space<hbm>>
    %dma_wait3A_792 = tpu.memref_squeeze %dma_wait3A_791 : memref<1x8x5120xf32, #tpu.memory_space<hbm>> -> memref<8x5120xf32, #tpu.memory_space<hbm>>
    tpu.wait_dma2 semaphore(%arg8 : memref<!tpu.dma_semaphore, #tpu.memory_space<semaphore_mem>>) src(%dma_wait3A_792 : memref<8x5120xf32, #tpu.memory_space<hbm>>) dst(%dma_wait3A_789 : memref<8x5120xf32, #tpu.memory_space<vmem>>)
    %iota3A = tpu.iota {dimensions = array<i32: 0>} : vector<16xi32>
    %add3A = arith.constant 11 : i32
    %add3A_793 = vector.broadcast %add3A : i32 to vector<16xi32>
    %add3A_794 = arith.addi %iota3A, %add3A_793 : vector<16xi32>
    %min3A = arith.constant 15 : i32
    %min3A_795 = vector.broadcast %min3A : i32 to vector<16xi32>
    %min3A_796 = arith.minsi %add3A_794, %min3A_795 : vector<16xi32>
    %add3A_797 = arith.constant -5 : i32
    %add3A_798 = vector.broadcast %add3A_797 : i32 to vector<16xi32>
    %add3A_799 = arith.addi %iota3A, %add3A_798 : vector<16xi32>
    %max3A = arith.constant 0 : i32
    %max3A_800 = vector.broadcast %max3A : i32 to vector<16xi32>
    %max3A_801 = arith.maxsi %add3A_799, %max3A_800 : vector<16xi32>
    %lt3A = arith.constant 5 : i32
    %lt3A_802 = vector.broadcast %lt3A : i32 to vector<16xi32>
    %lt3A_803 = arith.cmpi slt, %iota3A, %lt3A_802 : vector<16xi32>
    %add3A_804 = arith.constant 12 : i32
    %add3A_805 = vector.broadcast %add3A_804 : i32 to vector<16xi32>
    %add3A_806 = arith.addi %iota3A, %add3A_805 : vector<16xi32>
    %min3A_807 = arith.constant 15 : i32
    %min3A_808 = vector.broadcast %min3A_807 : i32 to vector<16xi32>
    %min3A_809 = arith.minsi %add3A_806, %min3A_808 : vector<16xi32>
    %add3A_810 = arith.constant -4 : i32
    %add3A_811 = vector.broadcast %add3A_810 : i32 to vector<16xi32>
    %add3A_812 = arith.addi %iota3A, %add3A_811 : vector<16xi32>
    %max3A_813 = arith.constant 0 : i32
    %max3A_814 = vector.broadcast %max3A_813 : i32 to vector<16xi32>
    %max3A_815 = arith.maxsi %add3A_812, %max3A_814 : vector<16xi32>
    %lt3A_816 = arith.constant 4 : i32
    %lt3A_817 = vector.broadcast %lt3A_816 : i32 to vector<16xi32>
    %lt3A_818 = arith.cmpi slt, %iota3A, %lt3A_817 : vector<16xi32>
    %add3A_819 = arith.constant 13 : i32
    %add3A_820 = vector.broadcast %add3A_819 : i32 to vector<16xi32>
    %add3A_821 = arith.addi %iota3A, %add3A_820 : vector<16xi32>
    %min3A_822 = arith.constant 15 : i32
    %min3A_823 = vector.broadcast %min3A_822 : i32 to vector<16xi32>
    %min3A_824 = arith.minsi %add3A_821, %min3A_823 : vector<16xi32>
    %add3A_825 = arith.constant -3 : i32
    %add3A_826 = vector.broadcast %add3A_825 : i32 to vector<16xi32>
    %add3A_827 = arith.addi %iota3A, %add3A_826 : vector<16xi32>
    %max3A_828 = arith.constant 0 : i32
    %max3A_829 = vector.broadcast %max3A_828 : i32 to vector<16xi32>
    %max3A_830 = arith.maxsi %add3A_827, %max3A_829 : vector<16xi32>
    %lt3A_831 = arith.constant 3 : i32
    %lt3A_832 = vector.broadcast %lt3A_831 : i32 to vector<16xi32>
    %lt3A_833 = arith.cmpi slt, %iota3A, %lt3A_832 : vector<16xi32>
    %add3A_834 = arith.constant 15 : i32
    %add3A_835 = vector.broadcast %add3A_834 : i32 to vector<16xi32>
    %add3A_836 = arith.addi %iota3A, %add3A_835 : vector<16xi32>
    %min3A_837 = arith.constant 15 : i32
    %min3A_838 = vector.broadcast %min3A_837 : i32 to vector<16xi32>
    %min3A_839 = arith.minsi %add3A_836, %min3A_838 : vector<16xi32>
    %add3A_840 = arith.constant -1 : i32
    %add3A_841 = vector.broadcast %add3A_840 : i32 to vector<16xi32>
    %add3A_842 = arith.addi %iota3A, %add3A_841 : vector<16xi32>
    %max3A_843 = arith.constant 0 : i32
    %max3A_844 = vector.broadcast %max3A_843 : i32 to vector<16xi32>
    %max3A_845 = arith.maxsi %add3A_842, %max3A_844 : vector<16xi32>
    %lt3A_846 = arith.constant 1 : i32
    %lt3A_847 = vector.broadcast %lt3A_846 : i32 to vector<16xi32>
    %lt3A_848 = arith.cmpi slt, %iota3A, %lt3A_847 : vector<16xi32>
    %add3A_849 = arith.constant 1 : i32
    %add3A_850 = vector.broadcast %add3A_849 : i32 to vector<16xi32>
    %add3A_851 = arith.addi %iota3A, %add3A_850 : vector<16xi32>
    %min3A_852 = arith.constant 15 : i32
    %min3A_853 = vector.broadcast %min3A_852 : i32 to vector<16xi32>
    %min3A_854 = arith.minsi %add3A_851, %min3A_853 : vector<16xi32>
    %add3A_855 = arith.constant -15 : i32
    %add3A_856 = vector.broadcast %add3A_855 : i32 to vector<16xi32>
    %add3A_857 = arith.addi %iota3A, %add3A_856 : vector<16xi32>
    %max3A_858 = arith.constant 0 : i32
    %max3A_859 = vector.broadcast %max3A_858 : i32 to vector<16xi32>
    %max3A_860 = arith.maxsi %add3A_857, %max3A_859 : vector<16xi32>
    %lt3A_861 = arith.constant 15 : i32
    %lt3A_862 = vector.broadcast %lt3A_861 : i32 to vector<16xi32>
    %lt3A_863 = arith.cmpi slt, %iota3A, %lt3A_862 : vector<16xi32>
    %add3A_864 = arith.constant 3 : i32
    %add3A_865 = vector.broadcast %add3A_864 : i32 to vector<16xi32>
    %add3A_866 = arith.addi %iota3A, %add3A_865 : vector<16xi32>
    %min3A_867 = arith.constant 15 : i32
    %min3A_868 = vector.broadcast %min3A_867 : i32 to vector<16xi32>
    %min3A_869 = arith.minsi %add3A_866, %min3A_868 : vector<16xi32>
    %add3A_870 = arith.constant -13 : i32
    %add3A_871 = vector.broadcast %add3A_870 : i32 to vector<16xi32>
    %add3A_872 = arith.addi %iota3A, %add3A_871 : vector<16xi32>
    %max3A_873 = arith.constant 0 : i32
    %max3A_874 = vector.broadcast %max3A_873 : i32 to vector<16xi32>
    %max3A_875 = arith.maxsi %add3A_872, %max3A_874 : vector<16xi32>
    %lt3A_876 = arith.constant 13 : i32
    %lt3A_877 = vector.broadcast %lt3A_876 : i32 to vector<16xi32>
    %lt3A_878 = arith.cmpi slt, %iota3A, %lt3A_877 : vector<16xi32>
    %add3A_879 = arith.constant 4 : i32
    %add3A_880 = vector.broadcast %add3A_879 : i32 to vector<16xi32>
    %add3A_881 = arith.addi %iota3A, %add3A_880 : vector<16xi32>
    %min3A_882 = arith.constant 15 : i32
    %min3A_883 = vector.broadcast %min3A_882 : i32 to vector<16xi32>
    %min3A_884 = arith.minsi %add3A_881, %min3A_883 : vector<16xi32>
    %add3A_885 = arith.constant -12 : i32
    %add3A_886 = vector.broadcast %add3A_885 : i32 to vector<16xi32>
    %add3A_887 = arith.addi %iota3A, %add3A_886 : vector<16xi32>
    %max3A_888 = arith.constant 0 : i32
    %max3A_889 = vector.broadcast %max3A_888 : i32 to vector<16xi32>
    %max3A_890 = arith.maxsi %add3A_887, %max3A_889 : vector<16xi32>
    %lt3A_891 = arith.constant 12 : i32
    %lt3A_892 = vector.broadcast %lt3A_891 : i32 to vector<16xi32>
    %lt3A_893 = arith.cmpi slt, %iota3A, %lt3A_892 : vector<16xi32>
    %add3A_894 = arith.constant 5 : i32
    %add3A_895 = vector.broadcast %add3A_894 : i32 to vector<16xi32>
    %add3A_896 = arith.addi %iota3A, %add3A_895 : vector<16xi32>
    %min3A_897 = arith.constant 15 : i32
    %min3A_898 = vector.broadcast %min3A_897 : i32 to vector<16xi32>
    %min3A_899 = arith.minsi %add3A_896, %min3A_898 : vector<16xi32>
    %add3A_900 = arith.constant -11 : i32
    %add3A_901 = vector.broadcast %add3A_900 : i32 to vector<16xi32>
    %add3A_902 = arith.addi %iota3A, %add3A_901 : vector<16xi32>
    %max3A_903 = arith.constant 0 : i32
    %max3A_904 = vector.broadcast %max3A_903 : i32 to vector<16xi32>
    %max3A_905 = arith.maxsi %add3A_902, %max3A_904 : vector<16xi32>
    %lt3A_906 = arith.constant 11 : i32
    %lt3A_907 = vector.broadcast %lt3A_906 : i32 to vector<16xi32>
    %lt3A_908 = arith.cmpi slt, %iota3A, %lt3A_907 : vector<16xi32>
    %parallel_loop3A = arith.constant 0 : i32
    %parallel_loop3A_909 = arith.constant 312 : i32
    %parallel_loop3A_910 = arith.constant 1 : i32
    scf.for %parallel_loop3A_918 = %parallel_loop3A to %parallel_loop3A_909 step %parallel_loop3A_910  : i32 {
      %parallel_loop3A_919 = arith.constant 16 : i32
      %parallel_loop3A_920 = arith.muli %parallel_loop3A_919, %parallel_loop3A_918 : i32
      %parallel_loop3A_921 = arith.constant 128 : i32
      %parallel_loop3A_922 = arith.muli %parallel_loop3A_921, %arg0 : i32
      %parallel_loop3A_923 = arith.addi %parallel_loop3A_920, %parallel_loop3A_922 : i32
      %parallel_loop3A_924 = arith.constant 128 : i32
      %parallel_loop3A_925 = arith.addi %parallel_loop3A_923, %parallel_loop3A_924 : i32
      %parallel_loop3A_926 = arith.constant -112 : i32
      %parallel_loop3A_927 = arith.addi %parallel_loop3A_925, %parallel_loop3A_926 : i32
      %parallel_loop3A_928 = arith.constant 0 : i32
      %parallel_loop3A_929 = arith.index_cast %parallel_loop3A_928 : i32 to index
      %parallel_loop3A_930 = arith.index_cast %parallel_loop3A_927 : i32 to index
      %parallel_loop3A_931 = tpu.vector_load %arg5[%parallel_loop3A_929, %parallel_loop3A_930] {strides = array<i32>} : memref<8x5376xf32, #tpu.memory_space<vmem>>, vector<1x16xf32>,
      %parallel_loop3A_932 = vector.shape_cast %parallel_loop3A_931 : vector<1x16xf32> to vector<16xf32>
      %parallel_loop3A_933 = arith.constant 16 : i32
      %parallel_loop3A_934 = arith.addi %parallel_loop3A_927, %parallel_loop3A_933 : i32
      %parallel_loop3A_935 = arith.constant 0 : i32
      %parallel_loop3A_936 = arith.index_cast %parallel_loop3A_935 : i32 to index
      %parallel_loop3A_937 = arith.index_cast %parallel_loop3A_934 : i32 to index
      %parallel_loop3A_938 = tpu.vector_load %arg5[%parallel_loop3A_936, %parallel_loop3A_937] {strides = array<i32>} : memref<8x5376xf32, #tpu.memory_space<vmem>>, vector<1x16xf32>,
      %parallel_loop3A_939 = vector.shape_cast %parallel_loop3A_938 : vector<1x16xf32> to vector<16xf32>
      %parallel_loop3A_940 = arith.constant 0 : i32
      %parallel_loop3A_941 = vector.broadcast %parallel_loop3A_940 : i32 to vector<16xi32>
      %parallel_loop3A_942 = arith.cmpi slt, %min3A_796, %parallel_loop3A_941 : vector<16xi32>
      %parallel_loop3A_943 = arith.constant 16 : i32
      %parallel_loop3A_944 = vector.broadcast %parallel_loop3A_943 : i32 to vector<16xi32>
      %parallel_loop3A_945 = arith.addi %min3A_796, %parallel_loop3A_944 : vector<16xi32>
      %parallel_loop3A_946 = arith.select %parallel_loop3A_942, %parallel_loop3A_945, %min3A_796 : vector<16xi1>, vector<16xi32>
      %parallel_loop3A_947 = vector.shape_cast %parallel_loop3A_946 : vector<16xi32> to vector<16x1xi32>
      %parallel_loop3A_948 = vector.shape_cast %parallel_loop3A_947 : vector<16x1xi32> to vector<16xi32>
      %parallel_loop3A_949 = tpu.dynamic_gather %parallel_loop3A_932[%parallel_loop3A_948] in [0] : vector<16xf32>, vector<16xi32> -> vector<16xf32>
      %parallel_loop3A_950 = arith.constant 0 : i32
      %parallel_loop3A_951 = vector.broadcast %parallel_loop3A_950 : i32 to vector<16xi32>
      %parallel_loop3A_952 = arith.cmpi slt, %max3A_801, %parallel_loop3A_951 : vector<16xi32>
      %parallel_loop3A_953 = arith.constant 16 : i32
      %parallel_loop3A_954 = vector.broadcast %parallel_loop3A_953 : i32 to vector<16xi32>
      %parallel_loop3A_955 = arith.addi %max3A_801, %parallel_loop3A_954 : vector<16xi32>
      %parallel_loop3A_956 = arith.select %parallel_loop3A_952, %parallel_loop3A_955, %max3A_801 : vector<16xi1>, vector<16xi32>
      %parallel_loop3A_957 = vector.shape_cast %parallel_loop3A_956 : vector<16xi32> to vector<16x1xi32>
      %parallel_loop3A_958 = vector.shape_cast %parallel_loop3A_957 : vector<16x1xi32> to vector<16xi32>
      %parallel_loop3A_959 = tpu.dynamic_gather %parallel_loop3A_939[%parallel_loop3A_958] in [0] : vector<16xf32>, vector<16xi32> -> vector<16xf32>
      %parallel_loop3A_960 = arith.select %lt3A_803, %parallel_loop3A_949, %parallel_loop3A_959 : vector<16xi1>, vector<16xf32>
      %parallel_loop3A_961 = arith.constant 16 : i32
      %parallel_loop3A_962 = arith.muli %parallel_loop3A_961, %parallel_loop3A_918 : i32
      %parallel_loop3A_963 = arith.constant 0 : i32
      %parallel_loop3A_964 = arith.index_cast %parallel_loop3A_963 : i32 to index
      %parallel_loop3A_965 = arith.index_cast %parallel_loop3A_962 : i32 to index
      %parallel_loop3A_966 = tpu.vector_load %arg6[%parallel_loop3A_964, %parallel_loop3A_965] {strides = array<i32>} : memref<8x4992xf32, #tpu.memory_space<vmem>>, vector<1x16xf32>,
      %parallel_loop3A_967 = vector.shape_cast %parallel_loop3A_966 : vector<1x16xf32> to vector<16xf32>
      %parallel_loop3A_968 = arith.mulf %parallel_loop3A_960, %parallel_loop3A_967 : vector<16xf32>
      %parallel_loop3A_969 = arith.constant 16 : i32
      %parallel_loop3A_970 = arith.muli %parallel_loop3A_969, %parallel_loop3A_918 : i32
      %parallel_loop3A_971 = arith.constant 0 : i32
      %parallel_loop3A_972 = arith.index_cast %parallel_loop3A_971 : i32 to index
      %parallel_loop3A_973 = arith.index_cast %parallel_loop3A_970 : i32 to index
      %parallel_loop3A_974 = tpu.vector_load %arg7[%parallel_loop3A_972, %parallel_loop3A_973] {strides = array<i32>} : memref<8x4992xf32, #tpu.memory_space<vmem>>, vector<1x16xf32>,
      %parallel_loop3A_975 = vector.shape_cast %parallel_loop3A_974 : vector<1x16xf32> to vector<16xf32>
      %parallel_loop3A_976 = vector.shape_cast %parallel_loop3A_968 : vector<16xf32> to vector<1x16xf32>
      tpu.vector_store %arg7[%parallel_loop3A_972, %parallel_loop3A_973], %parallel_loop3A_976 {strides = array<i32>} : memref<8x4992xf32, #tpu.memory_space<vmem>>, vector<1x16xf32>,
      %parallel_loop3A_977 = arith.constant -112 : i32
      %parallel_loop3A_978 = arith.addi %parallel_loop3A_925, %parallel_loop3A_977 : i32
      %parallel_loop3A_979 = arith.constant 1 : i32
      %parallel_loop3A_980 = arith.index_cast %parallel_loop3A_979 : i32 to index
      %parallel_loop3A_981 = arith.index_cast %parallel_loop3A_978 : i32 to index
      %parallel_loop3A_982 = tpu.vector_load %arg5[%parallel_loop3A_980, %parallel_loop3A_981] {strides = array<i32>} : memref<8x5376xf32, #tpu.memory_space<vmem>>, vector<1x16xf32>,
      %parallel_loop3A_983 = vector.shape_cast %parallel_loop3A_982 : vector<1x16xf32> to vector<16xf32>
      %parallel_loop3A_984 = arith.constant 16 : i32
      %parallel_loop3A_985 = arith.addi %parallel_loop3A_978, %parallel_loop3A_984 : i32
      %parallel_loop3A_986 = arith.constant 1 : i32
      %parallel_loop3A_987 = arith.index_cast %parallel_loop3A_986 : i32 to index
      %parallel_loop3A_988 = arith.index_cast %parallel_loop3A_985 : i32 to index
      %parallel_loop3A_989 = tpu.vector_load %arg5[%parallel_loop3A_987, %parallel_loop3A_988] {strides = array<i32>} : memref<8x5376xf32, #tpu.memory_space<vmem>>, vector<1x16xf32>,
      %parallel_loop3A_990 = vector.shape_cast %parallel_loop3A_989 : vector<1x16xf32> to vector<16xf32>
      %parallel_loop3A_991 = arith.constant 0 : i32
      %parallel_loop3A_992 = vector.broadcast %parallel_loop3A_991 : i32 to vector<16xi32>
      %parallel_loop3A_993 = arith.cmpi slt, %min3A_809, %parallel_loop3A_992 : vector<16xi32>
      %parallel_loop3A_994 = arith.constant 16 : i32
      %parallel_loop3A_995 = vector.broadcast %parallel_loop3A_994 : i32 to vector<16xi32>
      %parallel_loop3A_996 = arith.addi %min3A_809, %parallel_loop3A_995 : vector<16xi32>
      %parallel_loop3A_997 = arith.select %parallel_loop3A_993, %parallel_loop3A_996, %min3A_809 : vector<16xi1>, vector<16xi32>
      %parallel_loop3A_998 = vector.shape_cast %parallel_loop3A_997 : vector<16xi32> to vector<16x1xi32>
      %parallel_loop3A_999 = vector.shape_cast %parallel_loop3A_998 : vector<16x1xi32> to vector<16xi32>
      %parallel_loop3A_1000 = tpu.dynamic_gather %parallel_loop3A_983[%parallel_loop3A_999] in [0] : vector<16xf32>, vector<16xi32> -> vector<16xf32>
      %parallel_loop3A_1001 = arith.constant 0 : i32
      %parallel_loop3A_1002 = vector.broadcast %parallel_loop3A_1001 : i32 to vector<16xi32>
      %parallel_loop3A_1003 = arith.cmpi slt, %max3A_815, %parallel_loop3A_1002 : vector<16xi32>
      %parallel_loop3A_1004 = arith.constant 16 : i32
      %parallel_loop3A_1005 = vector.broadcast %parallel_loop3A_1004 : i32 to vector<16xi32>
      %parallel_loop3A_1006 = arith.addi %max3A_815, %parallel_loop3A_1005 : vector<16xi32>
      %parallel_loop3A_1007 = arith.select %parallel_loop3A_1003, %parallel_loop3A_1006, %max3A_815 : vector<16xi1>, vector<16xi32>
      %parallel_loop3A_1008 = vector.shape_cast %parallel_loop3A_1007 : vector<16xi32> to vector<16x1xi32>
      %parallel_loop3A_1009 = vector.shape_cast %parallel_loop3A_1008 : vector<16x1xi32> to vector<16xi32>
      %parallel_loop3A_1010 = tpu.dynamic_gather %parallel_loop3A_990[%parallel_loop3A_1009] in [0] : vector<16xf32>, vector<16xi32> -> vector<16xf32>
      %parallel_loop3A_1011 = arith.select %lt3A_818, %parallel_loop3A_1000, %parallel_loop3A_1010 : vector<16xi1>, vector<16xf32>
      %parallel_loop3A_1012 = arith.constant 16 : i32
      %parallel_loop3A_1013 = arith.muli %parallel_loop3A_1012, %parallel_loop3A_918 : i32
      %parallel_loop3A_1014 = arith.constant 1 : i32
      %parallel_loop3A_1015 = arith.index_cast %parallel_loop3A_1014 : i32 to index
      %parallel_loop3A_1016 = arith.index_cast %parallel_loop3A_1013 : i32 to index
      %parallel_loop3A_1017 = tpu.vector_load %arg6[%parallel_loop3A_1015, %parallel_loop3A_1016] {strides = array<i32>} : memref<8x4992xf32, #tpu.memory_space<vmem>>, vector<1x16xf32>,
      %parallel_loop3A_1018 = vector.shape_cast %parallel_loop3A_1017 : vector<1x16xf32> to vector<16xf32>
      %parallel_loop3A_1019 = arith.mulf %parallel_loop3A_1011, %parallel_loop3A_1018 : vector<16xf32>
      %parallel_loop3A_1020 = arith.constant 16 : i32
      %parallel_loop3A_1021 = arith.muli %parallel_loop3A_1020, %parallel_loop3A_918 : i32
      %parallel_loop3A_1022 = arith.constant 1 : i32
      %parallel_loop3A_1023 = arith.index_cast %parallel_loop3A_1022 : i32 to index
      %parallel_loop3A_1024 = arith.index_cast %parallel_loop3A_1021 : i32 to index
      %parallel_loop3A_1025 = tpu.vector_load %arg7[%parallel_loop3A_1023, %parallel_loop3A_1024] {strides = array<i32>} : memref<8x4992xf32, #tpu.memory_space<vmem>>, vector<1x16xf32>,
      %parallel_loop3A_1026 = vector.shape_cast %parallel_loop3A_1025 : vector<1x16xf32> to vector<16xf32>
      %parallel_loop3A_1027 = vector.shape_cast %parallel_loop3A_1019 : vector<16xf32> to vector<1x16xf32>
      tpu.vector_store %arg7[%parallel_loop3A_1023, %parallel_loop3A_1024], %parallel_loop3A_1027 {strides = array<i32>} : memref<8x4992xf32, #tpu.memory_space<vmem>>, vector<1x16xf32>,
      %parallel_loop3A_1028 = arith.constant -112 : i32
      %parallel_loop3A_1029 = arith.addi %parallel_loop3A_925, %parallel_loop3A_1028 : i32
      %parallel_loop3A_1030 = arith.constant 2 : i32
      %parallel_loop3A_1031 = arith.index_cast %parallel_loop3A_1030 : i32 to index
      %parallel_loop3A_1032 = arith.index_cast %parallel_loop3A_1029 : i32 to index
      %parallel_loop3A_1033 = tpu.vector_load %arg5[%parallel_loop3A_1031, %parallel_loop3A_1032] {strides = array<i32>} : memref<8x5376xf32, #tpu.memory_space<vmem>>, vector<1x16xf32>,
      %parallel_loop3A_1034 = vector.shape_cast %parallel_loop3A_1033 : vector<1x16xf32> to vector<16xf32>
      %parallel_loop3A_1035 = arith.constant 16 : i32
      %parallel_loop3A_1036 = arith.addi %parallel_loop3A_1029, %parallel_loop3A_1035 : i32
      %parallel_loop3A_1037 = arith.constant 2 : i32
      %parallel_loop3A_1038 = arith.index_cast %parallel_loop3A_1037 : i32 to index
      %parallel_loop3A_1039 = arith.index_cast %parallel_loop3A_1036 : i32 to index
      %parallel_loop3A_1040 = tpu.vector_load %arg5[%parallel_loop3A_1038, %parallel_loop3A_1039] {strides = array<i32>} : memref<8x5376xf32, #tpu.memory_space<vmem>>, vector<1x16xf32>,
      %parallel_loop3A_1041 = vector.shape_cast %parallel_loop3A_1040 : vector<1x16xf32> to vector<16xf32>
      %parallel_loop3A_1042 = arith.constant 0 : i32
      %parallel_loop3A_1043 = vector.broadcast %parallel_loop3A_1042 : i32 to vector<16xi32>
      %parallel_loop3A_1044 = arith.cmpi slt, %min3A_824, %parallel_loop3A_1043 : vector<16xi32>
      %parallel_loop3A_1045 = arith.constant 16 : i32
      %parallel_loop3A_1046 = vector.broadcast %parallel_loop3A_1045 : i32 to vector<16xi32>
      %parallel_loop3A_1047 = arith.addi %min3A_824, %parallel_loop3A_1046 : vector<16xi32>
      %parallel_loop3A_1048 = arith.select %parallel_loop3A_1044, %parallel_loop3A_1047, %min3A_824 : vector<16xi1>, vector<16xi32>
      %parallel_loop3A_1049 = vector.shape_cast %parallel_loop3A_1048 : vector<16xi32> to vector<16x1xi32>
      %parallel_loop3A_1050 = vector.shape_cast %parallel_loop3A_1049 : vector<16x1xi32> to vector<16xi32>
      %parallel_loop3A_1051 = tpu.dynamic_gather %parallel_loop3A_1034[%parallel_loop3A_1050] in [0] : vector<16xf32>, vector<16xi32> -> vector<16xf32>
      %parallel_loop3A_1052 = arith.constant 0 : i32
      %parallel_loop3A_1053 = vector.broadcast %parallel_loop3A_1052 : i32 to vector<16xi32>
      %parallel_loop3A_1054 = arith.cmpi slt, %max3A_830, %parallel_loop3A_1053 : vector<16xi32>
      %parallel_loop3A_1055 = arith.constant 16 : i32
      %parallel_loop3A_1056 = vector.broadcast %parallel_loop3A_1055 : i32 to vector<16xi32>
      %parallel_loop3A_1057 = arith.addi %max3A_830, %parallel_loop3A_1056 : vector<16xi32>
      %parallel_loop3A_1058 = arith.select %parallel_loop3A_1054, %parallel_loop3A_1057, %max3A_830 : vector<16xi1>, vector<16xi32>
      %parallel_loop3A_1059 = vector.shape_cast %parallel_loop3A_1058 : vector<16xi32> to vector<16x1xi32>
      %parallel_loop3A_1060 = vector.shape_cast %parallel_loop3A_1059 : vector<16x1xi32> to vector<16xi32>
      %parallel_loop3A_1061 = tpu.dynamic_gather %parallel_loop3A_1041[%parallel_loop3A_1060] in [0] : vector<16xf32>, vector<16xi32> -> vector<16xf32>
      %parallel_loop3A_1062 = arith.select %lt3A_833, %parallel_loop3A_1051, %parallel_loop3A_1061 : vector<16xi1>, vector<16xf32>
      %parallel_loop3A_1063 = arith.constant 16 : i32
      %parallel_loop3A_1064 = arith.muli %parallel_loop3A_1063, %parallel_loop3A_918 : i32
      %parallel_loop3A_1065 = arith.constant 2 : i32
      %parallel_loop3A_1066 = arith.index_cast %parallel_loop3A_1065 : i32 to index
      %parallel_loop3A_1067 = arith.index_cast %parallel_loop3A_1064 : i32 to index
      %parallel_loop3A_1068 = tpu.vector_load %arg6[%parallel_loop3A_1066, %parallel_loop3A_1067] {strides = array<i32>} : memref<8x4992xf32, #tpu.memory_space<vmem>>, vector<1x16xf32>,
      %parallel_loop3A_1069 = vector.shape_cast %parallel_loop3A_1068 : vector<1x16xf32> to vector<16xf32>
      %parallel_loop3A_1070 = arith.mulf %parallel_loop3A_1062, %parallel_loop3A_1069 : vector<16xf32>
      %parallel_loop3A_1071 = arith.constant 16 : i32
      %parallel_loop3A_1072 = arith.muli %parallel_loop3A_1071, %parallel_loop3A_918 : i32
      %parallel_loop3A_1073 = arith.constant 2 : i32
      %parallel_loop3A_1074 = arith.index_cast %parallel_loop3A_1073 : i32 to index
      %parallel_loop3A_1075 = arith.index_cast %parallel_loop3A_1072 : i32 to index
      %parallel_loop3A_1076 = tpu.vector_load %arg7[%parallel_loop3A_1074, %parallel_loop3A_1075] {strides = array<i32>} : memref<8x4992xf32, #tpu.memory_space<vmem>>, vector<1x16xf32>,
      %parallel_loop3A_1077 = vector.shape_cast %parallel_loop3A_1076 : vector<1x16xf32> to vector<16xf32>
      %parallel_loop3A_1078 = vector.shape_cast %parallel_loop3A_1070 : vector<16xf32> to vector<1x16xf32>
      tpu.vector_store %arg7[%parallel_loop3A_1074, %parallel_loop3A_1075], %parallel_loop3A_1078 {strides = array<i32>} : memref<8x4992xf32, #tpu.memory_space<vmem>>, vector<1x16xf32>,
      %parallel_loop3A_1079 = arith.constant -16 : i32
      %parallel_loop3A_1080 = arith.addi %parallel_loop3A_925, %parallel_loop3A_1079 : i32
      %parallel_loop3A_1081 = arith.constant 3 : i32
      %parallel_loop3A_1082 = arith.index_cast %parallel_loop3A_1081 : i32 to index
      %parallel_loop3A_1083 = arith.index_cast %parallel_loop3A_1080 : i32 to index
      %parallel_loop3A_1084 = tpu.vector_load %arg5[%parallel_loop3A_1082, %parallel_loop3A_1083] {strides = array<i32>} : memref<8x5376xf32, #tpu.memory_space<vmem>>, vector<1x16xf32>,
      %parallel_loop3A_1085 = vector.shape_cast %parallel_loop3A_1084 : vector<1x16xf32> to vector<16xf32>
      %parallel_loop3A_1086 = arith.constant 16 : i32
      %parallel_loop3A_1087 = arith.addi %parallel_loop3A_1080, %parallel_loop3A_1086 : i32
      %parallel_loop3A_1088 = arith.constant 3 : i32
      %parallel_loop3A_1089 = arith.index_cast %parallel_loop3A_1088 : i32 to index
      %parallel_loop3A_1090 = arith.index_cast %parallel_loop3A_1087 : i32 to index
      %parallel_loop3A_1091 = tpu.vector_load %arg5[%parallel_loop3A_1089, %parallel_loop3A_1090] {strides = array<i32>} : memref<8x5376xf32, #tpu.memory_space<vmem>>, vector<1x16xf32>,
      %parallel_loop3A_1092 = vector.shape_cast %parallel_loop3A_1091 : vector<1x16xf32> to vector<16xf32>
      %parallel_loop3A_1093 = arith.constant 0 : i32
      %parallel_loop3A_1094 = vector.broadcast %parallel_loop3A_1093 : i32 to vector<16xi32>
      %parallel_loop3A_1095 = arith.cmpi slt, %min3A_839, %parallel_loop3A_1094 : vector<16xi32>
      %parallel_loop3A_1096 = arith.constant 16 : i32
      %parallel_loop3A_1097 = vector.broadcast %parallel_loop3A_1096 : i32 to vector<16xi32>
      %parallel_loop3A_1098 = arith.addi %min3A_839, %parallel_loop3A_1097 : vector<16xi32>
      %parallel_loop3A_1099 = arith.select %parallel_loop3A_1095, %parallel_loop3A_1098, %min3A_839 : vector<16xi1>, vector<16xi32>
      %parallel_loop3A_1100 = vector.shape_cast %parallel_loop3A_1099 : vector<16xi32> to vector<16x1xi32>
      %parallel_loop3A_1101 = vector.shape_cast %parallel_loop3A_1100 : vector<16x1xi32> to vector<16xi32>
      %parallel_loop3A_1102 = tpu.dynamic_gather %parallel_loop3A_1085[%parallel_loop3A_1101] in [0] : vector<16xf32>, vector<16xi32> -> vector<16xf32>
      %parallel_loop3A_1103 = arith.constant 0 : i32
      %parallel_loop3A_1104 = vector.broadcast %parallel_loop3A_1103 : i32 to vector<16xi32>
      %parallel_loop3A_1105 = arith.cmpi slt, %max3A_845, %parallel_loop3A_1104 : vector<16xi32>
      %parallel_loop3A_1106 = arith.constant 16 : i32
      %parallel_loop3A_1107 = vector.broadcast %parallel_loop3A_1106 : i32 to vector<16xi32>
      %parallel_loop3A_1108 = arith.addi %max3A_845, %parallel_loop3A_1107 : vector<16xi32>
      %parallel_loop3A_1109 = arith.select %parallel_loop3A_1105, %parallel_loop3A_1108, %max3A_845 : vector<16xi1>, vector<16xi32>
      %parallel_loop3A_1110 = vector.shape_cast %parallel_loop3A_1109 : vector<16xi32> to vector<16x1xi32>
      %parallel_loop3A_1111 = vector.shape_cast %parallel_loop3A_1110 : vector<16x1xi32> to vector<16xi32>
      %parallel_loop3A_1112 = tpu.dynamic_gather %parallel_loop3A_1092[%parallel_loop3A_1111] in [0] : vector<16xf32>, vector<16xi32> -> vector<16xf32>
      %parallel_loop3A_1113 = arith.select %lt3A_848, %parallel_loop3A_1102, %parallel_loop3A_1112 : vector<16xi1>, vector<16xf32>
      %parallel_loop3A_1114 = arith.constant 16 : i32
      %parallel_loop3A_1115 = arith.muli %parallel_loop3A_1114, %parallel_loop3A_918 : i32
      %parallel_loop3A_1116 = arith.constant 3 : i32
      %parallel_loop3A_1117 = arith.index_cast %parallel_loop3A_1116 : i32 to index
      %parallel_loop3A_1118 = arith.index_cast %parallel_loop3A_1115 : i32 to index
      %parallel_loop3A_1119 = tpu.vector_load %arg6[%parallel_loop3A_1117, %parallel_loop3A_1118] {strides = array<i32>} : memref<8x4992xf32, #tpu.memory_space<vmem>>, vector<1x16xf32>,
      %parallel_loop3A_1120 = vector.shape_cast %parallel_loop3A_1119 : vector<1x16xf32> to vector<16xf32>
      %parallel_loop3A_1121 = arith.mulf %parallel_loop3A_1113, %parallel_loop3A_1120 : vector<16xf32>
      %parallel_loop3A_1122 = arith.constant 16 : i32
      %parallel_loop3A_1123 = arith.muli %parallel_loop3A_1122, %parallel_loop3A_918 : i32
      %parallel_loop3A_1124 = arith.constant 3 : i32
      %parallel_loop3A_1125 = arith.index_cast %parallel_loop3A_1124 : i32 to index
      %parallel_loop3A_1126 = arith.index_cast %parallel_loop3A_1123 : i32 to index
      %parallel_loop3A_1127 = tpu.vector_load %arg7[%parallel_loop3A_1125, %parallel_loop3A_1126] {strides = array<i32>} : memref<8x4992xf32, #tpu.memory_space<vmem>>, vector<1x16xf32>,
      %parallel_loop3A_1128 = vector.shape_cast %parallel_loop3A_1127 : vector<1x16xf32> to vector<16xf32>
      %parallel_loop3A_1129 = vector.shape_cast %parallel_loop3A_1121 : vector<16xf32> to vector<1x16xf32>
      tpu.vector_store %arg7[%parallel_loop3A_1125, %parallel_loop3A_1126], %parallel_loop3A_1129 {strides = array<i32>} : memref<8x4992xf32, #tpu.memory_space<vmem>>, vector<1x16xf32>,
      %parallel_loop3A_1130 = arith.constant 0 : i32
      %parallel_loop3A_1131 = arith.addi %parallel_loop3A_925, %parallel_loop3A_1130 : i32
      %parallel_loop3A_1132 = arith.constant 4 : i32
      %parallel_loop3A_1133 = arith.index_cast %parallel_loop3A_1132 : i32 to index
      %parallel_loop3A_1134 = arith.index_cast %parallel_loop3A_1131 : i32 to index
      %parallel_loop3A_1135 = tpu.vector_load %arg5[%parallel_loop3A_1133, %parallel_loop3A_1134] {strides = array<i32>} : memref<8x5376xf32, #tpu.memory_space<vmem>>, vector<1x16xf32>,
      %parallel_loop3A_1136 = vector.shape_cast %parallel_loop3A_1135 : vector<1x16xf32> to vector<16xf32>
      %parallel_loop3A_1137 = arith.constant 16 : i32
      %parallel_loop3A_1138 = arith.addi %parallel_loop3A_1131, %parallel_loop3A_1137 : i32
      %parallel_loop3A_1139 = arith.constant 4 : i32
      %parallel_loop3A_1140 = arith.index_cast %parallel_loop3A_1139 : i32 to index
      %parallel_loop3A_1141 = arith.index_cast %parallel_loop3A_1138 : i32 to index
      %parallel_loop3A_1142 = tpu.vector_load %arg5[%parallel_loop3A_1140, %parallel_loop3A_1141] {strides = array<i32>} : memref<8x5376xf32, #tpu.memory_space<vmem>>, vector<1x16xf32>,
      %parallel_loop3A_1143 = vector.shape_cast %parallel_loop3A_1142 : vector<1x16xf32> to vector<16xf32>
      %parallel_loop3A_1144 = arith.constant 0 : i32
      %parallel_loop3A_1145 = vector.broadcast %parallel_loop3A_1144 : i32 to vector<16xi32>
      %parallel_loop3A_1146 = arith.cmpi slt, %min3A_854, %parallel_loop3A_1145 : vector<16xi32>
      %parallel_loop3A_1147 = arith.constant 16 : i32
      %parallel_loop3A_1148 = vector.broadcast %parallel_loop3A_1147 : i32 to vector<16xi32>
      %parallel_loop3A_1149 = arith.addi %min3A_854, %parallel_loop3A_1148 : vector<16xi32>
      %parallel_loop3A_1150 = arith.select %parallel_loop3A_1146, %parallel_loop3A_1149, %min3A_854 : vector<16xi1>, vector<16xi32>
      %parallel_loop3A_1151 = vector.shape_cast %parallel_loop3A_1150 : vector<16xi32> to vector<16x1xi32>
      %parallel_loop3A_1152 = vector.shape_cast %parallel_loop3A_1151 : vector<16x1xi32> to vector<16xi32>
      %parallel_loop3A_1153 = tpu.dynamic_gather %parallel_loop3A_1136[%parallel_loop3A_1152] in [0] : vector<16xf32>, vector<16xi32> -> vector<16xf32>
      %parallel_loop3A_1154 = arith.constant 0 : i32
      %parallel_loop3A_1155 = vector.broadcast %parallel_loop3A_1154 : i32 to vector<16xi32>
      %parallel_loop3A_1156 = arith.cmpi slt, %max3A_860, %parallel_loop3A_1155 : vector<16xi32>
      %parallel_loop3A_1157 = arith.constant 16 : i32
      %parallel_loop3A_1158 = vector.broadcast %parallel_loop3A_1157 : i32 to vector<16xi32>
      %parallel_loop3A_1159 = arith.addi %max3A_860, %parallel_loop3A_1158 : vector<16xi32>
      %parallel_loop3A_1160 = arith.select %parallel_loop3A_1156, %parallel_loop3A_1159, %max3A_860 : vector<16xi1>, vector<16xi32>
      %parallel_loop3A_1161 = vector.shape_cast %parallel_loop3A_1160 : vector<16xi32> to vector<16x1xi32>
      %parallel_loop3A_1162 = vector.shape_cast %parallel_loop3A_1161 : vector<16x1xi32> to vector<16xi32>
      %parallel_loop3A_1163 = tpu.dynamic_gather %parallel_loop3A_1143[%parallel_loop3A_1162] in [0] : vector<16xf32>, vector<16xi32> -> vector<16xf32>
      %parallel_loop3A_1164 = arith.select %lt3A_863, %parallel_loop3A_1153, %parallel_loop3A_1163 : vector<16xi1>, vector<16xf32>
      %parallel_loop3A_1165 = arith.constant 16 : i32
      %parallel_loop3A_1166 = arith.muli %parallel_loop3A_1165, %parallel_loop3A_918 : i32
      %parallel_loop3A_1167 = arith.constant 4 : i32
      %parallel_loop3A_1168 = arith.index_cast %parallel_loop3A_1167 : i32 to index
      %parallel_loop3A_1169 = arith.index_cast %parallel_loop3A_1166 : i32 to index
      %parallel_loop3A_1170 = tpu.vector_load %arg6[%parallel_loop3A_1168, %parallel_loop3A_1169] {strides = array<i32>} : memref<8x4992xf32, #tpu.memory_space<vmem>>, vector<1x16xf32>,
      %parallel_loop3A_1171 = vector.shape_cast %parallel_loop3A_1170 : vector<1x16xf32> to vector<16xf32>
      %parallel_loop3A_1172 = arith.mulf %parallel_loop3A_1164, %parallel_loop3A_1171 : vector<16xf32>
      %parallel_loop3A_1173 = arith.constant 16 : i32
      %parallel_loop3A_1174 = arith.muli %parallel_loop3A_1173, %parallel_loop3A_918 : i32
      %parallel_loop3A_1175 = arith.constant 4 : i32
      %parallel_loop3A_1176 = arith.index_cast %parallel_loop3A_1175 : i32 to index
      %parallel_loop3A_1177 = arith.index_cast %parallel_loop3A_1174 : i32 to index
      %parallel_loop3A_1178 = tpu.vector_load %arg7[%parallel_loop3A_1176, %parallel_loop3A_1177] {strides = array<i32>} : memref<8x4992xf32, #tpu.memory_space<vmem>>, vector<1x16xf32>,
      %parallel_loop3A_1179 = vector.shape_cast %parallel_loop3A_1178 : vector<1x16xf32> to vector<16xf32>
      %parallel_loop3A_1180 = vector.shape_cast %parallel_loop3A_1172 : vector<16xf32> to vector<1x16xf32>
      tpu.vector_store %arg7[%parallel_loop3A_1176, %parallel_loop3A_1177], %parallel_loop3A_1180 {strides = array<i32>} : memref<8x4992xf32, #tpu.memory_space<vmem>>, vector<1x16xf32>,
      %parallel_loop3A_1181 = arith.constant 96 : i32
      %parallel_loop3A_1182 = arith.addi %parallel_loop3A_925, %parallel_loop3A_1181 : i32
      %parallel_loop3A_1183 = arith.constant 5 : i32
      %parallel_loop3A_1184 = arith.index_cast %parallel_loop3A_1183 : i32 to index
      %parallel_loop3A_1185 = arith.index_cast %parallel_loop3A_1182 : i32 to index
      %parallel_loop3A_1186 = tpu.vector_load %arg5[%parallel_loop3A_1184, %parallel_loop3A_1185] {strides = array<i32>} : memref<8x5376xf32, #tpu.memory_space<vmem>>, vector<1x16xf32>,
      %parallel_loop3A_1187 = vector.shape_cast %parallel_loop3A_1186 : vector<1x16xf32> to vector<16xf32>
      %parallel_loop3A_1188 = arith.constant 16 : i32
      %parallel_loop3A_1189 = arith.addi %parallel_loop3A_1182, %parallel_loop3A_1188 : i32
      %parallel_loop3A_1190 = arith.constant 5 : i32
      %parallel_loop3A_1191 = arith.index_cast %parallel_loop3A_1190 : i32 to index
      %parallel_loop3A_1192 = arith.index_cast %parallel_loop3A_1189 : i32 to index
      %parallel_loop3A_1193 = tpu.vector_load %arg5[%parallel_loop3A_1191, %parallel_loop3A_1192] {strides = array<i32>} : memref<8x5376xf32, #tpu.memory_space<vmem>>, vector<1x16xf32>,
      %parallel_loop3A_1194 = vector.shape_cast %parallel_loop3A_1193 : vector<1x16xf32> to vector<16xf32>
      %parallel_loop3A_1195 = arith.constant 0 : i32
      %parallel_loop3A_1196 = vector.broadcast %parallel_loop3A_1195 : i32 to vector<16xi32>
      %parallel_loop3A_1197 = arith.cmpi slt, %min3A_869, %parallel_loop3A_1196 : vector<16xi32>
      %parallel_loop3A_1198 = arith.constant 16 : i32
      %parallel_loop3A_1199 = vector.broadcast %parallel_loop3A_1198 : i32 to vector<16xi32>
      %parallel_loop3A_1200 = arith.addi %min3A_869, %parallel_loop3A_1199 : vector<16xi32>
      %parallel_loop3A_1201 = arith.select %parallel_loop3A_1197, %parallel_loop3A_1200, %min3A_869 : vector<16xi1>, vector<16xi32>
      %parallel_loop3A_1202 = vector.shape_cast %parallel_loop3A_1201 : vector<16xi32> to vector<16x1xi32>
      %parallel_loop3A_1203 = vector.shape_cast %parallel_loop3A_1202 : vector<16x1xi32> to vector<16xi32>
      %parallel_loop3A_1204 = tpu.dynamic_gather %parallel_loop3A_1187[%parallel_loop3A_1203] in [0] : vector<16xf32>, vector<16xi32> -> vector<16xf32>
      %parallel_loop3A_1205 = arith.constant 0 : i32
      %parallel_loop3A_1206 = vector.broadcast %parallel_loop3A_1205 : i32 to vector<16xi32>
      %parallel_loop3A_1207 = arith.cmpi slt, %max3A_875, %parallel_loop3A_1206 : vector<16xi32>
      %parallel_loop3A_1208 = arith.constant 16 : i32
      %parallel_loop3A_1209 = vector.broadcast %parallel_loop3A_1208 : i32 to vector<16xi32>
      %parallel_loop3A_1210 = arith.addi %max3A_875, %parallel_loop3A_1209 : vector<16xi32>
      %parallel_loop3A_1211 = arith.select %parallel_loop3A_1207, %parallel_loop3A_1210, %max3A_875 : vector<16xi1>, vector<16xi32>
      %parallel_loop3A_1212 = vector.shape_cast %parallel_loop3A_1211 : vector<16xi32> to vector<16x1xi32>
      %parallel_loop3A_1213 = vector.shape_cast %parallel_loop3A_1212 : vector<16x1xi32> to vector<16xi32>
      %parallel_loop3A_1214 = tpu.dynamic_gather %parallel_loop3A_1194[%parallel_loop3A_1213] in [0] : vector<16xf32>, vector<16xi32> -> vector<16xf32>
      %parallel_loop3A_1215 = arith.select %lt3A_878, %parallel_loop3A_1204, %parallel_loop3A_1214 : vector<16xi1>, vector<16xf32>
      %parallel_loop3A_1216 = arith.constant 16 : i32
      %parallel_loop3A_1217 = arith.muli %parallel_loop3A_1216, %parallel_loop3A_918 : i32
      %parallel_loop3A_1218 = arith.constant 5 : i32
      %parallel_loop3A_1219 = arith.index_cast %parallel_loop3A_1218 : i32 to index
      %parallel_loop3A_1220 = arith.index_cast %parallel_loop3A_1217 : i32 to index
      %parallel_loop3A_1221 = tpu.vector_load %arg6[%parallel_loop3A_1219, %parallel_loop3A_1220] {strides = array<i32>} : memref<8x4992xf32, #tpu.memory_space<vmem>>, vector<1x16xf32>,
      %parallel_loop3A_1222 = vector.shape_cast %parallel_loop3A_1221 : vector<1x16xf32> to vector<16xf32>
      %parallel_loop3A_1223 = arith.mulf %parallel_loop3A_1215, %parallel_loop3A_1222 : vector<16xf32>
      %parallel_loop3A_1224 = arith.constant 16 : i32
      %parallel_loop3A_1225 = arith.muli %parallel_loop3A_1224, %parallel_loop3A_918 : i32
      %parallel_loop3A_1226 = arith.constant 5 : i32
      %parallel_loop3A_1227 = arith.index_cast %parallel_loop3A_1226 : i32 to index
      %parallel_loop3A_1228 = arith.index_cast %parallel_loop3A_1225 : i32 to index
      %parallel_loop3A_1229 = tpu.vector_load %arg7[%parallel_loop3A_1227, %parallel_loop3A_1228] {strides = array<i32>} : memref<8x4992xf32, #tpu.memory_space<vmem>>, vector<1x16xf32>,
      %parallel_loop3A_1230 = vector.shape_cast %parallel_loop3A_1229 : vector<1x16xf32> to vector<16xf32>
      %parallel_loop3A_1231 = vector.shape_cast %parallel_loop3A_1223 : vector<16xf32> to vector<1x16xf32>
      tpu.vector_store %arg7[%parallel_loop3A_1227, %parallel_loop3A_1228], %parallel_loop3A_1231 {strides = array<i32>} : memref<8x4992xf32, #tpu.memory_space<vmem>>, vector<1x16xf32>,
      %parallel_loop3A_1232 = arith.constant 96 : i32
      %parallel_loop3A_1233 = arith.addi %parallel_loop3A_925, %parallel_loop3A_1232 : i32
      %parallel_loop3A_1234 = arith.constant 6 : i32
      %parallel_loop3A_1235 = arith.index_cast %parallel_loop3A_1234 : i32 to index
      %parallel_loop3A_1236 = arith.index_cast %parallel_loop3A_1233 : i32 to index
      %parallel_loop3A_1237 = tpu.vector_load %arg5[%parallel_loop3A_1235, %parallel_loop3A_1236] {strides = array<i32>} : memref<8x5376xf32, #tpu.memory_space<vmem>>, vector<1x16xf32>,
      %parallel_loop3A_1238 = vector.shape_cast %parallel_loop3A_1237 : vector<1x16xf32> to vector<16xf32>
      %parallel_loop3A_1239 = arith.constant 16 : i32
      %parallel_loop3A_1240 = arith.addi %parallel_loop3A_1233, %parallel_loop3A_1239 : i32
      %parallel_loop3A_1241 = arith.constant 6 : i32
      %parallel_loop3A_1242 = arith.index_cast %parallel_loop3A_1241 : i32 to index
      %parallel_loop3A_1243 = arith.index_cast %parallel_loop3A_1240 : i32 to index
      %parallel_loop3A_1244 = tpu.vector_load %arg5[%parallel_loop3A_1242, %parallel_loop3A_1243] {strides = array<i32>} : memref<8x5376xf32, #tpu.memory_space<vmem>>, vector<1x16xf32>,
      %parallel_loop3A_1245 = vector.shape_cast %parallel_loop3A_1244 : vector<1x16xf32> to vector<16xf32>
      %parallel_loop3A_1246 = arith.constant 0 : i32
      %parallel_loop3A_1247 = vector.broadcast %parallel_loop3A_1246 : i32 to vector<16xi32>
      %parallel_loop3A_1248 = arith.cmpi slt, %min3A_884, %parallel_loop3A_1247 : vector<16xi32>
      %parallel_loop3A_1249 = arith.constant 16 : i32
      %parallel_loop3A_1250 = vector.broadcast %parallel_loop3A_1249 : i32 to vector<16xi32>
      %parallel_loop3A_1251 = arith.addi %min3A_884, %parallel_loop3A_1250 : vector<16xi32>
      %parallel_loop3A_1252 = arith.select %parallel_loop3A_1248, %parallel_loop3A_1251, %min3A_884 : vector<16xi1>, vector<16xi32>
      %parallel_loop3A_1253 = vector.shape_cast %parallel_loop3A_1252 : vector<16xi32> to vector<16x1xi32>
      %parallel_loop3A_1254 = vector.shape_cast %parallel_loop3A_1253 : vector<16x1xi32> to vector<16xi32>
      %parallel_loop3A_1255 = tpu.dynamic_gather %parallel_loop3A_1238[%parallel_loop3A_1254] in [0] : vector<16xf32>, vector<16xi32> -> vector<16xf32>
      %parallel_loop3A_1256 = arith.constant 0 : i32
      %parallel_loop3A_1257 = vector.broadcast %parallel_loop3A_1256 : i32 to vector<16xi32>
      %parallel_loop3A_1258 = arith.cmpi slt, %max3A_890, %parallel_loop3A_1257 : vector<16xi32>
      %parallel_loop3A_1259 = arith.constant 16 : i32
      %parallel_loop3A_1260 = vector.broadcast %parallel_loop3A_1259 : i32 to vector<16xi32>
      %parallel_loop3A_1261 = arith.addi %max3A_890, %parallel_loop3A_1260 : vector<16xi32>
      %parallel_loop3A_1262 = arith.select %parallel_loop3A_1258, %parallel_loop3A_1261, %max3A_890 : vector<16xi1>, vector<16xi32>
      %parallel_loop3A_1263 = vector.shape_cast %parallel_loop3A_1262 : vector<16xi32> to vector<16x1xi32>
      %parallel_loop3A_1264 = vector.shape_cast %parallel_loop3A_1263 : vector<16x1xi32> to vector<16xi32>
      %parallel_loop3A_1265 = tpu.dynamic_gather %parallel_loop3A_1245[%parallel_loop3A_1264] in [0] : vector<16xf32>, vector<16xi32> -> vector<16xf32>
      %parallel_loop3A_1266 = arith.select %lt3A_893, %parallel_loop3A_1255, %parallel_loop3A_1265 : vector<16xi1>, vector<16xf32>
      %parallel_loop3A_1267 = arith.constant 16 : i32
      %parallel_loop3A_1268 = arith.muli %parallel_loop3A_1267, %parallel_loop3A_918 : i32
      %parallel_loop3A_1269 = arith.constant 6 : i32
      %parallel_loop3A_1270 = arith.index_cast %parallel_loop3A_1269 : i32 to index
      %parallel_loop3A_1271 = arith.index_cast %parallel_loop3A_1268 : i32 to index
      %parallel_loop3A_1272 = tpu.vector_load %arg6[%parallel_loop3A_1270, %parallel_loop3A_1271] {strides = array<i32>} : memref<8x4992xf32, #tpu.memory_space<vmem>>, vector<1x16xf32>,
      %parallel_loop3A_1273 = vector.shape_cast %parallel_loop3A_1272 : vector<1x16xf32> to vector<16xf32>
      %parallel_loop3A_1274 = arith.mulf %parallel_loop3A_1266, %parallel_loop3A_1273 : vector<16xf32>
      %parallel_loop3A_1275 = arith.constant 16 : i32
      %parallel_loop3A_1276 = arith.muli %parallel_loop3A_1275, %parallel_loop3A_918 : i32
      %parallel_loop3A_1277 = arith.constant 6 : i32
      %parallel_loop3A_1278 = arith.index_cast %parallel_loop3A_1277 : i32 to index
      %parallel_loop3A_1279 = arith.index_cast %parallel_loop3A_1276 : i32 to index
      %parallel_loop3A_1280 = tpu.vector_load %arg7[%parallel_loop3A_1278, %parallel_loop3A_1279] {strides = array<i32>} : memref<8x4992xf32, #tpu.memory_space<vmem>>, vector<1x16xf32>,
      %parallel_loop3A_1281 = vector.shape_cast %parallel_loop3A_1280 : vector<1x16xf32> to vector<16xf32>
      %parallel_loop3A_1282 = vector.shape_cast %parallel_loop3A_1274 : vector<16xf32> to vector<1x16xf32>
      tpu.vector_store %arg7[%parallel_loop3A_1278, %parallel_loop3A_1279], %parallel_loop3A_1282 {strides = array<i32>} : memref<8x4992xf32, #tpu.memory_space<vmem>>, vector<1x16xf32>,
      %parallel_loop3A_1283 = arith.constant 96 : i32
      %parallel_loop3A_1284 = arith.addi %parallel_loop3A_925, %parallel_loop3A_1283 : i32
      %parallel_loop3A_1285 = arith.constant 7 : i32
      %parallel_loop3A_1286 = arith.index_cast %parallel_loop3A_1285 : i32 to index
      %parallel_loop3A_1287 = arith.index_cast %parallel_loop3A_1284 : i32 to index
      %parallel_loop3A_1288 = tpu.vector_load %arg5[%parallel_loop3A_1286, %parallel_loop3A_1287] {strides = array<i32>} : memref<8x5376xf32, #tpu.memory_space<vmem>>, vector<1x16xf32>,
      %parallel_loop3A_1289 = vector.shape_cast %parallel_loop3A_1288 : vector<1x16xf32> to vector<16xf32>
      %parallel_loop3A_1290 = arith.constant 16 : i32
      %parallel_loop3A_1291 = arith.addi %parallel_loop3A_1284, %parallel_loop3A_1290 : i32
      %parallel_loop3A_1292 = arith.constant 7 : i32
      %parallel_loop3A_1293 = arith.index_cast %parallel_loop3A_1292 : i32 to index
      %parallel_loop3A_1294 = arith.index_cast %parallel_loop3A_1291 : i32 to index
      %parallel_loop3A_1295 = tpu.vector_load %arg5[%parallel_loop3A_1293, %parallel_loop3A_1294] {strides = array<i32>} : memref<8x5376xf32, #tpu.memory_space<vmem>>, vector<1x16xf32>,
      %parallel_loop3A_1296 = vector.shape_cast %parallel_loop3A_1295 : vector<1x16xf32> to vector<16xf32>
      %parallel_loop3A_1297 = arith.constant 0 : i32
      %parallel_loop3A_1298 = vector.broadcast %parallel_loop3A_1297 : i32 to vector<16xi32>
      %parallel_loop3A_1299 = arith.cmpi slt, %min3A_899, %parallel_loop3A_1298 : vector<16xi32>
      %parallel_loop3A_1300 = arith.constant 16 : i32
      %parallel_loop3A_1301 = vector.broadcast %parallel_loop3A_1300 : i32 to vector<16xi32>
      %parallel_loop3A_1302 = arith.addi %min3A_899, %parallel_loop3A_1301 : vector<16xi32>
      %parallel_loop3A_1303 = arith.select %parallel_loop3A_1299, %parallel_loop3A_1302, %min3A_899 : vector<16xi1>, vector<16xi32>
      %parallel_loop3A_1304 = vector.shape_cast %parallel_loop3A_1303 : vector<16xi32> to vector<16x1xi32>
      %parallel_loop3A_1305 = vector.shape_cast %parallel_loop3A_1304 : vector<16x1xi32> to vector<16xi32>
      %parallel_loop3A_1306 = tpu.dynamic_gather %parallel_loop3A_1289[%parallel_loop3A_1305] in [0] : vector<16xf32>, vector<16xi32> -> vector<16xf32>
      %parallel_loop3A_1307 = arith.constant 0 : i32
      %parallel_loop3A_1308 = vector.broadcast %parallel_loop3A_1307 : i32 to vector<16xi32>
      %parallel_loop3A_1309 = arith.cmpi slt, %max3A_905, %parallel_loop3A_1308 : vector<16xi32>
      %parallel_loop3A_1310 = arith.constant 16 : i32
      %parallel_loop3A_1311 = vector.broadcast %parallel_loop3A_1310 : i32 to vector<16xi32>
      %parallel_loop3A_1312 = arith.addi %max3A_905, %parallel_loop3A_1311 : vector<16xi32>
      %parallel_loop3A_1313 = arith.select %parallel_loop3A_1309, %parallel_loop3A_1312, %max3A_905 : vector<16xi1>, vector<16xi32>
      %parallel_loop3A_1314 = vector.shape_cast %parallel_loop3A_1313 : vector<16xi32> to vector<16x1xi32>
      %parallel_loop3A_1315 = vector.shape_cast %parallel_loop3A_1314 : vector<16x1xi32> to vector<16xi32>
      %parallel_loop3A_1316 = tpu.dynamic_gather %parallel_loop3A_1296[%parallel_loop3A_1315] in [0] : vector<16xf32>, vector<16xi32> -> vector<16xf32>
      %parallel_loop3A_1317 = arith.select %lt3A_908, %parallel_loop3A_1306, %parallel_loop3A_1316 : vector<16xi1>, vector<16xf32>
      %parallel_loop3A_1318 = arith.constant 16 : i32
      %parallel_loop3A_1319 = arith.muli %parallel_loop3A_1318, %parallel_loop3A_918 : i32
      %parallel_loop3A_1320 = arith.constant 7 : i32
      %parallel_loop3A_1321 = arith.index_cast %parallel_loop3A_1320 : i32 to index
      %parallel_loop3A_1322 = arith.index_cast %parallel_loop3A_1319 : i32 to index
      %parallel_loop3A_1323 = tpu.vector_load %arg6[%parallel_loop3A_1321, %parallel_loop3A_1322] {strides = array<i32>} : memref<8x4992xf32, #tpu.memory_space<vmem>>, vector<1x16xf32>,
      %parallel_loop3A_1324 = vector.shape_cast %parallel_loop3A_1323 : vector<1x16xf32> to vector<16xf32>
      %parallel_loop3A_1325 = arith.mulf %parallel_loop3A_1317, %parallel_loop3A_1324 : vector<16xf32>
      %parallel_loop3A_1326 = arith.constant 16 : i32
      %parallel_loop3A_1327 = arith.muli %parallel_loop3A_1326, %parallel_loop3A_918 : i32
      %parallel_loop3A_1328 = arith.constant 7 : i32
      %parallel_loop3A_1329 = arith.index_cast %parallel_loop3A_1328 : i32 to index
      %parallel_loop3A_1330 = arith.index_cast %parallel_loop3A_1327 : i32 to index
      %parallel_loop3A_1331 = tpu.vector_load %arg7[%parallel_loop3A_1329, %parallel_loop3A_1330] {strides = array<i32>} : memref<8x4992xf32, #tpu.memory_space<vmem>>, vector<1x16xf32>,
      %parallel_loop3A_1332 = vector.shape_cast %parallel_loop3A_1331 : vector<1x16xf32> to vector<16xf32>
      %parallel_loop3A_1333 = vector.shape_cast %parallel_loop3A_1325 : vector<16xf32> to vector<1x16xf32>
      tpu.vector_store %arg7[%parallel_loop3A_1329, %parallel_loop3A_1330], %parallel_loop3A_1333 {strides = array<i32>} : memref<8x4992xf32, #tpu.memory_space<vmem>>, vector<1x16xf32>,
    } {sc.loop_unroll_factor = 8 : i64, sc.parallel_access}
    %eq3A = arith.constant 0 : i32
    %eq3A_911 = arith.cmpi eq, %arg0, %eq3A : i32
    %convert_element_type3A = arith.extui %eq3A_911 : i1 to i32
    %cond3A = arith.constant 0 : i32
    %cond3A_912 = arith.cmpi ne, %convert_element_type3A, %cond3A : i32
    scf.if %cond3A_912 {
      "tpu.region"() ({
        %run_scoped3A = tpu.sem_alloc : memref<!tpu.dma_semaphore, #tpu.memory_space<semaphore_mem>>
        %dma_start3A_918 = arith.constant 0 : i32
        %dma_start3A_919 = arith.constant 0 : i32
        %dma_start3A_920 = tpu.memref_slice %arg4[%arg1, %dma_start3A_918, %dma_start3A_919] : memref<16x8x9856xf32, #tpu.memory_space<hbm>> -> memref<1x8x4992xf32, #tpu.memory_space<hbm>>
        %dma_start3A_921 = tpu.memref_squeeze %dma_start3A_920 : memref<1x8x4992xf32, #tpu.memory_space<hbm>> -> memref<8x4992xf32, #tpu.memory_space<hbm>>
        %dma_start3A_922 = arith.constant 0 : i32
        %dma_start3A_923 = arith.constant 0 : i32
        %dma_start3A_924 = tpu.memref_slice %arg4[%arg1, %dma_start3A_922, %dma_start3A_923] : memref<16x8x9856xf32, #tpu.memory_space<hbm>> -> memref<1x8x4992xf32, #tpu.memory_space<hbm>>
        %dma_start3A_925 = tpu.memref_squeeze %dma_start3A_924 : memref<1x8x4992xf32, #tpu.memory_space<hbm>> -> memref<8x4992xf32, #tpu.memory_space<hbm>>
        tpu.enqueue_dma source(%arg7 : memref<8x4992xf32, #tpu.memory_space<vmem>>) target(%dma_start3A_925 : memref<8x4992xf32, #tpu.memory_space<hbm>>) target_semaphore(%run_scoped3A : memref<!tpu.dma_semaphore, #tpu.memory_space<semaphore_mem>>)
        %dma_wait3A_926 = arith.constant 0 : i32
        %dma_wait3A_927 = arith.constant 0 : i32
        %dma_wait3A_928 = tpu.memref_slice %arg4[%arg1, %dma_wait3A_926, %dma_wait3A_927] : memref<16x8x9856xf32, #tpu.memory_space<hbm>> -> memref<1x8x4992xf32, #tpu.memory_space<hbm>>
        %dma_wait3A_929 = tpu.memref_squeeze %dma_wait3A_928 : memref<1x8x4992xf32, #tpu.memory_space<hbm>> -> memref<8x4992xf32, #tpu.memory_space<hbm>>
        %dma_wait3A_930 = arith.constant 0 : i32
        %dma_wait3A_931 = arith.constant 0 : i32
        %dma_wait3A_932 = tpu.memref_slice %arg4[%arg1, %dma_wait3A_930, %dma_wait3A_931] : memref<16x8x9856xf32, #tpu.memory_space<hbm>> -> memref<1x8x4992xf32, #tpu.memory_space<hbm>>
        %dma_wait3A_933 = tpu.memref_squeeze %dma_wait3A_932 : memref<1x8x4992xf32, #tpu.memory_space<hbm>> -> memref<8x4992xf32, #tpu.memory_space<hbm>>
        tpu.wait_dma2 semaphore(%run_scoped3A : memref<!tpu.dma_semaphore, #tpu.memory_space<semaphore_mem>>) src(%arg7 : memref<8x4992xf32, #tpu.memory_space<vmem>>) dst(%dma_wait3A_933 : memref<8x4992xf32, #tpu.memory_space<hbm>>)
        tpu.yield
      }) : () -> ()
    } else {
    }
    %eq3A_913 = arith.constant 1 : i32
    %eq3A_914 = arith.cmpi eq, %arg0, %eq3A_913 : i32
    %convert_element_type3A_915 = arith.extui %eq3A_914 : i1 to i32
    %cond3A_916 = arith.constant 0 : i32
    %cond3A_917 = arith.cmpi ne, %convert_element_type3A_915, %cond3A_916 : i32
    scf.if %cond3A_917 {
      "tpu.region"() ({
        %run_scoped3A = tpu.sem_alloc : memref<!tpu.dma_semaphore, #tpu.memory_space<semaphore_mem>>
        %dma_start3A_918 = arith.constant 0 : i32
        %dma_start3A_919 = arith.constant 0 : i32
        %dma_start3A_920 = tpu.memref_slice %arg7[%dma_start3A_918, %dma_start3A_919] : memref<8x4992xf32, #tpu.memory_space<vmem>> -> memref<8x4864xf32, #tpu.memory_space<vmem>>
        %dma_start3A_921 = arith.constant 0 : i32
        %dma_start3A_922 = arith.constant 4992 : i32
        %dma_start3A_923 = tpu.memref_slice %arg4[%arg1, %dma_start3A_921, %dma_start3A_922] : memref<16x8x9856xf32, #tpu.memory_space<hbm>> -> memref<1x8x4864xf32, #tpu.memory_space<hbm>>
        %dma_start3A_924 = tpu.memref_squeeze %dma_start3A_923 : memref<1x8x4864xf32, #tpu.memory_space<hbm>> -> memref<8x4864xf32, #tpu.memory_space<hbm>>
        %dma_start3A_925 = arith.constant 0 : i32
        %dma_start3A_926 = arith.constant 4992 : i32
        %dma_start3A_927 = tpu.memref_slice %arg4[%arg1, %dma_start3A_925, %dma_start3A_926] : memref<16x8x9856xf32, #tpu.memory_space<hbm>> -> memref<1x8x4864xf32, #tpu.memory_space<hbm>>
        %dma_start3A_928 = tpu.memref_squeeze %dma_start3A_927 : memref<1x8x4864xf32, #tpu.memory_space<hbm>> -> memref<8x4864xf32, #tpu.memory_space<hbm>>
        %dma_start3A_929 = arith.constant 0 : i32
        %dma_start3A_930 = arith.constant 0 : i32
        %dma_start3A_931 = tpu.memref_slice %arg7[%dma_start3A_929, %dma_start3A_930] : memref<8x4992xf32, #tpu.memory_space<vmem>> -> memref<8x4864xf32, #tpu.memory_space<vmem>>
        tpu.enqueue_dma source(%dma_start3A_931 : memref<8x4864xf32, #tpu.memory_space<vmem>>) target(%dma_start3A_928 : memref<8x4864xf32, #tpu.memory_space<hbm>>) target_semaphore(%run_scoped3A : memref<!tpu.dma_semaphore, #tpu.memory_space<semaphore_mem>>)
        %dma_wait3A_932 = arith.constant 0 : i32
        %dma_wait3A_933 = arith.constant 0 : i32
        %dma_wait3A_934 = tpu.memref_slice %arg7[%dma_wait3A_932, %dma_wait3A_933] : memref<8x4992xf32, #tpu.memory_space<vmem>> -> memref<8x4864xf32, #tpu.memory_space<vmem>>
        %dma_wait3A_935 = arith.constant 0 : i32
        %dma_wait3A_936 = arith.constant 4992 : i32
        %dma_wait3A_937 = tpu.memref_slice %arg4[%arg1, %dma_wait3A_935, %dma_wait3A_936] : memref<16x8x9856xf32, #tpu.memory_space<hbm>> -> memref<1x8x4864xf32, #tpu.memory_space<hbm>>
        %dma_wait3A_938 = tpu.memref_squeeze %dma_wait3A_937 : memref<1x8x4864xf32, #tpu.memory_space<hbm>> -> memref<8x4864xf32, #tpu.memory_space<hbm>>
        %dma_wait3A_939 = arith.constant 0 : i32
        %dma_wait3A_940 = arith.constant 4992 : i32
        %dma_wait3A_941 = tpu.memref_slice %arg4[%arg1, %dma_wait3A_939, %dma_wait3A_940] : memref<16x8x9856xf32, #tpu.memory_space<hbm>> -> memref<1x8x4864xf32, #tpu.memory_space<hbm>>
        %dma_wait3A_942 = tpu.memref_squeeze %dma_wait3A_941 : memref<1x8x4864xf32, #tpu.memory_space<hbm>> -> memref<8x4864xf32, #tpu.memory_space<hbm>>
        %dma_wait3A_943 = arith.constant 0 : i32
        %dma_wait3A_944 = arith.constant 0 : i32
        %dma_wait3A_945 = tpu.memref_slice %arg7[%dma_wait3A_943, %dma_wait3A_944] : memref<8x4992xf32, #tpu.memory_space<vmem>> -> memref<8x4864xf32, #tpu.memory_space<vmem>>
        tpu.wait_dma2 semaphore(%run_scoped3A : memref<!tpu.dma_semaphore, #tpu.memory_space<semaphore_mem>>) src(%dma_wait3A_945 : memref<8x4864xf32, #tpu.memory_space<vmem>>) dst(%dma_wait3A_942 : memref<8x4864xf32, #tpu.memory_space<hbm>>)
        tpu.yield
      }) : () -> ()
    } else {
    }
    return
  }
}

module attributes {stable_mosaic.version = 14 : i64} {
  func.func @_lstm_body(%arg0: i32, %arg1: memref<1x1x10000xf32, #tpu.memory_space<vmem>>, %arg2: memref<1x8x9856xf32, #tpu.memory_space<vmem>>, %arg3: memref<1x8x400xf32, #tpu.memory_space<vmem>>, %arg4: memref<8x144xf32, #tpu.memory_space<vmem>>, %arg5: memref<1x16x10000xf32, #tpu.memory_space<vmem>>, %arg6: memref<1x16x10000xf32, #tpu.memory_space<vmem>>, %arg7: memref<64x9xf32, #tpu.memory_space<vmem>>, %arg8: memref<64x16xf32, #tpu.memory_space<vmem>>, %arg9: memref<64x1xf32, #tpu.memory_space<vmem>>, %arg10: memref<9x16xf32, #tpu.memory_space<vmem>>, %arg11: memref<9x1xf32, #tpu.memory_space<vmem>>, %arg12: memref<1x1x10000xf32, #tpu.memory_space<vmem>>, %arg13: memref<1x8x10000xf32, #tpu.memory_space<vmem>>, %arg14: memref<1x16x10000xf32, #tpu.memory_space<vmem>>, %arg15: memref<1x16x10000xf32, #tpu.memory_space<vmem>>, %arg16: memref<1x8x10000xf32, #tpu.memory_space<vmem>>) attributes {dimension_semantics = [#tpu.dimension_semantics<arbitrary>], iteration_bounds = array<i64: 16>, scalar_prefetch = 0 : i64, scratch_operands = 0 : i64, tpu.core_type = #tpu.core_type<tc>, window_params = [{transform_indices = @transform_0, window_bounds = array<i64: 1, 1, 10000>}, {transform_indices = @transform_1, window_bounds = array<i64: 1, 8, 9856>}, {transform_indices = @transform_2, window_bounds = array<i64: 1, 8, 400>}, {pipeline_mode = #tpu.pipeline_mode<synchronous>, transform_indices = @transform_3, window_bounds = array<i64: 8, 144>}, {transform_indices = @transform_4, window_bounds = array<i64: 1, 16, 10000>}, {transform_indices = @transform_5, window_bounds = array<i64: 1, 16, 10000>}, {pipeline_mode = #tpu.pipeline_mode<synchronous>, transform_indices = @transform_6, window_bounds = array<i64: 64, 9>}, {pipeline_mode = #tpu.pipeline_mode<synchronous>, transform_indices = @transform_7, window_bounds = array<i64: 64, 16>}, {pipeline_mode = #tpu.pipeline_mode<synchronous>, transform_indices = @transform_8, window_bounds = array<i64: 64, 1>}, {pipeline_mode = #tpu.pipeline_mode<synchronous>, transform_indices = @transform_9, window_bounds = array<i64: 9, 16>}, {pipeline_mode = #tpu.pipeline_mode<synchronous>, transform_indices = @transform_10, window_bounds = array<i64: 9, 1>}, {transform_indices = @transform_11, window_bounds = array<i64: 1, 1, 10000>}, {transform_indices = @transform_12, window_bounds = array<i64: 1, 8, 10000>}, {transform_indices = @transform_13, window_bounds = array<i64: 1, 16, 10000>}, {transform_indices = @transform_14, window_bounds = array<i64: 1, 16, 10000>}, {transform_indices = @transform_15, window_bounds = array<i64: 1, 8, 10000>}]} {
    %get3A = arith.constant 0 : index
    %get3A_0 = arith.constant 0 : index
    %get3A_1 = arith.constant 0 : index
    %get3A_2 = vector.load %arg5[%get3A, %get3A_0, %get3A_1] : memref<1x16x10000xf32, #tpu.memory_space<vmem>>, vector<1x16x10000xf32>
    %get3A_3 = vector.shape_cast %get3A_2 : vector<1x16x10000xf32> to vector<16x10000xf32>
    %get3A_4 = arith.constant 0 : index
    %get3A_5 = arith.constant 0 : index
    %get3A_6 = arith.constant 0 : index
    %get3A_7 = vector.load %arg6[%get3A_4, %get3A_5, %get3A_6] : memref<1x16x10000xf32, #tpu.memory_space<vmem>>, vector<1x16x10000xf32>
    %get3A_8 = vector.shape_cast %get3A_7 : vector<1x16x10000xf32> to vector<16x10000xf32>
    %get3A_9 = arith.constant 0 : index
    %get3A_10 = arith.constant 0 : index
    %get3A_11 = arith.constant 0 : index
    %get3A_12 = vector.load %arg3[%get3A_9, %get3A_10, %get3A_11] : memref<1x8x400xf32, #tpu.memory_space<vmem>>, vector<1x8x400xf32>
    %get3A_13 = vector.shape_cast %get3A_12 : vector<1x8x400xf32> to vector<8x400xf32>
    %slice3A = vector.extract_strided_slice %get3A_13 {offsets = [0, 0], sizes = [1, 400], strides = [1, 1]} : vector<8x400xf32> to vector<1x400xf32>
    %broadcast_in_dim3A = arith.constant 0.000000e+00 : f32
    %broadcast_in_dim3A_14 = vector.broadcast %broadcast_in_dim3A : f32 to vector<1x101xf32>
    %slice3A_15 = vector.extract_strided_slice %slice3A {offsets = [0, 0], sizes = [1, 299], strides = [1, 1]} : vector<1x400xf32> to vector<1x299xf32>
    %concatenate3A = tpu.concatenate %broadcast_in_dim3A_14, %slice3A_15 in 1 : vector<1x101xf32>, vector<1x299xf32> -> vector<1x400xf32>
    %slice3A_16 = vector.extract_strided_slice %concatenate3A {offsets = [0, 256], sizes = [1, 144], strides = [1, 1]} : vector<1x400xf32> to vector<1x144xf32>
    %slice3A_17 = vector.extract_strided_slice %get3A_13 {offsets = [1, 0], sizes = [1, 400], strides = [1, 1]} : vector<8x400xf32> to vector<1x400xf32>
    %broadcast_in_dim3A_18 = arith.constant 0.000000e+00 : f32
    %broadcast_in_dim3A_19 = vector.broadcast %broadcast_in_dim3A_18 : f32 to vector<1x100xf32>
    %slice3A_20 = vector.extract_strided_slice %slice3A_17 {offsets = [0, 0], sizes = [1, 300], strides = [1, 1]} : vector<1x400xf32> to vector<1x300xf32>
    %concatenate3A_21 = tpu.concatenate %broadcast_in_dim3A_19, %slice3A_20 in 1 : vector<1x100xf32>, vector<1x300xf32> -> vector<1x400xf32>
    %slice3A_22 = vector.extract_strided_slice %concatenate3A_21 {offsets = [0, 256], sizes = [1, 144], strides = [1, 1]} : vector<1x400xf32> to vector<1x144xf32>
    %slice3A_23 = vector.extract_strided_slice %get3A_13 {offsets = [2, 0], sizes = [1, 400], strides = [1, 1]} : vector<8x400xf32> to vector<1x400xf32>
    %broadcast_in_dim3A_24 = arith.constant 0.000000e+00 : f32
    %broadcast_in_dim3A_25 = vector.broadcast %broadcast_in_dim3A_24 : f32 to vector<1x99xf32>
    %slice3A_26 = vector.extract_strided_slice %slice3A_23 {offsets = [0, 0], sizes = [1, 301], strides = [1, 1]} : vector<1x400xf32> to vector<1x301xf32>
    %concatenate3A_27 = tpu.concatenate %broadcast_in_dim3A_25, %slice3A_26 in 1 : vector<1x99xf32>, vector<1x301xf32> -> vector<1x400xf32>
    %slice3A_28 = vector.extract_strided_slice %concatenate3A_27 {offsets = [0, 256], sizes = [1, 144], strides = [1, 1]} : vector<1x400xf32> to vector<1x144xf32>
    %slice3A_29 = vector.extract_strided_slice %get3A_13 {offsets = [3, 0], sizes = [1, 400], strides = [1, 1]} : vector<8x400xf32> to vector<1x400xf32>
    %broadcast_in_dim3A_30 = arith.constant 0.000000e+00 : f32
    %broadcast_in_dim3A_31 = vector.broadcast %broadcast_in_dim3A_30 : f32 to vector<1x1xf32>
    %slice3A_32 = vector.extract_strided_slice %slice3A_29 {offsets = [0, 0], sizes = [1, 399], strides = [1, 1]} : vector<1x400xf32> to vector<1x399xf32>
    %concatenate3A_33 = tpu.concatenate %broadcast_in_dim3A_31, %slice3A_32 in 1 : vector<1x1xf32>, vector<1x399xf32> -> vector<1x400xf32>
    %slice3A_34 = vector.extract_strided_slice %concatenate3A_33 {offsets = [0, 256], sizes = [1, 144], strides = [1, 1]} : vector<1x400xf32> to vector<1x144xf32>
    %slice3A_35 = vector.extract_strided_slice %get3A_13 {offsets = [4, 0], sizes = [1, 400], strides = [1, 1]} : vector<8x400xf32> to vector<1x400xf32>
    %slice3A_36 = vector.extract_strided_slice %slice3A_35 {offsets = [0, 1], sizes = [1, 399], strides = [1, 1]} : vector<1x400xf32> to vector<1x399xf32>
    %broadcast_in_dim3A_37 = arith.constant 0.000000e+00 : f32
    %broadcast_in_dim3A_38 = vector.broadcast %broadcast_in_dim3A_37 : f32 to vector<1x1xf32>
    %concatenate3A_39 = tpu.concatenate %slice3A_36, %broadcast_in_dim3A_38 in 1 : vector<1x399xf32>, vector<1x1xf32> -> vector<1x400xf32>
    %slice3A_40 = vector.extract_strided_slice %concatenate3A_39 {offsets = [0, 256], sizes = [1, 144], strides = [1, 1]} : vector<1x400xf32> to vector<1x144xf32>
    %slice3A_41 = vector.extract_strided_slice %get3A_13 {offsets = [5, 0], sizes = [1, 400], strides = [1, 1]} : vector<8x400xf32> to vector<1x400xf32>
    %slice3A_42 = vector.extract_strided_slice %slice3A_41 {offsets = [0, 99], sizes = [1, 301], strides = [1, 1]} : vector<1x400xf32> to vector<1x301xf32>
    %broadcast_in_dim3A_43 = arith.constant 0.000000e+00 : f32
    %broadcast_in_dim3A_44 = vector.broadcast %broadcast_in_dim3A_43 : f32 to vector<1x99xf32>
    %concatenate3A_45 = tpu.concatenate %slice3A_42, %broadcast_in_dim3A_44 in 1 : vector<1x301xf32>, vector<1x99xf32> -> vector<1x400xf32>
    %slice3A_46 = vector.extract_strided_slice %concatenate3A_45 {offsets = [0, 256], sizes = [1, 144], strides = [1, 1]} : vector<1x400xf32> to vector<1x144xf32>
    %slice3A_47 = vector.extract_strided_slice %get3A_13 {offsets = [6, 0], sizes = [1, 400], strides = [1, 1]} : vector<8x400xf32> to vector<1x400xf32>
    %slice3A_48 = vector.extract_strided_slice %slice3A_47 {offsets = [0, 100], sizes = [1, 300], strides = [1, 1]} : vector<1x400xf32> to vector<1x300xf32>
    %broadcast_in_dim3A_49 = arith.constant 0.000000e+00 : f32
    %broadcast_in_dim3A_50 = vector.broadcast %broadcast_in_dim3A_49 : f32 to vector<1x100xf32>
    %concatenate3A_51 = tpu.concatenate %slice3A_48, %broadcast_in_dim3A_50 in 1 : vector<1x300xf32>, vector<1x100xf32> -> vector<1x400xf32>
    %slice3A_52 = vector.extract_strided_slice %concatenate3A_51 {offsets = [0, 256], sizes = [1, 144], strides = [1, 1]} : vector<1x400xf32> to vector<1x144xf32>
    %slice3A_53 = vector.extract_strided_slice %get3A_13 {offsets = [7, 0], sizes = [1, 400], strides = [1, 1]} : vector<8x400xf32> to vector<1x400xf32>
    %slice3A_54 = vector.extract_strided_slice %slice3A_53 {offsets = [0, 101], sizes = [1, 299], strides = [1, 1]} : vector<1x400xf32> to vector<1x299xf32>
    %broadcast_in_dim3A_55 = arith.constant 0.000000e+00 : f32
    %broadcast_in_dim3A_56 = vector.broadcast %broadcast_in_dim3A_55 : f32 to vector<1x101xf32>
    %concatenate3A_57 = tpu.concatenate %slice3A_54, %broadcast_in_dim3A_56 in 1 : vector<1x299xf32>, vector<1x101xf32> -> vector<1x400xf32>
    %slice3A_58 = vector.extract_strided_slice %concatenate3A_57 {offsets = [0, 256], sizes = [1, 144], strides = [1, 1]} : vector<1x400xf32> to vector<1x144xf32>
    %concatenate3A_59 = tpu.concatenate %slice3A_16, %slice3A_22, %slice3A_28, %slice3A_34, %slice3A_40, %slice3A_46, %slice3A_52, %slice3A_58 in 0 : vector<1x144xf32>, vector<1x144xf32>, vector<1x144xf32>, vector<1x144xf32>, vector<1x144xf32>, vector<1x144xf32>, vector<1x144xf32>, vector<1x144xf32> -> vector<8x144xf32>
    %get3A_60 = arith.constant 0 : index
    %get3A_61 = arith.constant 0 : index
    %get3A_62 = vector.load %arg4[%get3A_60, %get3A_61] : memref<8x144xf32, #tpu.memory_space<vmem>>, vector<8x144xf32>
    %mul3A = arith.mulf %concatenate3A_59, %get3A_62 : vector<8x144xf32>
    %get3A_63 = arith.constant 0 : index
    %get3A_64 = arith.constant 0 : index
    %get3A_65 = arith.constant 0 : index
    %get3A_66 = vector.load %arg2[%get3A_63, %get3A_64, %get3A_65] : memref<1x8x9856xf32, #tpu.memory_space<vmem>>, vector<1x8x9856xf32>
    %get3A_67 = vector.shape_cast %get3A_66 : vector<1x8x9856xf32> to vector<8x9856xf32>
    %concatenate3A_68 = tpu.concatenate %get3A_67, %mul3A in 1 : vector<8x9856xf32>, vector<8x144xf32> -> vector<8x10000xf32>
    %swap3A = arith.constant 0 : index
    %swap3A_69 = arith.constant 0 : index
    %swap3A_70 = arith.constant 0 : index
    %swap3A_71 = vector.load %arg16[%swap3A, %swap3A_69, %swap3A_70] : memref<1x8x10000xf32, #tpu.memory_space<vmem>>, vector<1x8x10000xf32>
    %swap3A_72 = vector.shape_cast %swap3A_71 : vector<1x8x10000xf32> to vector<8x10000xf32>
    %swap3A_73 = vector.shape_cast %concatenate3A_68 : vector<8x10000xf32> to vector<1x8x10000xf32>
    tpu.vector_store %arg16[%swap3A, %swap3A_69, %swap3A_70], %swap3A_73 {strides = array<i32>} : memref<1x8x10000xf32, #tpu.memory_space<vmem>>, vector<1x8x10000xf32>,
    %get3A_74 = arith.constant 0 : index
    %get3A_75 = arith.constant 0 : index
    %get3A_76 = arith.constant 0 : index
    %get3A_77 = vector.load %arg1[%get3A_74, %get3A_75, %get3A_76] : memref<1x1x10000xf32, #tpu.memory_space<vmem>>, vector<1x1x10000xf32>
    %get3A_78 = vector.shape_cast %get3A_77 : vector<1x1x10000xf32> to vector<1x10000xf32>
    %concatenate3A_79 = tpu.concatenate %get3A_78, %concatenate3A_68 in 0 : vector<1x10000xf32>, vector<8x10000xf32> -> vector<9x10000xf32>
    %get3A_80 = arith.constant 0 : index
    %get3A_81 = arith.constant 0 : index
    %get3A_82 = vector.load %arg7[%get3A_80, %get3A_81] : memref<64x9xf32, #tpu.memory_space<vmem>>, vector<64x9xf32>
    %dot_general3A = arith.constant dense<0.000000e+00> : vector<64x10000xf32>
    %dot_general3A_83 = tpu.matmul %get3A_82, %concatenate3A_79, %dot_general3A {dimension_numbers = #tpu.dot_dimension_numbers<[1], [0], [0], [1], [0, 0, 1, 1], [], []>, transpose_lhs_hint = false} : vector<64x9xf32>, vector<9x10000xf32>, vector<64x10000xf32> -> vector<64x10000xf32>
    %get3A_84 = arith.constant 0 : index
    %get3A_85 = arith.constant 0 : index
    %get3A_86 = vector.load %arg8[%get3A_84, %get3A_85] : memref<64x16xf32, #tpu.memory_space<vmem>>, vector<64x16xf32>
    %dot_general3A_87 = arith.constant dense<0.000000e+00> : vector<64x10000xf32>
    %dot_general3A_88 = tpu.matmul %get3A_86, %get3A_3, %dot_general3A_87 {dimension_numbers = #tpu.dot_dimension_numbers<[1], [0], [0], [1], [0, 0, 1, 1], [], []>, transpose_lhs_hint = false} : vector<64x16xf32>, vector<16x10000xf32>, vector<64x10000xf32> -> vector<64x10000xf32>
    %add3A = arith.addf %dot_general3A_83, %dot_general3A_88 : vector<64x10000xf32>
    %get3A_89 = arith.constant 0 : index
    %get3A_90 = arith.constant 0 : index
    %get3A_91 = vector.load %arg9[%get3A_89, %get3A_90] : memref<64x1xf32, #tpu.memory_space<vmem>>, vector<64x1xf32>
    %add3A_92 = vector.broadcast %get3A_91 : vector<64x1xf32> to vector<64x10000xf32>
    %add3A_93 = arith.addf %add3A, %add3A_92 : vector<64x10000xf32>
    %slice3A_94 = vector.extract_strided_slice %add3A_93 {offsets = [0, 0], sizes = [16, 10000], strides = [1, 1]} : vector<64x10000xf32> to vector<16x10000xf32>
    %logistic3A = arith.negf %slice3A_94 : vector<16x10000xf32>
    %logistic3A_95 = math.exp %logistic3A : vector<16x10000xf32>
    %logistic3A_96 = arith.constant 1.000000e+00 : f32
    %logistic3A_97 = vector.broadcast %logistic3A_96 : f32 to vector<16x10000xf32>
    %logistic3A_98 = arith.addf %logistic3A_97, %logistic3A_95 : vector<16x10000xf32>
    %logistic3A_99 = arith.divf %logistic3A_97, %logistic3A_98 : vector<16x10000xf32>
    %slice3A_100 = vector.extract_strided_slice %add3A_93 {offsets = [16, 0], sizes = [16, 10000], strides = [1, 1]} : vector<64x10000xf32> to vector<16x10000xf32>
    %logistic3A_101 = arith.negf %slice3A_100 : vector<16x10000xf32>
    %logistic3A_102 = math.exp %logistic3A_101 : vector<16x10000xf32>
    %logistic3A_103 = arith.constant 1.000000e+00 : f32
    %logistic3A_104 = vector.broadcast %logistic3A_103 : f32 to vector<16x10000xf32>
    %logistic3A_105 = arith.addf %logistic3A_104, %logistic3A_102 : vector<16x10000xf32>
    %logistic3A_106 = arith.divf %logistic3A_104, %logistic3A_105 : vector<16x10000xf32>
    %slice3A_107 = vector.extract_strided_slice %add3A_93 {offsets = [32, 0], sizes = [16, 10000], strides = [1, 1]} : vector<64x10000xf32> to vector<16x10000xf32>
    %tanh3A = math.tanh %slice3A_107 : vector<16x10000xf32>
    %slice3A_108 = vector.extract_strided_slice %add3A_93 {offsets = [48, 0], sizes = [16, 10000], strides = [1, 1]} : vector<64x10000xf32> to vector<16x10000xf32>
    %logistic3A_109 = arith.negf %slice3A_108 : vector<16x10000xf32>
    %logistic3A_110 = math.exp %logistic3A_109 : vector<16x10000xf32>
    %logistic3A_111 = arith.constant 1.000000e+00 : f32
    %logistic3A_112 = vector.broadcast %logistic3A_111 : f32 to vector<16x10000xf32>
    %logistic3A_113 = arith.addf %logistic3A_112, %logistic3A_110 : vector<16x10000xf32>
    %logistic3A_114 = arith.divf %logistic3A_112, %logistic3A_113 : vector<16x10000xf32>
    %mul3A_115 = arith.mulf %logistic3A_106, %get3A_8 : vector<16x10000xf32>
    %mul3A_116 = arith.mulf %logistic3A_99, %tanh3A : vector<16x10000xf32>
    %add3A_117 = arith.addf %mul3A_115, %mul3A_116 : vector<16x10000xf32>
    %tanh3A_118 = math.tanh %add3A_117 : vector<16x10000xf32>
    %mul3A_119 = arith.mulf %logistic3A_114, %tanh3A_118 : vector<16x10000xf32>
    %get3A_120 = arith.constant 0 : index
    %get3A_121 = arith.constant 0 : index
    %get3A_122 = vector.load %arg10[%get3A_120, %get3A_121] : memref<9x16xf32, #tpu.memory_space<vmem>>, vector<9x16xf32>
    %dot_general3A_123 = arith.constant dense<0.000000e+00> : vector<9x10000xf32>
    %dot_general3A_124 = tpu.matmul %get3A_122, %mul3A_119, %dot_general3A_123 {dimension_numbers = #tpu.dot_dimension_numbers<[1], [0], [0], [1], [0, 0, 1, 1], [], []>, transpose_lhs_hint = false} : vector<9x16xf32>, vector<16x10000xf32>, vector<9x10000xf32> -> vector<9x10000xf32>
    %get3A_125 = arith.constant 0 : index
    %get3A_126 = arith.constant 0 : index
    %get3A_127 = vector.load %arg11[%get3A_125, %get3A_126] : memref<9x1xf32, #tpu.memory_space<vmem>>, vector<9x1xf32>
    %add3A_128 = vector.broadcast %get3A_127 : vector<9x1xf32> to vector<9x10000xf32>
    %add3A_129 = arith.addf %dot_general3A_124, %add3A_128 : vector<9x10000xf32>
    %tanh3A_130 = math.tanh %add3A_129 : vector<9x10000xf32>
    %slice3A_131 = vector.extract_strided_slice %tanh3A_130 {offsets = [0, 0], sizes = [1, 10000], strides = [1, 1]} : vector<9x10000xf32> to vector<1x10000xf32>
    %swap3A_132 = arith.constant 0 : index
    %swap3A_133 = arith.constant 0 : index
    %swap3A_134 = arith.constant 0 : index
    %swap3A_135 = vector.load %arg12[%swap3A_132, %swap3A_133, %swap3A_134] : memref<1x1x10000xf32, #tpu.memory_space<vmem>>, vector<1x1x10000xf32>
    %swap3A_136 = vector.shape_cast %swap3A_135 : vector<1x1x10000xf32> to vector<1x10000xf32>
    %swap3A_137 = vector.shape_cast %slice3A_131 : vector<1x10000xf32> to vector<1x1x10000xf32>
    tpu.vector_store %arg12[%swap3A_132, %swap3A_133, %swap3A_134], %swap3A_137 {strides = array<i32>} : memref<1x1x10000xf32, #tpu.memory_space<vmem>>, vector<1x1x10000xf32>,
    %slice3A_138 = vector.extract_strided_slice %tanh3A_130 {offsets = [1, 0], sizes = [8, 10000], strides = [1, 1]} : vector<9x10000xf32> to vector<8x10000xf32>
    %swap3A_139 = arith.constant 0 : index
    %swap3A_140 = arith.constant 0 : index
    %swap3A_141 = arith.constant 0 : index
    %swap3A_142 = vector.load %arg13[%swap3A_139, %swap3A_140, %swap3A_141] : memref<1x8x10000xf32, #tpu.memory_space<vmem>>, vector<1x8x10000xf32>
    %swap3A_143 = vector.shape_cast %swap3A_142 : vector<1x8x10000xf32> to vector<8x10000xf32>
    %swap3A_144 = vector.shape_cast %slice3A_138 : vector<8x10000xf32> to vector<1x8x10000xf32>
    tpu.vector_store %arg13[%swap3A_139, %swap3A_140, %swap3A_141], %swap3A_144 {strides = array<i32>} : memref<1x8x10000xf32, #tpu.memory_space<vmem>>, vector<1x8x10000xf32>,
    %swap3A_145 = arith.constant 0 : index
    %swap3A_146 = arith.constant 0 : index
    %swap3A_147 = arith.constant 0 : index
    %swap3A_148 = vector.load %arg14[%swap3A_145, %swap3A_146, %swap3A_147] : memref<1x16x10000xf32, #tpu.memory_space<vmem>>, vector<1x16x10000xf32>
    %swap3A_149 = vector.shape_cast %swap3A_148 : vector<1x16x10000xf32> to vector<16x10000xf32>
    %swap3A_150 = vector.shape_cast %mul3A_119 : vector<16x10000xf32> to vector<1x16x10000xf32>
    tpu.vector_store %arg14[%swap3A_145, %swap3A_146, %swap3A_147], %swap3A_150 {strides = array<i32>} : memref<1x16x10000xf32, #tpu.memory_space<vmem>>, vector<1x16x10000xf32>,
    %swap3A_151 = arith.constant 0 : index
    %swap3A_152 = arith.constant 0 : index
    %swap3A_153 = arith.constant 0 : index
    %swap3A_154 = vector.load %arg15[%swap3A_151, %swap3A_152, %swap3A_153] : memref<1x16x10000xf32, #tpu.memory_space<vmem>>, vector<1x16x10000xf32>
    %swap3A_155 = vector.shape_cast %swap3A_154 : vector<1x16x10000xf32> to vector<16x10000xf32>
    %swap3A_156 = vector.shape_cast %add3A_117 : vector<16x10000xf32> to vector<1x16x10000xf32>
    tpu.vector_store %arg15[%swap3A_151, %swap3A_152, %swap3A_153], %swap3A_156 {strides = array<i32>} : memref<1x16x10000xf32, #tpu.memory_space<vmem>>, vector<1x16x10000xf32>,
    return
  }
  func.func @transform_0(%arg0: i32) -> (i32, i32, i32) {
    %c0_i32 = arith.constant 0 : i32
    %c0_i32_0 = arith.constant 0 : i32
    %c0_i32_1 = arith.constant 0 : i32
    return %arg0, %c0_i32, %c0_i32_0 : i32, i32, i32
  }
  func.func @transform_1(%arg0: i32) -> (i32, i32, i32) {
    %c0_i32 = arith.constant 0 : i32
    %c0_i32_0 = arith.constant 0 : i32
    %c0_i32_1 = arith.constant 0 : i32
    return %arg0, %c0_i32, %c0_i32_0 : i32, i32, i32
  }
  func.func @transform_2(%arg0: i32) -> (i32, i32, i32) {
    %c0_i32 = arith.constant 0 : i32
    %c0_i32_0 = arith.constant 0 : i32
    %c0_i32_1 = arith.constant 0 : i32
    return %arg0, %c0_i32, %c0_i32_0 : i32, i32, i32
  }
  func.func @transform_3(%arg0: i32) -> (i32, i32) {
    %c0_i32 = arith.constant 0 : i32
    %c0_i32_0 = arith.constant 0 : i32
    %c0_i32_1 = arith.constant 0 : i32
    return %c0_i32, %c0_i32_0 : i32, i32
  }
  func.func @transform_4(%arg0: i32) -> (i32, i32, i32) {
    %c0_i32 = arith.constant 0 : i32
    %c0_i32_0 = arith.constant 0 : i32
    %c0_i32_1 = arith.constant 0 : i32
    return %arg0, %c0_i32, %c0_i32_0 : i32, i32, i32
  }
  func.func @transform_5(%arg0: i32) -> (i32, i32, i32) {
    %c0_i32 = arith.constant 0 : i32
    %c0_i32_0 = arith.constant 0 : i32
    %c0_i32_1 = arith.constant 0 : i32
    return %arg0, %c0_i32, %c0_i32_0 : i32, i32, i32
  }
  func.func @transform_6(%arg0: i32) -> (i32, i32) {
    %c0_i32 = arith.constant 0 : i32
    %c0_i32_0 = arith.constant 0 : i32
    %c0_i32_1 = arith.constant 0 : i32
    return %c0_i32, %c0_i32_0 : i32, i32
  }
  func.func @transform_7(%arg0: i32) -> (i32, i32) {
    %c0_i32 = arith.constant 0 : i32
    %c0_i32_0 = arith.constant 0 : i32
    %c0_i32_1 = arith.constant 0 : i32
    return %c0_i32, %c0_i32_0 : i32, i32
  }
  func.func @transform_8(%arg0: i32) -> (i32, i32) {
    %c0_i32 = arith.constant 0 : i32
    %c0_i32_0 = arith.constant 0 : i32
    %c0_i32_1 = arith.constant 0 : i32
    return %c0_i32, %c0_i32_0 : i32, i32
  }
  func.func @transform_9(%arg0: i32) -> (i32, i32) {
    %c0_i32 = arith.constant 0 : i32
    %c0_i32_0 = arith.constant 0 : i32
    %c0_i32_1 = arith.constant 0 : i32
    return %c0_i32, %c0_i32_0 : i32, i32
  }
  func.func @transform_10(%arg0: i32) -> (i32, i32) {
    %c0_i32 = arith.constant 0 : i32
    %c0_i32_0 = arith.constant 0 : i32
    %c0_i32_1 = arith.constant 0 : i32
    return %c0_i32, %c0_i32_0 : i32, i32
  }
  func.func @transform_11(%arg0: i32) -> (i32, i32, i32) {
    %c0_i32 = arith.constant 0 : i32
    %c0_i32_0 = arith.constant 0 : i32
    %c0_i32_1 = arith.constant 0 : i32
    return %arg0, %c0_i32, %c0_i32_0 : i32, i32, i32
  }
  func.func @transform_12(%arg0: i32) -> (i32, i32, i32) {
    %c0_i32 = arith.constant 0 : i32
    %c0_i32_0 = arith.constant 0 : i32
    %c0_i32_1 = arith.constant 0 : i32
    return %arg0, %c0_i32, %c0_i32_0 : i32, i32, i32
  }
  func.func @transform_13(%arg0: i32) -> (i32, i32, i32) {
    %c0_i32 = arith.constant 0 : i32
    %c0_i32_0 = arith.constant 0 : i32
    %c0_i32_1 = arith.constant 0 : i32
    return %arg0, %c0_i32, %c0_i32_0 : i32, i32, i32
  }
  func.func @transform_14(%arg0: i32) -> (i32, i32, i32) {
    %c0_i32 = arith.constant 0 : i32
    %c0_i32_0 = arith.constant 0 : i32
    %c0_i32_1 = arith.constant 0 : i32
    return %arg0, %c0_i32, %c0_i32_0 : i32, i32, i32
  }
  func.func @transform_15(%arg0: i32) -> (i32, i32, i32) {
    %c0_i32 = arith.constant 0 : i32
    %c0_i32_0 = arith.constant 0 : i32
    %c0_i32_1 = arith.constant 0 : i32
    return %arg0, %c0_i32, %c0_i32_0 : i32, i32, i32
  }
}

</mosaic_0001>

<sc_bundles>
// kernel: kernel.4.cloned.1.call-start
scs
__scs_entry_jumppad:
0x0: {  	(pc) =	sbr.rel $0x88, $3  }
0x1: {  	(tag) =	ssettag $0x0;
	lr =	simm.s32 $0x1  }
0x2: {  	[smem:$0x3F98] =	sst lr;
	_ =	strace $0xD0000000  }
0x3: {  	_ = 	snop  }
0x4: {  	_ = 	snop  }
0x5: {  	_ = 	snop  }
0x6: {  	_ = 	snop  }
0x7: {  	_ = 	snop  }
__scs_overlays_trampoline_lowered:
0x8: {  	[smem:$0x3FA7] =	sst s0  }
0x9: {  	[smem:$0x3FA8] =	sst s1  }
0xa: {  	[smem:$0x3FA9] =	sst s2  }
0xb: {  	[smem:$0x3FAA] =	sst s3  }
0xc: {  	[smem:$0x3FAB] =	sst s4  }
0xd: {  	[smem:$0x3FAC] =	sst s5  }
0xe: {  	[smem:$0x3FAD] =	sst s6  }
0xf: {  	[smem:$0x3FAE] =	sst s7  }
0x10: {  	[smem:$0x3FAF] =	sst s8  }
0x11: {  	[smem:$0x3FB0] =	sst s9;
	s0 =	simm.s32 @!p0 $0x0  }
0x12: {  	s1 =	sld [smem:$0x3F96];
	s0 =	simm.s32 @p0 $0x1  }
0x13: {  	[smem:$0x3FB1] =	sst s0;
	s0 =	simm.s32 @!p1 $0x0  }
0x14: {  	s2 =	sld [smem:$0x3F95];
	s0 =	simm.s32 @p1 $0x1  }
0x15: {  	[smem:$0x3FB2] =	sst s0;
	s0 =	simm.s32 @!p2 $0x0  }
0x16: {  	s3 =	sld [smem:$0x3FDB];
	s0 =	simm.s32 @p2 $0x1  }
0x17: {  	s4 =	simm.s32 $0x1BF5;
	[smem:$0x3FB4] =	sst s0  }
0x18: {  	s0 =	sld [smem:$0x3F97];
	_ =	swait.ge [sflag:s4], $0x0  }
0x19: {  	s7 =	sld [smem:$0x3F98]  }
0x1a: {  	s8 =	sadd.s32 $0xFFFFE003, lr  }
0x1b: {  	s9 =	sadd.s32 $0xFFFFFEF7, lr;
	s5 =	simm.s32 $0xFFFFFFFF;
	p2 =	slt.u32 s8, $0xFFFFF086  }
0x1c: {  	p1 =	slt.u32 s9, $0xF7A;
	s5 =	simm.s32 @!p2 $0x0  }
0x1d: {  	s5 =	simm.s32 @p1 $0x1;
	p0 =	seq.s32 s7, s2  }
0x1e: {  	s7 =	smul.u32 @!p0 $0xF7A, s2;
	p2 =	seq.s32 @!p0 s5, $0x0  }
0x1f: {  	s9 =	smul.u32 $0xF7A, s1;
	s8 =	simm.s32 @!p0 $0x1BF5;
	p2 =	por !p2, p0  }
0x20: {  	[sflag:s8] =	ssyncset.s32 @!p0 $0xFFFFF086;
	s6 =	sadd.s32 @!p0 s3, s7;
	s7 =	simm.s32 @!p0 $0x108  }
0x21: {  	s3 =	sadd.s32 s3, s9;
	s6 =	sadd.s32 @!p0 $0x88, s6;
	s7 =	simm.s32 @p2 $0x1082  }
0x22: {  	[simem:s7], [sflag:s8] =	dma.local @!p0 [hbm:s6], $0xF7A  }
0x23: {  	s9 =	sor.u32 $0xD0000000, s2;
	s6 =	simm.s32 $0x108;
	_ =	swait.ge @!p0 [sflag:s8], $0x0  }
0x24: {  	s3 =	sadd.s32 $0x88, s3;
	s6 =	simm.s32 @!p1 $0x1082;
	[sflag:s4] =	ssyncset.s32 $0xFFFFF086  }
0x25: {  	[simem:s6], [sflag:s4] =	dma.local [hbm:s3], $0xF7A  }
0x26: {  	[smem:$0x3F98] =	sst s1;
	(tag) =	ssettag s2;
	_ =	strace s9  }
0x27: {  	s1 =	sld [smem:$0x3FA8]  }
0x28: {  	s2 =	sld [smem:$0x3FA9]  }
0x29: {  	s4 =	sld [smem:$0x3FAB]  }
0x2a: {  	p0 =	seq.s32 s5, $0x0;
	s5 =	sld [smem:$0x3FAC]  }
0x2b: {  	s6 =	sld [smem:$0x3FAD]  }
0x2c: {  	s7 =	sld [smem:$0x3FAE]  }
0x2d: {  	s3 =	simm.s32 $0x108;
	s8 =	sld [smem:$0x3FAF]  }
0x2e: {  	s3 =	simm.s32 @!p0 $0x1082;
	s9 =	sld [smem:$0x3FB0]  }
0x2f: {  	lr =	sadd.s32 s0, s3;
	s0 =	sld [smem:$0x3FA7]  }
0x30: {  	s3 =	sld [smem:$0x3FAA]  }
0x31: {  	[smem:$0x3FB3] =	sst s10  }
0x32: {  	s10 =	sld [smem:$0x3FB1];
	_ =	sdelay $0x3  }
0x33: {  	p0 =	seq.s32 s10, $0x1;
	s10 =	sld [smem:$0x3FB3];
	_ =	sdelay $0x3  }
0x34: {  	[smem:$0x3FB3] =	sst s10  }
0x35: {  	s10 =	sld [smem:$0x3FB2];
	_ =	sdelay $0x3  }
0x36: {  	p1 =	seq.s32 s10, $0x1;
	s10 =	sld [smem:$0x3FB3];
	_ =	sdelay $0x3  }
0x37: {  	[smem:$0x3FB3] =	sst s10  }
0x38: {  	s10 =	sld [smem:$0x3FB4]  }
0x39: {  	_ = 	snop;
	(pc) =	sbr.ind lr, $3  }
0x3a: {  	_ = 	snop  }
0x3b: {  	_ = 	snop  }
0x3c: {  	p2 =	seq.s32 s10, $0x1;
	s10 =	sld [smem:$0x3FB3]  }
0x3d: {  	_ =	shalt  }
0x3e: {  	_ =	shalt  }
0x3f: {  	_ =	shalt  }
0x40: {  	_ =	shalt  }
0x41: {  	_ =	shalt  }
0x42: {  	_ =	shalt  }
0x43: {  	_ =	shalt  }
0x44: {  	_ =	shalt  }
0x45: {  	_ =	shalt  }
0x46: {  	_ =	shalt  }
0x47: {  	_ =	shalt  }
0x48: {  	_ =	shalt  }
0x49: {  	_ =	shalt  }
0x4a: {  	_ =	shalt  }
0x4b: {  	_ =	shalt  }
0x4c: {  	_ =	shalt  }
0x4d: {  	_ =	shalt  }
0x4e: {  	_ =	shalt  }
0x4f: {  	_ =	shalt  }
0x50: {  	_ =	shalt  }
0x51: {  	_ =	shalt  }
0x52: {  	_ =	shalt  }
0x53: {  	_ =	shalt  }
0x54: {  	_ =	shalt  }
0x55: {  	_ =	shalt  }
0x56: {  	_ =	shalt  }
0x57: {  	_ =	shalt  }
0x58: {  	_ =	shalt  }
0x59: {  	_ =	shalt  }
0x5a: {  	_ =	shalt  }
0x5b: {  	_ =	shalt  }
0x5c: {  	_ =	shalt  }
0x5d: {  	_ =	shalt  }
0x5e: {  	_ =	shalt  }
0x5f: {  	_ =	shalt  }
0x60: {  	_ =	shalt  }
0x61: {  	_ =	shalt  }
0x62: {  	_ =	shalt  }
0x63: {  	_ =	shalt  }
0x64: {  	_ =	shalt  }
0x65: {  	_ =	shalt  }
0x66: {  	_ =	shalt  }
0x67: {  	_ =	shalt  }
0x68: {  	_ =	shalt  }
0x69: {  	_ =	shalt  }
0x6a: {  	_ =	shalt  }
0x6b: {  	_ =	shalt  }
0x6c: {  	_ =	shalt  }
0x6d: {  	_ =	shalt  }
0x6e: {  	_ =	shalt  }
0x6f: {  	_ =	shalt  }
0x70: {  	_ =	shalt  }
0x71: {  	_ =	shalt  }
0x72: {  	_ =	shalt  }
0x73: {  	_ =	shalt  }
0x74: {  	_ =	shalt  }
0x75: {  	_ =	shalt  }
0x76: {  	_ =	shalt  }
0x77: {  	_ =	shalt  }
0x78: {  	_ =	shalt  }
0x79: {  	_ =	shalt  }
0x7a: {  	_ =	shalt  }
0x7b: {  	_ =	shalt  }
0x7c: {  	_ =	shalt  }
0x7d: {  	_ =	shalt  }
0x7e: {  	_ =	shalt  }
0x7f: {  	_ =	shalt  }
0x80: {  	_ =	shalt  }
0x81: {  	_ =	shalt  }
0x82: {  	_ =	shalt  }
0x83: {  	_ =	shalt  }
0x84: {  	_ =	shalt  }
0x85: {  	_ =	shalt  }
0x86: {  	_ =	shalt  }
0x87: {  	_ =	shalt  }
.Lfunc_end0:
.L_simem_size_0:
called_computation_lowered:
.L_overlay_start_0:
0x88: {  	s2 =	sld [smem:$0x3FD9]  }
0x89: {  	s3 =	sld [smem:$0x3FFE];
	_ =	sdelay $0x1  }
0x8a: {  	s1 =	srdreg.scid  }
0x8b: {  	s0 =	sand.u32 $0x1, s1  }
0x8c: {  	s15 =	sshll.u32 s0, $0xA;
	s2 =	sadd.s32 s3, s2  }
0x8d: {  	s2 =	sadd.s32 s2, s15  }
0x8e: {  	[smem:$0x3FBF] =	sst s2  }
0x8f: {  	_ = 	snop  }
0x90: {  	s2 =	sld [smem:$0x3FD0];
	_ =	sdelay $0x2  }
0x91: {  	s4 =	simm.s32 $0xA;
	s5 =	simm.s32 $0x10;
	s16 =	sld [smem:$0x3FC8]  }
0x92: {  	[smem:s5], [sflag:s4] =	dma.local [hbm:s2], $0x1  }
0x93: {  	_ =	swait.eq [sflag:s4], $0x1  }
0x94: {  	[sflag:s4] =	ssyncset.done $0x0  }
0x95: {  	s17 =	sld [smem:$0x10];
	[sflag:s4] =	ssyncadd.s32 $0xFFFFFFFF  }
0x96: {  	s18 =	sld [smem:$0x14];
	(tm) =	ssettm $0x1  }
0x97: {  	s19 =	sld [smem:$0x3FFB];
	_ =	sdelay $0x3  }
0x98: {  	_ =	strace s19  }
0x99: {  	s5 =	sld [smem:$0x3FFC];
	_ =	sdelay $0x3  }
0x9a: {  	_ =	strace s5  }
0x9b: {  	s5 =	sld [smem:$0x3FFD];
	_ =	sdelay $0x3  }
0x9c: {  	_ =	strace s5  }
0x9d: {  	_ =	strace $0x8FFFFFFF  }
0x9e: {  	s20 =	sld [smem:$0x3FDB];
	_ =	sdelay $0x1  }
0x9f: {  	s6 =	simm.s32 $_scs_section_size  }
0xa0: {  	s7 =	simm.s32 $_size__tile_overlayer_lowered;
	s8 =	simm.s32 $_tile_overlayer_lowered  }
0xa1: {  	s23 =	simm.s32 $0x1BFF;
	s22 =	sshll.u32 s8, $0x1;
	s5 =	sadd.s32 s6, s20  }
0xa2: {  	s9 =	simm.s32 $0x0;
	s21 =	sshll.u32 s7, $0x1;
	s7 =	sadd.s32 s22, s5  }
0xa3: {  	[timem:s9], [sflag:s23] =	dma.local [hbm:s7], s21  }
0xa4: {  	_ =	swait.ge [sflag:s23], s21  }
0xa5: {  	s6 =	ssub.s32 $0x0, s21;
	[sflag:s23] =	ssyncset.done $0x0  }
0xa6: {  	[sflag:s23] =	ssyncadd.s32 s6;
	_ =	sdelay $0x1  }
0xa7: {  	s24 =	simm.s32 $0x1B8B  }
0xa8: {  	_ =	swait.ge [sflag:s24], $0x1  }
0xa9: {  	[sflag:s24] =	ssyncset.done $0x0  }
0xaa: {  	s25 =	simm.s32 $0x1B8E;
	[sflag:s24] =	ssyncadd.s32 $0xFFFFFFFF  }
0xab: {  	s26 =	simm.s32 $execute0_lowered;
	[smem:$0x3FD2] =	sst s25  }
0xac: {  	s6 =	sshll.u32 s26, $0x1;
	_ =	strace $0x80000046;
	[dreg:$0x1] =	wrdreg $0xFFFFFFFF  }
0xad: {  	s28 =	simm.s32 $_size_execute0_lowered;
	s5 =	sadd.s32 s5, s6;
	[dreg:$0x0] =	wrdreg $0x0  }
0xae: {  	s6 =	sshll.u32 s28, $0x1;
	[dreg:$0x2] =	wrdreg s5  }
0xaf: {  	[dreg:$0x3] =	wrdreg s6  }
0xb0: {  	[dreg:$0x4] =	wrdreg $0xC0  }
0xb1: {  	_ =	task [dreg:s9], $0x5FFFF  }
0xb2: {  	[dreg:$0x1] =	wrdreg $0xFFFFFFFF  }
0xb3: {  	[dreg:$0x0] =	wrdreg $0x60  }
0xb4: {  	[dreg:$0x2] =	wrdreg s16  }
0xb5: {  	[dreg:$0x3] =	wrdreg s17  }
0xb6: {  	[dreg:$0x4] =	wrdreg s18  }
0xb7: {  	[dreg:$0x5] =	wrdreg $0x9  }
0xb8: {  	_ =	task.clear_ibuf [dreg:s9], $0x6FFFF;
	_ =	strace $0x90000046  }
0xb9: {  	s29 =	simm.s32 $0x9;
	_ =	strace $0x80000048  }
0xba: {  	_ =	swait.ge [sflag:s29], $0x1  }
0xbb: {  	[sflag:s29] =	ssyncadd.s32 $0xFFFFFFFF  }
0xbc: {  	_ =	strace $0x90000048  }
0xbd: {  	_ =	sfence  }
0xbe: {  	s30 =	sld [smem:$0x0];
	_ =	sdelay $0x2  }
0xbf: {  	s31 =	sshll.u32 s1, $0xD;
	s1 =	sshrl.u32 s1, $0x2  }
0xc0: {  	s3 =	sand.u32 $0x4000, s31;
	s1 =	sadd.s32 s1, s30  }
0xc1: {  	s0 =	sor.u32 s3, s0;
	s1 =	sshll.u32 s1, $0x11  }
0xc2: {  	s0 =	sor.u32 s1, s0  }
0xc3: {  	s0 =	sadd.s32 $0x8F2B, s0  }
0xc4: {  	[sflag:s0] =	ssyncadd.remote.s32 $0x1  }
0xc5: {  	_ =	sfence.sel $0xFFFF  }
0xc6: {  	[dreg:$0x0] =	wrdreg $0xFFFFFFFF;
	(pc) =	sbr.abs _section_cstart, $3  }
0xc7: {  	[dreg:$0x1] =	wrdreg $0xFFFFFFFF  }
0xc8: {  	_ =	task.clear_ibuf [dreg:s9], $0x2FFFF;
	_ =	strace $0x9FFFFFFF  }
0xc9: {  	(tm) =	ssettm $0x7FFFFFFF  }
tec
execute0_lowered:
.L_overlay_start_1:
0x0: {  	(tag) =	ssettag $0x1  }
0x1: {  	v0 =	vimm.s32 $0x39000;
	v1 =	vimm.s32 $0xA9876540;
	v2 =	vimm.s32 $0xE0D0C0B  }
0x2: {  	vm2 =	vcmask $0xF00;
	v4 =	vimm.s32 $0xF0E0D0C;
	v5 =	vimm.s32 $0xBA987654  }
0x3: {  	vm0 =	vcmask $0x3F24;
	v6 =	vimm.s32 $0xCBA98765;
	v7 =	vimm.s32 $0xF0F0E0D  }
0x4: {  	v8 =	vimm.s32 $0x43210000;
	vm1 =	vmmov $0xf;
	v15 =	vimm.s32 $0x87654321  }
0x5: {  	v17 =	vimm.s32 $0xA9876543;
	vm3 =	vmmov $0x1;
	vm4 =	vcmask $0x1F00  }
0x6: {  	vm5 =	vcmask $0x2F20;
	vm6 =	vcmask $0x3700;
	vm7 =	vcmask $0x3B00  }
0x7: {  	v0 =	vunpack.c.l.s2.s4 v0;
	v1 =	vunpack.c.l.s4.s8 v1;
	v10 =	vunpack.c.0.s8.s32 v2  }
0x8: {  	v11 =	vunpack.c.0.s8.s32 v4;
	v4 =	vimm.s32 $0x32100000;
	v5 =	vunpack.c.l.s4.s8 v5  }
0x9: {  	v6 =	vunpack.c.l.s4.s8 v6;
	v13 =	vunpack.c.0.s8.s32 v7;
	v7 =	vunpack.c.l.s4.s8 v8  }
0xa: {  	v8 =	vimm.s32 $0x65432100;
	v15 =	vunpack.c.l.s4.s8 v15;
	v4 =	vunpack.c.l.s4.s8 v4  }
0xb: {  	v8 =	vunpack.c.l.s4.s8 v8;
	v0 =	vunpack.c.l.s4.s8 v0;
	v2 =	vunpack.c.0.s8.s32 v1  }
0xc: {  	v1 =	vnsel vm2, $0xF, v10;
	v5 =	vunpack.c.0.s8.s32 v5;
	v6 =	vunpack.c.0.s8.s32 v6  }
0xd: {  	v7 =	vunpack.c.0.s8.s32 v7;
	v15 =	vunpack.c.0.s8.s32 v15;
	v4 =	vunpack.c.0.s8.s32 v4  }
0xe: {  	v8 =	vunpack.c.0.s8.s32 v8;
	v3 =	vunpack.c.0.s8.s32 v0;
	v0 =	vimm.f32 $0.0e+00  }
0xf: {  	v2 =	vand.u32 $0xF, v2;
	v14 =	vand.u32 $0xF, v6;
	v6 =	vimm.s32 $0xEDCBA987  }
0x10: {  	v12 =	vand.u32 $0xF, v5;
	v9 =	vunpack.c.l.s4.s8 v6;
	v6 =	vimm.s32 $0xFFEDCBA9  }
0x11: {  	s4 =	rddreg [dreg:$0x0];
	v5 =	vnsel vm2, $0xF, v13;
	v4 =	vcombine.low v4, v12;
	v16 =	vunpack.c.l.s4.s8 v6  }
0x12: {  	s5 =	rddreg [dreg:$0x1];
	v6 =	vcombine.low v7, v14;
	v7 =	vunpack.c.0.s8.s32 v9;
	v9 =	vunpack.c.l.s4.s8 v17  }
0x13: {  	s6 =	rddreg [dreg:$0x2];
	v12 =	vnsel vm4, $0xF, v12;
	v3 =	vand.u32 $0x3, v3;
	v16 =	vunpack.c.0.s8.s32 v16  }
0x14: {  	s0 =	rddreg [dreg:$0x3];
	s1 =	stileid.u32;
	v2 =	vsel vm0, v2, v3;
	vm0 =	vmmov $0x1f;
	v9 =	vunpack.c.0.s8.s32 v9  }
0x15: {  	s3 =	srdreg.scid;
	s2 =	simm.s32 $0x0;
	s26 =	smul.u32 $0x13C00, s1;
	v3 =	vnsel vm2, $0xF, v11;
	vm2 =	vmmov $0x7;
	v15 =	vcombine.low v15, v16  }
0x16: {  	s13 =	simm.s32 $0x0;
	s7 =	sand.u32 $0x1, s3;
	s11 =	smul.u32 $0x13400, s1;
	v11 =	vsel vm5, v11, v12;
	v12 =	vnsel vm4, $0xF, v14;
	v16 =	vand.u32 $0xF, v9  }
0x17: {  	[smem:$0x7FF] =	sst s2;
	s12 =	smul.u32 $0x2680, s1;
	s8 =	ssub.s32 $0x2, s7;
	v9 =	vand.u32 $0xF, v15;
	v15 =	vnsel vm4, $0xF, v16;
	v16 =	vimm.s32 $0x39000000  }
0x18: {  	s9 =	smul.u32 $0x9800, s7;
	_ =	strace $0x80000047;
	s3 =	sshll.u32 s7, $0x7;
	v10 =	vsel vm5, v10, v15;
	v15 =	vimm.s32 $0xE4000000;
	v16 =	vunpack.c.l.s2.s4 v16  }
0x19: {  	s29 =	smul.u32 $0x1380, s7;
	p0 =	seq.s32 s7, $0x1;
	s10 =	sshrl.u32 s8, $0x1;
	v17 =	vimm.s32 $0x2;
	v12 =	vsel vm5, v13, v12;
	v15 =	vunpack.c.l.s2.s4 v15  }
0x1a: {  	s28 =	sor.u32 $0x50, s3;
	s30 =	sor.u32 $0x60, s3;
	s11 =	sshrl.u32 s11, $0x3;
	v13 =	vimm.s32 $0x0;
	v7 =	vand.u32 $0xF, v7;
	v14 =	vunpack.c.l.s4.s8 v16  }
0x1b: {  	s8 =	ssub.s32 s8, s10;
	s9 =	sadd.s32 s9, s26;
	[dreg:$0x4] =	wrdreg s28;
	v7 =	vcombine.low v8, v7;
	v8 =	vimm.s32 $0xF;
	v15 =	vunpack.c.l.s4.s8 v15  }
0x1c: {  	s5 =	sadd.s32 s5, s29;
	[dreg:$0x5] =	wrdreg s30;
	s31 =	sadd.s32 s6, s11;
	vm4 =	vmmov $0x7fff;
	v16 =	vsel vm6, $0x0, v17;
	v17 =	vunpack.c.0.s8.s32 v14  }
0x1d: {  	s6 =	sadd.s32 s6, s12;
	s10 =	simm.s32 $0xA800;
	s11 =	simm.s32 $0x2;
	vm5 =	vcmask $0x3B38;
	vm6 =	vmmov $0xfff;
	v15 =	vunpack.c.0.s8.s32 v15  }
0x1e: {  	s12 =	simm.s32 $0x1;
	s9 =	sshrl.u32 s9, $0x3;
	s7 =	sadd.s32 $0x1380, s31;
	v14 =	vsel vm5, $0x1, v16;
	vm5 =	vmmov $0x1fff;
	v16 =	vand.u32 $0x3, v17  }
0x1f: {  	s8 =	smax.u32 s8, $0x1;
	s4 =	sadd.s32 s4, s9;
	s9 =	simm.s32 $0x400;
	v15 =	vand.u32 $0x3, v15;
	v16 =	vnsel vm7, $0x4, v16;
	vm7 =	vmmov $0x7ff  }
.LBB2_1:
0x20: {  	[tilespmem:s9], [sflag:$0x1] =	stream.linear.gather [hbm4b:s4+s2], $0xA000, $0x38;
	[tilespmem:$0x1E000] =	vst v63  }
0x21: {  	[tilespmem:$0x0] =	vst v0  }
0x22: {  	[tilespmem:$0xA400] =	vst v0  }
0x23: {  	[tilespmem:$0x10] =	vst v0  }
0x24: {  	[tilespmem:$0xA410] =	vst v0  }
0x25: {  	[tilespmem:$0x20] =	vst v0  }
0x26: {  	[tilespmem:$0xA420] =	vst v0  }
0x27: {  	[tilespmem:$0x30] =	vst v0  }
0x28: {  	[tilespmem:$0xA430] =	vst v0  }
0x29: {  	[tilespmem:$0x40] =	vst v0  }
0x2a: {  	[tilespmem:$0xA440] =	vst v0  }
0x2b: {  	[tilespmem:$0x50] =	vst v0  }
0x2c: {  	[tilespmem:$0xA450] =	vst v0  }
0x2d: {  	[tilespmem:$0x60] =	vst v0  }
0x2e: {  	[tilespmem:$0xA460] =	vst v0  }
0x2f: {  	[tilespmem:$0x70] =	vst v0  }
0x30: {  	[tilespmem:$0xA470] =	vst v0  }
0x31: {  	[tilespmem:$0x80] =	vst v0  }
0x32: {  	[tilespmem:$0xA480] =	vst v0  }
0x33: {  	[tilespmem:$0x90] =	vst v0  }
0x34: {  	[tilespmem:$0xA490] =	vst v0  }
0x35: {  	[tilespmem:$0xA0] =	vst v0  }
0x36: {  	[tilespmem:$0xA4A0] =	vst v0  }
0x37: {  	[tilespmem:$0xB0] =	vst v0  }
0x38: {  	[tilespmem:$0xA4B0] =	vst v0  }
0x39: {  	[tilespmem:$0xC0] =	vst v0  }
0x3a: {  	[tilespmem:$0xA4C0] =	vst v0  }
0x3b: {  	[tilespmem:$0xD0] =	vst v0  }
0x3c: {  	[tilespmem:$0xA4D0] =	vst v0  }
0x3d: {  	[tilespmem:$0xE0] =	vst v0  }
0x3e: {  	[tilespmem:$0xA4E0] =	vst v0  }
0x3f: {  	[tilespmem:$0xF0] =	vst v0  }
0x40: {  	[tilespmem:$0xA4F0] =	vst v0  }
0x41: {  	[tilespmem:$0x100] =	vst v0  }
0x42: {  	[tilespmem:$0xA500] =	vst v0  }
0x43: {  	[tilespmem:$0x110] =	vst v0  }
0x44: {  	[tilespmem:$0xA510] =	vst v0  }
0x45: {  	[tilespmem:$0x120] =	vst v0  }
0x46: {  	[tilespmem:$0xA520] =	vst v0  }
0x47: {  	[tilespmem:$0x130] =	vst v0  }
0x48: {  	[tilespmem:$0xA530] =	vst v0  }
0x49: {  	[tilespmem:$0x140] =	vst v0  }
0x4a: {  	[tilespmem:$0xA540] =	vst v0  }
0x4b: {  	[tilespmem:$0x150] =	vst v0  }
0x4c: {  	[tilespmem:$0xA550] =	vst v0  }
0x4d: {  	[tilespmem:$0x160] =	vst v0  }
0x4e: {  	[tilespmem:$0xA560] =	vst v0  }
0x4f: {  	[tilespmem:$0x170] =	vst v0  }
0x50: {  	[tilespmem:$0xA570] =	vst v0  }
0x51: {  	[tilespmem:$0x180] =	vst v0  }
0x52: {  	[tilespmem:$0xA580] =	vst v0  }
0x53: {  	[tilespmem:$0x190] =	vst v0  }
0x54: {  	[tilespmem:$0xA590] =	vst v0  }
0x55: {  	[tilespmem:$0x1A0] =	vst v0  }
0x56: {  	[tilespmem:$0xA5A0] =	vst v0  }
0x57: {  	[tilespmem:$0x1B0] =	vst v0  }
0x58: {  	[tilespmem:$0xA5B0] =	vst v0  }
0x59: {  	[tilespmem:$0x1C0] =	vst v0  }
0x5a: {  	[tilespmem:$0xA5C0] =	vst v0  }
0x5b: {  	[tilespmem:$0x1D0] =	vst v0  }
0x5c: {  	[tilespmem:$0xA5D0] =	vst v0  }
0x5d: {  	[tilespmem:$0x1E0] =	vst v0  }
0x5e: {  	[tilespmem:$0xA5E0] =	vst v0  }
0x5f: {  	[tilespmem:$0x1F0] =	vst v0  }
0x60: {  	[tilespmem:$0xA5F0] =	vst v0  }
0x61: {  	[tilespmem:$0x200] =	vst v0  }
0x62: {  	[tilespmem:$0xA600] =	vst v0  }
0x63: {  	[tilespmem:$0x210] =	vst v0  }
0x64: {  	[tilespmem:$0xA610] =	vst v0  }
0x65: {  	[tilespmem:$0x220] =	vst v0  }
0x66: {  	[tilespmem:$0xA620] =	vst v0  }
0x67: {  	[tilespmem:$0x230] =	vst v0  }
0x68: {  	[tilespmem:$0xA630] =	vst v0  }
0x69: {  	[tilespmem:$0x240] =	vst v0  }
0x6a: {  	[tilespmem:$0xA640] =	vst v0  }
0x6b: {  	[tilespmem:$0x250] =	vst v0  }
0x6c: {  	[tilespmem:$0xA650] =	vst v0  }
0x6d: {  	[tilespmem:$0x260] =	vst v0  }
0x6e: {  	[tilespmem:$0xA660] =	vst v0  }
0x6f: {  	[tilespmem:$0x270] =	vst v0  }
0x70: {  	[tilespmem:$0xA670] =	vst v0  }
0x71: {  	[tilespmem:$0x280] =	vst v0  }
0x72: {  	[tilespmem:$0xA680] =	vst v0  }
0x73: {  	[tilespmem:$0x290] =	vst v0  }
0x74: {  	[tilespmem:$0xA690] =	vst v0  }
0x75: {  	[tilespmem:$0x2A0] =	vst v0  }
0x76: {  	[tilespmem:$0xA6A0] =	vst v0  }
0x77: {  	[tilespmem:$0x2B0] =	vst v0  }
0x78: {  	[tilespmem:$0xA6B0] =	vst v0  }
0x79: {  	[tilespmem:$0x2C0] =	vst v0  }
0x7a: {  	[tilespmem:$0xA6C0] =	vst v0  }
0x7b: {  	[tilespmem:$0x2D0] =	vst v0  }
0x7c: {  	[tilespmem:$0xA6D0] =	vst v0  }
0x7d: {  	[tilespmem:$0x2E0] =	vst v0  }
0x7e: {  	[tilespmem:$0xA6E0] =	vst v0  }
0x7f: {  	[tilespmem:$0x2F0] =	vst v0  }
0x80: {  	[tilespmem:$0xA6F0] =	vst v0  }
0x81: {  	[tilespmem:$0x300] =	vst v0  }
0x82: {  	[tilespmem:$0xA700] =	vst v0  }
0x83: {  	[tilespmem:$0x310] =	vst v0  }
0x84: {  	[tilespmem:$0xA710] =	vst v0  }
0x85: {  	[tilespmem:$0x320] =	vst v0  }
0x86: {  	[tilespmem:$0xA720] =	vst v0  }
0x87: {  	[tilespmem:$0x330] =	vst v0  }
0x88: {  	[tilespmem:$0xA730] =	vst v0  }
0x89: {  	[tilespmem:$0x340] =	vst v0  }
0x8a: {  	[tilespmem:$0xA740] =	vst v0  }
0x8b: {  	[tilespmem:$0x350] =	vst v0  }
0x8c: {  	[tilespmem:$0xA750] =	vst v0  }
0x8d: {  	[tilespmem:$0x360] =	vst v0  }
0x8e: {  	[tilespmem:$0xA760] =	vst v0  }
0x8f: {  	[tilespmem:$0x370] =	vst v0  }
0x90: {  	[tilespmem:$0xA770] =	vst v0  }
0x91: {  	[tilespmem:$0x380] =	vst v0  }
0x92: {  	[tilespmem:$0xA780] =	vst v0  }
0x93: {  	[tilespmem:$0x390] =	vst v0  }
0x94: {  	[tilespmem:$0xA790] =	vst v0  }
0x95: {  	[tilespmem:$0x3A0] =	vst v0  }
0x96: {  	[tilespmem:$0xA7A0] =	vst v0  }
0x97: {  	[tilespmem:$0x3B0] =	vst v0  }
0x98: {  	[tilespmem:$0xA7B0] =	vst v0  }
0x99: {  	[tilespmem:$0x3C0] =	vst v0  }
0x9a: {  	[tilespmem:$0xA7C0] =	vst v0  }
0x9b: {  	[tilespmem:$0x3D0] =	vst v0  }
0x9c: {  	[tilespmem:$0xA7D0] =	vst v0  }
0x9d: {  	[tilespmem:$0x3E0] =	vst v0  }
0x9e: {  	[tilespmem:$0xA7E0] =	vst v0  }
0x9f: {  	[tilespmem:$0x3F0] =	vst v0  }
0xa0: {  	[tilespmem:$0xA7F0] =	vst v0  }
0xa1: {  	[tilespmem:s10], [sflag:$0x2] =	stream.linear.gather [hbm4b:s5+s2], $0x9C00, $0x38;
	[tilespmem:$0x1E000] =	vst v63  }
0xa2: {  	_ =	swait.ge [sflag:s11], $0x9C00  }
0xa3: {  	[sflag:s11] =	ssyncset.done $0x0  }
0xa4: {  	[sflag:s11] =	ssyncadd.s32 $0xFFFF6400  }
0xa5: {  	_ =	swait.ge [sflag:s12], $0xA000  }
0xa6: {  	[sflag:s12] =	ssyncset.done $0x0  }
0xa7: {  	s14 =	simm.s32 $0x0;
	[sflag:s12] =	ssyncadd.s32 $0xFFFF6000  }
.LBB2_2:
0xa8: {  	s17 =	sshll.u32 s14, $0x4  }
0xa9: {  	s15 =	sadd.s32 s3, s17  }
0xaa: {  	s16 =	sshll.u32 s15, $0x3  }
0xab: {  	s19 =	sand.u32 $0x3FFFFFF8, s16  }
0xac: {  	v17 =	vld [tilespmem:s19+$0x10]  }
0xad: {  	v18 =	vld [tilespmem:s19+$0x20];
	_ =	sdelay $0x1  }
0xae: {  	s15 =	sshll.u32 s14, $0x7  }
0xaf: {  	v19 =	vld [tilespmem:s15+$0xA800];
	_ =	sdelay $0x1  }
0xb0: {  	v17 =	vperm.xlane v17, v1;
	v18 =	vperm.xlane v18, v2;
	_ =	sdelay $0x1  }
0xb1: {  	v17 =	vsel vm0, v17, v18  }
0xb2: {  	v17 =	vmul.f32 v19, v17;
	_ =	sdelay $0x1  }
0xb3: {  	[tilespmem:s15+$0x14400] =	vst v17  }
0xb4: {  	v17 =	vld [tilespmem:s19+$0x90]  }
0xb5: {  	v18 =	vld [tilespmem:s19+$0xA0];
	_ =	sdelay $0x2  }
0xb6: {  	v19 =	vld [tilespmem:s15+$0xA880];
	_ =	sdelay $0x1  }
0xb7: {  	v17 =	vperm.xlane v17, v3;
	v18 =	vperm.xlane v18, v4;
	_ =	sdelay $0x1  }
0xb8: {  	v17 =	vsel vm1, v17, v18  }
0xb9: {  	v17 =	vmul.f32 v19, v17;
	_ =	sdelay $0x1  }
0xba: {  	[tilespmem:s15+$0x14480] =	vst v17  }
0xbb: {  	s23 =	sadd.s32 $0x80, s16;
	v17 =	vld [tilespmem:s19+$0x110]  }
0xbc: {  	s20 =	sadd.s32 $0x100, s16;
	s22 =	sand.u32 $0x1FC00, s23;
	v18 =	vld [tilespmem:s19+$0x120]  }
0xbd: {  	s18 =	sand.u32 $0x7FFFFC00, s20;
	v20 =	vld [tilespmem:s22+$0x30]  }
0xbe: {  	v19 =	vld [tilespmem:s18+$0x20]  }
0xbf: {  	v21 =	vld [tilespmem:s15+$0xA900];
	_ =	sdelay $0x1  }
0xc0: {  	v22 =	vld [tilespmem:s15+$0xA810];
	v17 =	vperm.xlane v17, v5;
	v18 =	vperm.xlane v18, v6;
	_ =	sdelay $0x1  }
0xc1: {  	v17 =	vsel vm2, v17, v18;
	v18 =	vperm.xlane v19, v1;
	v19 =	vperm.xlane v20, v2  }
0xc2: {  	v17 =	vmul.f32 v21, v17  }
0xc3: {  	v18 =	vsel vm0, v18, v19  }
0xc4: {  	[tilespmem:s15+$0x14500] =	vst v17;
	v17 =	vmul.f32 v22, v18;
	_ =	sdelay $0x1  }
0xc5: {  	[tilespmem:s15+$0x14410] =	vst v17  }
0xc6: {  	v17 =	vld [tilespmem:s18+$0xA0]  }
0xc7: {  	v51 =	vld [tilespmem:s22+$0xB0]  }
0xc8: {  	v18 =	vld [tilespmem:s19+$0x1F0]  }
0xc9: {  	v19 =	vld [tilespmem:s19+$0x580]  }
0xca: {  	v53 =	vld [tilespmem:s15+$0xA890];
	_ =	sdelay $0x1  }
0xcb: {  	v52 =	vld [tilespmem:s15+$0xA980];
	v17 =	vperm.xlane v17, v3;
	v20 =	vperm.xlane v51, v4;
	_ =	sdelay $0x1  }
0xcc: {  	v55 =	vld [tilespmem:s15+$0xA910];
	v18 =	vperm.xlane v18, v8;
	v19 =	vperm.xlane v19, v7;
	v17 =	vsel vm1, v17, v20  }
0xcd: {  	v24 =	vld [tilespmem:s15+$0xAA00];
	v17 =	vmul.f32 v53, v17  }
0xce: {  	v60 =	vld [tilespmem:s15+$0xA990];
	v18 =	vsel vm3, v18, v19  }
0xcf: {  	v28 =	vld [tilespmem:s15+$0xA820];
	v18 =	vmul.f32 v52, v18;
	[tilespmem:s15+$0x14490] =	vst v17  }
0xd0: {  	v17 =	vld [tilespmem:s18+$0x120]  }
0xd1: {  	[tilespmem:s15+$0x14580] =	vst v18;
	v19 =	vld [tilespmem:s22+$0x130]  }
0xd2: {  	v18 =	vld [tilespmem:s19+$0x600]  }
0xd3: {  	s24 =	sadd.s32 $0x280, s16;
	v54 =	vld [tilespmem:s19+$0x610]  }
0xd4: {  	v26 =	vld [tilespmem:s15+$0xAA80];
	s24 =	sand.u32 $0x7FFFFC00, s24;
	s18 =	sadd.s32 $0x200, s16  }
0xd5: {  	v23 =	vld [tilespmem:s24+$0x50];
	s21 =	sand.u32 $0x7FFFFC00, s18  }
0xd6: {  	v56 =	vld [tilespmem:s21+$0x40];
	v17 =	vperm.xlane v17, v5;
	v19 =	vperm.xlane v19, v6  }
0xd7: {  	v31 =	vld [tilespmem:s15+$0xAA10]  }
0xd8: {  	v37 =	vld [tilespmem:s15+$0xA8A0];
	v18 =	vperm.xlane v18, v9;
	v20 =	vperm.xlane v54, v13;
	v17 =	vsel vm2, v17, v19  }
0xd9: {  	v19 =	vld [tilespmem:s15+$0xA830];
	v17 =	vmul.f32 v55, v17  }
0xda: {  	v40 =	vld [tilespmem:s15+$0xAA90];
	v58 =	vperm.xlane v23, v2;
	v18 =	vsel vm4, v18, v20  }
0xdb: {  	v45 =	vld [tilespmem:s15+$0xA9B0];
	s23 =	sand.u32 $0x3FFFFFF8, s23;
	v18 =	vmul.f32 v24, v18;
	v57 =	vperm.xlane v56, v1;
	[tilespmem:s15+$0x14510] =	vst v17  }
0xdc: {  	v17 =	vld [tilespmem:s23+$0x500]  }
0xdd: {  	[tilespmem:s15+$0x14600] =	vst v18;
	v20 =	vsel vm0, v57, v58;
	v18 =	vld [tilespmem:s22+$0x590]  }
0xde: {  	v49 =	vld [tilespmem:s15+$0xAB10];
	v19 =	vmul.f32 v19, v20  }
0xdf: {  	v63 =	vld [tilespmem:s21+$0x40];
	s23 =	sand.u32 $0x1FC00, s20  }
0xe0: {  	v62 =	vld [tilespmem:s23+$0x30];
	[tilespmem:s15+$0x14430] =	vst v19  }
0xe1: {  	v19 =	vld [tilespmem:s21+$0xC0]  }
0xe2: {  	v61 =	vld [tilespmem:s24+$0xD0];
	v17 =	vperm.xlane v17, v8;
	v18 =	vperm.xlane v18, v7  }
0xe3: {  	v59 =	vld [tilespmem:s19+$0x6E0]  }
0xe4: {  	v25 =	vld [tilespmem:s19+$0x6F0];
	v17 =	vsel vm3, v17, v18  }
0xe5: {  	v18 =	vld [tilespmem:s15+$0xA8B0];
	v17 =	vmul.f32 v60, v17  }
0xe6: {  	v52 =	vld [tilespmem:s15+$0xAA30];
	v24 =	vperm.xlane v63, v2;
	v23 =	vperm.xlane v62, v1  }
0xe7: {  	s25 =	sadd.s32 $0x500, s16;
	v53 =	vld [tilespmem:s15+$0xA9A0];
	v19 =	vperm.xlane v19, v3;
	v22 =	vperm.xlane v61, v4;
	[tilespmem:s15+$0x14590] =	vst v17  }
0xe8: {  	s25 =	sand.u32 $0x7FFFFC00, s25;
	v23 =	vsel vm0, v23, v24;
	v17 =	vld [tilespmem:s22+$0x610]  }
0xe9: {  	v30 =	vperm.xlane v25, v14;
	v21 =	vmul.f32 v28, v23;
	v19 =	vsel vm1, v19, v22;
	v29 =	vld [tilespmem:s25+$0x220]  }
0xea: {  	v56 =	vld [tilespmem:s15+$0xA840];
	v18 =	vmul.f32 v18, v19;
	v19 =	vperm.xlane v59, v10  }
0xeb: {  	v62 =	vld [tilespmem:s15+$0xA850];
	[tilespmem:s15+$0x14420] =	vst v21  }
0xec: {  	v34 =	vld [tilespmem:s23+$0xB0];
	[tilespmem:s15+$0x144B0] =	vst v18;
	v18 =	vsel vm5, v19, v30  }
0xed: {  	v35 =	vld [tilespmem:s21+$0xC0];
	v18 =	vmul.f32 v26, v18  }
0xee: {  	v19 =	vld [tilespmem:s21+$0x140];
	v17 =	vperm.xlane v17, v9;
	v33 =	vperm.xlane v29, v13  }
0xef: {  	v32 =	vld [tilespmem:s24+$0x150]  }
0xf0: {  	[tilespmem:s15+$0x14680] =	vst v18;
	v18 =	vld [tilespmem:s15+$0xA930];
	v17 =	vsel vm4, v17, v33  }
0xf1: {  	v22 =	vperm.xlane v34, v3;
	v34 =	vld [tilespmem:s15+$0xAAB0];
	v17 =	vmul.f32 v31, v17  }
0xf2: {  	s28 =	sadd.s32 $0x780, s16;
	v36 =	vld [tilespmem:s19+$0x760]  }
0xf3: {  	s22 =	sand.u32 $0x7FFFFC00, s28;
	v23 =	vperm.xlane v35, v4;
	v38 =	vld [tilespmem:s19+$0x770];
	[tilespmem:s15+$0x14610] =	vst v17  }
0xf4: {  	v19 =	vperm.xlane v19, v5;
	v20 =	vperm.xlane v32, v6;
	v17 =	vld [tilespmem:s22+$0x2F0]  }
0xf5: {  	v22 =	vsel vm1, v22, v23;
	v39 =	vld [tilespmem:s16+$0xA80]  }
0xf6: {  	v31 =	vld [tilespmem:s15+$0xAB30];
	v22 =	vmul.f32 v37, v22;
	v19 =	vsel vm2, v19, v20  }
0xf7: {  	v18 =	vmul.f32 v18, v19;
	v19 =	vld [tilespmem:s15+$0xAB00]  }
0xf8: {  	v32 =	vld [tilespmem:s15+$0xA940];
	[tilespmem:s15+$0x144A0] =	vst v22  }
0xf9: {  	v21 =	vperm.xlane v36, v11;
	v41 =	vperm.xlane v38, v15;
	v43 =	vld [tilespmem:s23+$0x130]  }
0xfa: {  	s29 =	sadd.s32 $0x180, s16;
	v44 =	vld [tilespmem:s21+$0x140];
	[tilespmem:s15+$0x14530] =	vst v18;
	v17 =	vperm.xlane v17, v10;
	v20 =	vperm.xlane v39, v14  }
0xfb: {  	s30 =	sand.u32 $0x1FC00, s29;
	v21 =	vsel vm6, v21, v41;
	v18 =	vld [tilespmem:s25+$0x1A0]  }
0xfc: {  	s21 =	sand.u32 $0x1FC00, s18;
	v42 =	vld [tilespmem:s30+$0x5B0];
	v19 =	vmul.f32 v19, v21;
	v17 =	vsel vm5, v17, v20  }
0xfd: {  	v27 =	vld [tilespmem:s21+$0x50];
	v46 =	vmul.f32 v40, v17  }
0xfe: {  	v55 =	vld [tilespmem:s21+$0x60];
	[tilespmem:s15+$0x14700] =	vst v19  }
0xff: {  	v19 =	vld [tilespmem:s15+$0xA920];
	[tilespmem:s15+$0x14690] =	vst v46  }
0x100: {  	v21 =	vld [tilespmem:s22+$0x370]  }
0x101: {  	v18 =	vperm.xlane v18, v8;
	v22 =	vperm.xlane v42, v7;
	v48 =	vld [tilespmem:s16+$0xB00]  }
0x102: {  	v39 =	vld [tilespmem:s15+$0xAA20];
	v47 =	vperm.xlane v43, v5;
	v24 =	vperm.xlane v44, v6  }
0x103: {  	v43 =	vld [tilespmem:s15+$0xA8D0];
	v18 =	vsel vm3, v18, v22  }
0x104: {  	v44 =	vld [tilespmem:s16+$0x400];
	v23 =	vsel vm2, v47, v24;
	v20 =	vmul.f32 v45, v18  }
0x105: {  	v17 =	vld [tilespmem:s19+$0x7E0];
	v19 =	vmul.f32 v19, v23  }
0x106: {  	s31 =	sand.u32 $0x3FFFFFF8, s29;
	v18 =	vld [tilespmem:s19+$0x7F0];
	[tilespmem:s15+$0x145B0] =	vst v20;
	v21 =	vperm.xlane v21, v11;
	v22 =	vperm.xlane v48, v15  }
0x107: {  	[tilespmem:s15+$0x14520] =	vst v19;
	v19 =	vld [tilespmem:s31+$0x4C0]  }
0x108: {  	s20 =	sand.u32 $0x3FFFFFF8, s20;
	v20 =	vld [tilespmem:s30+$0x630];
	v21 =	vsel vm6, v21, v22  }
0x109: {  	v50 =	vld [tilespmem:s20+$0x490];
	s20 =	rddreg [dreg:$0x4];
	v21 =	vmul.f32 v49, v21  }
0x10a: {  	v51 =	vld [tilespmem:s23+$0x5A0];
	s19 =	sadd.s32 s17, s20  }
0x10b: {  	v40 =	vld [tilespmem:s15+$0xA8C0];
	s19 =	sshll.u32 s19, $0x3;
	[tilespmem:s15+$0x14710] =	vst v21  }
0x10c: {  	v54 =	vperm.xlane v19, v13;
	v19 =	vld [tilespmem:s22+$0x3F0];
	s22 =	sadd.s32 $0x80, s19  }
0x10d: {  	v45 =	vld [tilespmem:s15+$0xA870];
	s31 =	rddreg [dreg:$0x5];
	v20 =	vperm.xlane v20, v9;
	s26 =	sand.u32 $0x7FFFFC00, s22  }
0x10e: {  	s29 =	sadd.s32 $0x480, s16;
	v60 =	vperm.xlane v27, v1;
	s17 =	sadd.s32 s17, s31;
	s22 =	sand.u32 $0x1FC00, s19;
	v57 =	vld [tilespmem:s26+$0x60]  }
0x10f: {  	s28 =	sadd.s32 $0x900, s16;
	s30 =	sand.u32 $0x7FFFFC00, s29;
	s17 =	sshll.u32 s17, $0x3;
	v23 =	vperm.xlane v50, v8;
	v25 =	vperm.xlane v51, v7;
	v20 =	vsel vm4, v20, v54;
	v58 =	vld [tilespmem:s22+$0x70]  }
0x110: {  	v30 =	vld [tilespmem:s30+$0x10];
	s20 =	sand.u32 $0x7FFFFC00, s28;
	s28 =	sand.u32 $0x1FC00, s17;
	v21 =	vperm.xlane v55, v2;
	v20 =	vmul.f32 v52, v20  }
0x111: {  	s24 =	sadd.s32 $0x880, s16;
	v33 =	vld [tilespmem:s28+$0x70];
	v23 =	vsel vm3, v23, v25  }
0x112: {  	s25 =	sand.u32 $0x7FFFFC00, s24;
	v51 =	vld [tilespmem:s17+$0x100];
	v21 =	vsel vm0, v60, v21;
	v23 =	vmul.f32 v53, v23;
	[tilespmem:s15+$0x14630] =	vst v20  }
0x113: {  	v21 =	vmul.f32 v56, v21;
	v59 =	vld [tilespmem:s25+$0x290]  }
0x114: {  	v61 =	vld [tilespmem:s20+$0x2A0];
	[tilespmem:s15+$0x145A0] =	vst v23;
	v25 =	vperm.xlane v57, v1;
	v20 =	vperm.xlane v58, v2  }
0x115: {  	[tilespmem:s15+$0x14440] =	vst v21;
	v63 =	vld [tilespmem:s23+$0x620]  }
0x116: {  	v37 =	vld [tilespmem:s21+$0xD0];
	v20 =	vsel vm0, v25, v20  }
0x117: {  	v38 =	vld [tilespmem:s21+$0xE0];
	v20 =	vmul.f32 v62, v20  }
0x118: {  	v28 =	vld [tilespmem:s23+$0x630]  }
0x119: {  	v54 =	vld [tilespmem:s15+$0xA860];
	[tilespmem:s15+$0x14450] =	vst v20  }
0x11a: {  	v35 =	vperm.xlane v59, v10;
	v36 =	vperm.xlane v61, v14;
	v20 =	vld [tilespmem:s26+$0xE0]  }
0x11b: {  	v27 =	vperm.xlane v37, v3;
	v41 =	vld [tilespmem:s22+$0xF0]  }
0x11c: {  	v60 =	vld [tilespmem:s15+$0xA950];
	v25 =	vperm.xlane v38, v4;
	v26 =	vperm.xlane v63, v9;
	v21 =	vsel vm5, v35, v36  }
0x11d: {  	v50 =	vperm.xlane v28, v13;
	v62 =	vld [tilespmem:s15+$0xA8F0];
	v21 =	vmul.f32 v34, v21  }
0x11e: {  	v59 =	vperm.xlane v33, v1;
	v25 =	vsel vm1, v27, v25;
	v34 =	vld [tilespmem:s15+$0xAAA0]  }
0x11f: {  	v28 =	vperm.xlane v51, v2;
	v22 =	vmul.f32 v40, v25;
	v25 =	vsel vm4, v26, v50;
	v50 =	vld [tilespmem:s15+$0xA9C0];
	[tilespmem:s15+$0x146B0] =	vst v21  }
0x120: {  	v42 =	vld [tilespmem:s25+$0x310];
	v20 =	vperm.xlane v20, v3;
	v21 =	vperm.xlane v41, v4  }
0x121: {  	v28 =	vsel vm0, v59, v28;
	v23 =	vmul.f32 v39, v25;
	v29 =	vld [tilespmem:s20+$0x320];
	[tilespmem:s15+$0x144C0] =	vst v22  }
0x122: {  	v47 =	vperm.xlane v44, v1;
	v26 =	vmul.f32 v54, v28;
	v22 =	vld [tilespmem:s21+$0x150];
	v20 =	vsel vm1, v20, v21  }
0x123: {  	v48 =	vperm.xlane v30, v2;
	v46 =	vld [tilespmem:s21+$0x160];
	[tilespmem:s15+$0x14620] =	vst v23;
	v20 =	vmul.f32 v43, v20  }
0x124: {  	[tilespmem:s15+$0x14460] =	vst v26;
	v63 =	vld [tilespmem:s16+$0xA80]  }
0x125: {  	v33 =	vld [tilespmem:s16+$0xA90];
	[tilespmem:s15+$0x144D0] =	vst v20;
	v20 =	vsel vm0, v47, v48  }
0x126: {  	v38 =	vld [tilespmem:s28+$0xF0];
	v20 =	vmul.f32 v45, v20  }
0x127: {  	v24 =	vperm.xlane v42, v11;
	v29 =	vperm.xlane v29, v15;
	v49 =	vld [tilespmem:s26+$0x160]  }
0x128: {  	v56 =	vperm.xlane v22, v5;
	v53 =	vld [tilespmem:s22+$0x170];
	[tilespmem:s15+$0x14470] =	vst v20  }
0x129: {  	v57 =	vperm.xlane v46, v6;
	v52 =	vsel vm6, v24, v29;
	v41 =	vperm.xlane v63, v10;
	v55 =	vld [tilespmem:s16+$0x480]  }
0x12a: {  	v42 =	vperm.xlane v33, v14;
	v21 =	vmul.f32 v31, v52;
	v58 =	vld [tilespmem:s30+$0x90]  }
0x12b: {  	v39 =	vld [tilespmem:s17+$0x180]  }
0x12c: {  	v44 =	vsel vm5, v41, v42;
	v45 =	vld [tilespmem:s15+$0xA8E0];
	[tilespmem:s15+$0x14730] =	vst v21;
	v21 =	vsel vm2, v56, v57  }
0x12d: {  	v46 =	vmul.f32 v34, v44;
	v57 =	vld [tilespmem:s15+$0xA960];
	v21 =	vmul.f32 v32, v21  }
0x12e: {  	v34 =	vld [tilespmem:s15+$0xAB20];
	v61 =	vperm.xlane v49, v5;
	v24 =	vperm.xlane v53, v6  }
0x12f: {  	v20 =	vld [tilespmem:s25+$0x390];
	[tilespmem:s15+$0x146A0] =	vst v46;
	v25 =	vperm.xlane v55, v3;
	v27 =	vperm.xlane v58, v4  }
0x130: {  	s18 =	sand.u32 $0x3FFFFFF8, s18;
	[tilespmem:s15+$0x14540] =	vst v21;
	v48 =	vld [tilespmem:s16+$0xB00];
	v35 =	vsel vm2, v61, v24  }
0x131: {  	v36 =	vld [tilespmem:s18+$0x3B0];
	v24 =	vperm.xlane v38, v3;
	v37 =	vsel vm1, v25, v27;
	v25 =	vperm.xlane v39, v4  }
0x132: {  	v47 =	vld [tilespmem:s21+$0x5C0];
	v21 =	vmul.f32 v60, v35  }
0x133: {  	s29 =	sadd.s32 $0x380, s19;
	v49 =	vld [tilespmem:s16+$0xB10];
	v24 =	vsel vm1, v24, v25  }
0x134: {  	s18 =	sand.u32 $0x7FFFFC00, s29;
	v55 =	vld [tilespmem:s15+$0xA9D0];
	[tilespmem:s15+$0x14550] =	vst v21;
	v24 =	vmul.f32 v45, v24  }
0x135: {  	v40 =	vld [tilespmem:s18+$0x1C0]  }
0x136: {  	v22 =	vmul.f32 v62, v37;
	v51 =	vld [tilespmem:s22+$0x5D0];
	[tilespmem:s15+$0x144E0] =	vst v24  }
0x137: {  	v53 =	vld [tilespmem:s28+$0x170]  }
0x138: {  	[tilespmem:s15+$0x144F0] =	vst v22;
	v54 =	vld [tilespmem:s17+$0x200]  }
0x139: {  	v23 =	vperm.xlane v36, v8;
	v52 =	vperm.xlane v47, v7;
	v43 =	vld [tilespmem:s30+$0x110]  }
0x13a: {  	v56 =	vld [tilespmem:s16+$0x500]  }
0x13b: {  	v61 =	vld [tilespmem:s15+$0xA970];
	v23 =	vsel vm3, v23, v52;
	v26 =	vperm.xlane v40, v8;
	v31 =	vperm.xlane v51, v7  }
0x13c: {  	v21 =	vld [tilespmem:s15+$0xAB80];
	v23 =	vmul.f32 v50, v23  }
0x13d: {  	v36 =	vld [tilespmem:s15+$0xAA40];
	v58 =	vsel vm3, v26, v31;
	v59 =	vperm.xlane v53, v5;
	v60 =	vperm.xlane v54, v6  }
0x13e: {  	v47 =	vld [tilespmem:s15+$0xA9E0];
	[tilespmem:s15+$0x145C0] =	vst v23;
	v23 =	vmul.f32 v55, v58  }
0x13f: {  	v62 =	vld [tilespmem:s21+$0x640];
	v27 =	vperm.xlane v56, v5;
	v28 =	vperm.xlane v43, v6;
	v26 =	vsel vm2, v59, v60  }
0x140: {  	s30 =	sadd.s32 $0x480, s19;
	v63 =	vld [tilespmem:s21+$0x650];
	[tilespmem:s15+$0x145D0] =	vst v23;
	v37 =	vmul.f32 v57, v26  }
0x141: {  	s31 =	sadd.s32 $0x300, s17;
	s18 =	sand.u32 $0x7FFFFE00, s30;
	v27 =	vsel vm2, v27, v28;
	v38 =	vld [tilespmem:s22+$0x650]  }
0x142: {  	s21 =	sand.u32 $0x7FFFFC00, s31;
	v39 =	vld [tilespmem:s18+$0x60];
	v40 =	vmul.f32 v61, v27;
	[tilespmem:s15+$0x14560] =	vst v37  }
0x143: {  	s22 =	sadd.s32 $0x700, s16;
	v42 =	vld [tilespmem:s21+$0x1D0]  }
0x144: {  	s24 =	sadd.s32 $0x380, s16;
	s18 =	sand.u32 $0x7FFFFC00, s22;
	[tilespmem:s15+$0x14570] =	vst v40;
	v43 =	vld [tilespmem:s28+$0x5E0]  }
0x145: {  	s25 =	sand.u32 $0x1FC00, s24;
	v41 =	vperm.xlane v48, v11;
	v25 =	vperm.xlane v49, v15;
	v45 =	vld [tilespmem:s18+$0x1E0]  }
0x146: {  	v46 =	vld [tilespmem:s25+$0x5F0]  }
0x147: {  	v52 =	vld [tilespmem:s15+$0xAA50];
	v44 =	vsel vm6, v41, v25  }
0x148: {  	v22 =	vld [tilespmem:s16+$0xB80];
	v27 =	vmul.f32 v34, v44  }
0x149: {  	v50 =	vld [tilespmem:s15+$0xA9F0];
	v48 =	vperm.xlane v42, v8;
	v49 =	vperm.xlane v43, v7  }
0x14a: {  	v58 =	vld [tilespmem:s15+$0xAA60];
	v32 =	vperm.xlane v62, v9;
	v24 =	vperm.xlane v63, v13  }
0x14b: {  	v23 =	vld [tilespmem:s15+$0xAB90];
	[tilespmem:s15+$0x14720] =	vst v27;
	v25 =	vperm.xlane v45, v8;
	v51 =	vperm.xlane v46, v7;
	v27 =	vsel vm3, v48, v49  }
0x14c: {  	v61 =	vld [tilespmem:s15+$0xAA70];
	v24 =	vsel vm4, v32, v24;
	v27 =	vmul.f32 v47, v27  }
0x14d: {  	v29 =	vmul.f32 v36, v24;
	v24 =	vld [tilespmem:s15+$0xABA0];
	v25 =	vsel vm3, v25, v51  }
0x14e: {  	v36 =	vld [tilespmem:s15+$0xAAC0];
	v25 =	vmul.f32 v50, v25;
	[tilespmem:s15+$0x145E0] =	vst v27  }
0x14f: {  	v27 =	vld [tilespmem:s28+$0x660]  }
0x150: {  	[tilespmem:s15+$0x145F0] =	vst v25;
	v53 =	vld [tilespmem:s28+$0x670]  }
0x151: {  	s26 =	sand.u32 $0x3FFFFFF8, s24;
	v54 =	vperm.xlane v38, v9;
	v55 =	vperm.xlane v39, v13;
	v56 =	vld [tilespmem:s25+$0x670]  }
0x152: {  	v57 =	vld [tilespmem:s26+$0x680]  }
0x153: {  	v32 =	vld [tilespmem:s16+$0xB80];
	v25 =	vsel vm4, v54, v55  }
0x154: {  	v35 =	vld [tilespmem:s16+$0xB90];
	[tilespmem:s15+$0x14640] =	vst v29;
	v25 =	vmul.f32 v52, v25  }
0x155: {  	v29 =	vld [tilespmem:s16+$0xAA0];
	v27 =	vperm.xlane v27, v9;
	v60 =	vperm.xlane v53, v13  }
0x156: {  	v59 =	vld [tilespmem:s16+$0xAB0];
	s28 =	sadd.s32 $0x700, s19  }
0x157: {  	v37 =	vld [tilespmem:s15+$0xAAD0];
	[tilespmem:s15+$0x14650] =	vst v25;
	s19 =	sadd.s32 $0x780, s19;
	s18 =	sand.u32 $0x7FFFFC00, s28;
	v28 =	vperm.xlane v56, v9;
	v62 =	vperm.xlane v57, v13;
	v27 =	vsel vm4, v27, v60  }
0x158: {  	s19 =	sand.u32 $0x7FFFFC00, s19;
	v25 =	vld [tilespmem:s18+$0x2B0];
	v26 =	vmul.f32 v58, v27  }
0x159: {  	s17 =	sadd.s32 $0x700, s17;
	v63 =	vld [tilespmem:s19+$0x2C0];
	v28 =	vsel vm4, v28, v62  }
0x15a: {  	s17 =	sand.u32 $0x7FFFFC00, s17;
	v38 =	vmul.f32 v61, v28;
	v27 =	vld [tilespmem:s20+$0x3A0];
	[tilespmem:s15+$0x14660] =	vst v26  }
0x15b: {  	s29 =	sadd.s32 $0xA80, s16;
	v29 =	vperm.xlane v29, v10;
	v34 =	vperm.xlane v59, v14;
	v40 =	vld [tilespmem:s17+$0x2C0]  }
0x15c: {  	s30 =	sadd.s32 $0xB00, s16;
	[tilespmem:s15+$0x14670] =	vst v38;
	s20 =	sand.u32 $0x7FFFFC00, s29;
	v41 =	vld [tilespmem:s17+$0x2D0]  }
0x15d: {  	s21 =	sand.u32 $0x7FFFFC00, s30;
	v39 =	vsel vm5, v29, v34;
	v43 =	vld [tilespmem:s20+$0x2D0]  }
0x15e: {  	v28 =	vmul.f32 v36, v39;
	v44 =	vld [tilespmem:s21+$0x2E0]  }
0x15f: {  	v45 =	vld [tilespmem:s15+$0xAAE0];
	v25 =	vperm.xlane v25, v10;
	v42 =	vperm.xlane v63, v14  }
0x160: {  	v47 =	vld [tilespmem:s15+$0xAAF0]  }
0x161: {  	v54 =	vld [tilespmem:s15+$0xAB50];
	[tilespmem:s15+$0x146C0] =	vst v28;
	v25 =	vsel vm5, v25, v42;
	v29 =	vperm.xlane v40, v10;
	v46 =	vperm.xlane v41, v14  }
0x162: {  	v28 =	vld [tilespmem:s16+$0xB20];
	v25 =	vmul.f32 v37, v25  }
0x163: {  	v48 =	vld [tilespmem:s16+$0xB30];
	v50 =	vperm.xlane v43, v10;
	v51 =	vperm.xlane v44, v14;
	v49 =	vsel vm5, v29, v46  }
0x164: {  	v37 =	vld [tilespmem:s15+$0xAB40];
	[tilespmem:s15+$0x146D0] =	vst v25;
	v25 =	vmul.f32 v45, v49  }
0x165: {  	v52 =	vld [tilespmem:s18+$0x330];
	v29 =	vsel vm5, v50, v51  }
0x166: {  	v53 =	vld [tilespmem:s19+$0x340];
	v55 =	vmul.f32 v47, v29;
	[tilespmem:s15+$0x146E0] =	vst v25  }
0x167: {  	v57 =	vld [tilespmem:s17+$0x340]  }
0x168: {  	[tilespmem:s15+$0x146F0] =	vst v55;
	v58 =	vld [tilespmem:s17+$0x350]  }
0x169: {  	v28 =	vperm.xlane v28, v11;
	v56 =	vperm.xlane v48, v15;
	v60 =	vld [tilespmem:s20+$0x350]  }
0x16a: {  	v61 =	vld [tilespmem:s21+$0x360]  }
0x16b: {  	v62 =	vld [tilespmem:s15+$0xAB60];
	v59 =	vsel vm6, v28, v56;
	v33 =	vperm.xlane v52, v11;
	v26 =	vperm.xlane v53, v15  }
0x16c: {  	v63 =	vld [tilespmem:s15+$0xABB0];
	v25 =	vmul.f32 v37, v59  }
0x16d: {  	v43 =	vld [tilespmem:s15+$0xAB70];
	v40 =	vsel vm6, v33, v26;
	v41 =	vperm.xlane v57, v11;
	v42 =	vperm.xlane v58, v15  }
0x16e: {  	v47 =	vld [tilespmem:s15+$0xABC0];
	[tilespmem:s15+$0x14740] =	vst v25;
	v25 =	vmul.f32 v54, v40  }
0x16f: {  	v44 =	vld [tilespmem:s16+$0xBA0];
	v28 =	vperm.xlane v60, v11;
	v29 =	vperm.xlane v61, v15;
	v26 =	vsel vm6, v41, v42  }
0x170: {  	v45 =	vld [tilespmem:s16+$0xBB0];
	[tilespmem:s15+$0x14750] =	vst v25;
	v46 =	vmul.f32 v62, v26  }
0x171: {  	v17 =	vperm.xlane v17, v12;
	v18 =	vperm.xlane v18, v16;
	v48 =	vld [tilespmem:s18+$0x3B0];
	v28 =	vsel vm6, v28, v29  }
0x172: {  	v19 =	vperm.xlane v19, v12;
	v49 =	vld [tilespmem:s19+$0x3C0];
	v28 =	vmul.f32 v43, v28;
	[tilespmem:s15+$0x14760] =	vst v46  }
0x173: {  	v17 =	vsel vm7, v17, v18;
	v18 =	vperm.xlane v20, v12;
	v22 =	vperm.xlane v22, v16;
	v51 =	vld [tilespmem:s17+$0x3C0]  }
0x174: {  	v17 =	vmul.f32 v21, v17;
	v52 =	vperm.xlane v27, v16;
	[tilespmem:s15+$0x14770] =	vst v28;
	v53 =	vld [tilespmem:s17+$0x3D0]  }
0x175: {  	v19 =	vsel vm7, v19, v22;
	v32 =	vperm.xlane v32, v12;
	v50 =	vperm.xlane v35, v16;
	v56 =	vld [tilespmem:s20+$0x3D0]  }
0x176: {  	v18 =	vsel vm7, v18, v52;
	v54 =	vperm.xlane v44, v12;
	v55 =	vperm.xlane v45, v16;
	v58 =	vld [tilespmem:s21+$0x3E0]  }
0x177: {  	v19 =	vmul.f32 v23, v19;
	v18 =	vmul.f32 v63, v18;
	v57 =	vsel vm7, v32, v50;
	v60 =	vld [tilespmem:s15+$0xABD0]  }
0x178: {  	[tilespmem:s15+$0x14780] =	vst v17;
	v61 =	vld [tilespmem:s15+$0xABE0];
	v21 =	vmul.f32 v24, v57;
	v59 =	vsel vm7, v54, v55;
	v17 =	vperm.xlane v48, v12  }
0x179: {  	v62 =	vld [tilespmem:s15+$0xABF0];
	v25 =	vperm.xlane v49, v16;
	v20 =	vmul.f32 v47, v59  }
0x17a: {  	[tilespmem:s15+$0x14790] =	vst v19;
	v19 =	vperm.xlane v51, v12;
	v27 =	vperm.xlane v53, v16  }
0x17b: {  	p1 =	slt.u32 s14, $0x130;
	[tilespmem:s15+$0x147B0] =	vst v18;
	v17 =	vsel vm7, v17, v25;
	v63 =	vperm.xlane v56, v12;
	v23 =	vperm.xlane v58, v16  }
.Ltmp0:
0x17c: {  	[tilespmem:s15+$0x147A0] =	vst v21;
	v17 =	vmul.f32 v60, v17;
	v18 =	vsel vm7, v19, v27;
	(pc) =	sbr.rel @p1 .LBB2_2-.Ltmp0, $4  }
0x17d: {  	[tilespmem:s15+$0x147C0] =	vst v20;
	v19 =	vsel vm7, v63, v23;
	v18 =	vmul.f32 v61, v18  }
0x17e: {  	[tilespmem:s15+$0x147D0] =	vst v17;
	v17 =	vmul.f32 v62, v19  }
0x17f: {  	s31 =	sadd.s32 $0x8, s14;
	[tilespmem:s15+$0x147E0] =	vst v18  }
0x180: {  	s14 =	smov.u32 s31;
	[tilespmem:s15+$0x147F0] =	vst v17  }
0x181: {  	s14 =	simm.s32 @p0 $0x0;
	s15 =	simm.s32 @p0 $0x14400  }
0x182: {  	[hbm4b:s7+s14] =	stream.linear.scatter @p0 [tilespmem:s15], [sflag:$0x2], $0x9800, $0x38;
	[tilespmem:$0x1E000] =	vst v63  }
0x183: {  	s14 =	simm.s32 @p0 $0x2  }
0x184: {  	_ =	swait.ge @p0 [sflag:s14], $0x9800  }
0x185: {  	s13 =	sadd.s32 $0x1, s13;
	s15 =	simm.s32 @!p0 $0x14400;
	[sflag:s14] =	ssyncset.done @p0 $0x0  }
0x186: {  	p1 =	sne.s32 s13, s8;
	[sflag:s14] =	ssyncadd.s32 @p0 $0xFFFF6800;
	s14 =	simm.s32 @!p0 $0x0  }
0x187: {  	[hbm4b:s6+s14] =	stream.linear.scatter @!p0 [tilespmem:s15], [sflag:$0x2], $0x9C00, $0x38;
	[tilespmem:$0x1E000] =	vst v63  }
.Ltmp1:
0x188: {  	_ = 	snop;
	(pc) =	sbr.rel @p1 .LBB2_1-.Ltmp1, $4  }
0x189: {  	s14 =	simm.s32 @!p0 $0x2  }
0x18a: {  	_ =	swait.ge @!p0 [sflag:s14], $0x9C00  }
0x18b: {  	[sflag:s14] =	ssyncset.done @!p0 $0x0  }
0x18c: {  	[sflag:s14] =	ssyncadd.s32 @!p0 $0xFFFF6400  }
0x18d: {  	_ =	sfence.sel $0x180000  }
0x18e: {  	[bflag:$0x0] =	sbarrier.arrive $0xFFFF  }
0x18f: {  	p0 =	sne.s32 s1, $0x0;
	_ =	strace $0x90000047  }
0x190: {  	s0 =	sadd.s32 @!p0 $0x100000, s0;
	[bflag:$0x2] =	sbarrier.arrive $0xFFFF  }
0x191: {  	[sflag:s0] =	ssyncadd.tile.s32 @!p0 $0x1;
	_ =	shalt  }
.Lfunc_end2:
_tile_overlayer_lowered:
.L_overlay_start_2:
0x192: {  	(tag) =	ssettag $0x2  }
0x193: {  	s0 =	rddreg [dreg:$0x0];
	s2 =	stileid.u32  }
0x194: {  	s1 =	rddreg [dreg:$0x1];
	p0 =	sne.s32 s2, $0x0  }
0x195: {  	s3 =	rddreg [dreg:$0x2];
	[bflag:$0x3] =	sbarrier.arrive $0xFFFF;
	s2 =	simm.s32 @!p0 $0x1C02  }
0x196: {  	[timem:s3], [sflag:s2] =	dma.local @!p0 [hbm:s0], s1  }
0x197: {  	s0 =	simm.s32 @!p0 $0x2  }
0x198: {  	_ =	swait.ge @!p0 [sflag:s0], s1  }
0x199: {  	s1 =	ssub.s32 @!p0 $0x0, s1;
	[sflag:s0] =	ssyncset.done @!p0 $0x0  }
0x19a: {  	[sflag:s0] =	ssyncadd.s32 @!p0 s1  }
0x19b: {  	[bflag:$0x3] =	sbarrier.arrive $0xFFFF  }
0x19c: {  	_ =	shalt  }

</sc_bundles>
